<compile_context>
chip_gen: v7x
topology: tpu7x:2x2x1
jax: 0.10.2.dev20260603
libtpu: 0.0.44.dev20260713+nightly
codegen_flags: <defaults>
</compile_context>

<pallas_src>
import functools

import jax
import jax.numpy as jnp
from jax import lax
from jax.experimental import pallas as pl
from jax.experimental.pallas import tpu as pltpu
from jax.experimental.pallas import tpu_sc as plsc

N = 50000
E = 800000
F_IN = 630
H_DIM = 64
L = 16
NC = 2
NS = 16
NW = NC * NS
CHUNK = 128
CW = 200
E_PAD = NW * CHUNK * CW
ROWS2D = E_PAD // CHUNK
SP = 50176
OP = 64000
RPS = SP // NS
ZBR = 392

_mesh = plsc.VectorSubcoreMesh(core_axis_name="c", subcore_axis_name="s")
_sc_params = pltpu.CompilerParams(use_tc_tiling_on_sc=False)


@functools.partial(
    pl.kernel,
    mesh=_mesh,
    out_type=jax.ShapeDtypeStruct((NC * OP,), jnp.float32),
    compiler_params=_sc_params,
    scratch_types=[
        pltpu.VMEM((CW, CHUNK), jnp.int32),
        pltpu.VMEM((CHUNK,), jnp.float32),
        pltpu.VMEM((RPS,), jnp.float32),
        pltpu.VMEM_SHARED((SP,), jnp.float32),
    ],
)
def _deg_call(dst_hbm, zeros_hbm, out_hbm, dst_v, ones_v, stage_v, acc_sh):
    c = lax.axis_index("c")
    s = lax.axis_index("s")
    wid = s * NC + c
    pltpu.sync_copy(dst_hbm.at[pl.ds(wid * CW, CW)], dst_v)
    for j in range(CHUNK // 16):
        ones_v[pl.ds(j * 16, 16)] = jnp.ones((16,), jnp.float32)
    pltpu.sync_copy(zeros_hbm, stage_v)
    pltpu.sync_copy(stage_v, acc_sh.at[pl.ds(s * RPS, RPS)])
    plsc.subcore_barrier()

    def body(j, carry):
        pltpu.sync_copy(ones_v, acc_sh.at[dst_v.at[j]], add=True)
        return carry

    lax.fori_loop(0, CW, body, 0)
    plsc.subcore_barrier()
    pltpu.sync_copy(acc_sh.at[pl.ds(s * RPS, RPS)], stage_v)
    pltpu.sync_copy(stage_v, out_hbm.at[pl.ds(c * OP + s * RPS, RPS)])


@functools.partial(
    pl.kernel,
    mesh=_mesh,
    out_type=jax.ShapeDtypeStruct((NC * OP, L), jnp.float32),
    compiler_params=_sc_params,
    scratch_types=[
        pltpu.VMEM((CW, CHUNK), jnp.int32),
        pltpu.VMEM((CW, CHUNK), jnp.int32),
        [pltpu.VMEM((CHUNK, L), jnp.float32)] * 8,
        pltpu.VMEM((ZBR, L), jnp.float32),
        pltpu.VMEM_SHARED((SP, L), jnp.float32),
        [pltpu.SemaphoreType.DMA] * 8,
        [pltpu.SemaphoreType.DMA] * 8,
    ],
)
def _scatter_call(src_hbm, dst_hbm, b_hbm, zeros_hbm, out_hbm,
                  src_v, dst_v, rows, zb, acc_sh, sems, ssems):
    c = lax.axis_index("c")
    s = lax.axis_index("s")
    wid = s * NC + c
    pltpu.sync_copy(src_hbm.at[pl.ds(wid * CW, CW)], src_v)
    pltpu.sync_copy(dst_hbm.at[pl.ds(wid * CW, CW)], dst_v)
    pltpu.sync_copy(zeros_hbm, zb)
    for k in range(RPS // ZBR):
        pltpu.sync_copy(zb, acc_sh.at[pl.ds(s * RPS + k * ZBR, ZBR)])
    plsc.subcore_barrier()

    for q in range(8):
        pltpu.async_copy(b_hbm.at[src_v.at[q]], rows[q], sems[q])

    def body(i, carry):
        j = 8 * i
        for q in range(8):
            pltpu.make_async_copy(b_hbm.at[src_v.at[j + q]], rows[q],
                                  sems[q]).wait()
            pltpu.async_copy(rows[q], acc_sh.at[dst_v.at[j + q]], ssems[q],
                             add=True)
        for q in range(8):
            pltpu.make_async_copy(rows[q], acc_sh.at[dst_v.at[j + q]],
                                  ssems[q]).wait()
            pltpu.async_copy(b_hbm.at[src_v.at[j + q + 8]], rows[q], sems[q])
        return carry

    lax.fori_loop(0, CW // 8 - 1, body, 0)
    for q in range(8):
        j = CW - 8 + q
        pltpu.make_async_copy(b_hbm.at[src_v.at[j]], rows[q], sems[q]).wait()
        pltpu.async_copy(rows[q], acc_sh.at[dst_v.at[j]], ssems[q], add=True)
    for q in range(8):
        j = CW - 8 + q
        pltpu.make_async_copy(rows[q], acc_sh.at[dst_v.at[j]], ssems[q]).wait()
    plsc.subcore_barrier()
    for k in range(RPS // ZBR):
        pltpu.sync_copy(acc_sh.at[pl.ds(s * RPS + k * ZBR, ZBR)], zb)
        pltpu.sync_copy(zb, out_hbm.at[pl.ds(c * OP + s * RPS + k * ZBR, ZBR)])


BA = 2000


def _a_body(x_ref, wa_ref, d0_ref, d1_ref, a_ref, b_ref):
    xb = x_ref[...]
    a16 = (jnp.dot(xb, wa_ref[0:F_IN, :], preferred_element_type=jnp.float32)
           + wa_ref[F_IN:F_IN + 1, :])
    a_ref[...] = a16
    deg = d0_ref[...] + d1_ref[...]
    dinv = jnp.where(deg > 0, lax.rsqrt(deg), 0.0)
    b_ref[...] = a16 * dinv


def _a_call(x, wa, d0, d1):
    return pl.pallas_call(
        _a_body,
        grid=(N // BA,),
        in_specs=[
            pl.BlockSpec((BA, F_IN), lambda i: (i, 0)),
            pl.BlockSpec((F_IN + 2, L), lambda i: (0, 0)),
            pl.BlockSpec((BA, 1), lambda i: (i, 0)),
            pl.BlockSpec((BA, 1), lambda i: (i + OP // BA, 0)),
        ],
        out_specs=[
            pl.BlockSpec((BA, L), lambda i: (i, 0)),
            pl.BlockSpec((BA, L), lambda i: (i, 0)),
        ],
        out_shape=[
            jax.ShapeDtypeStruct((N, L), jnp.float32),
            jax.ShapeDtypeStruct((N, L), jnp.float32),
        ],
    )(x, wa, d0, d1)


def _e_body(a_ref, p0_ref, p1_ref, d0_ref, d1_ref, w0z_ref, w1z_ref,
            bz_ref, w0h_ref, w1h_ref, bh_ref, wl_ref, bl_ref, o_ref):
    a = a_ref[...]
    deg = d0_ref[...] + d1_ref[...]
    dinv = jnp.where(deg > 0, lax.rsqrt(deg), 0.0)
    T = -(p0_ref[...] + p1_ref[...]) * dinv
    Z = jax.nn.sigmoid(
        jnp.dot(a, w0z_ref[...], preferred_element_type=jnp.float32)
        + jnp.dot(T, w1z_ref[...], preferred_element_type=jnp.float32)
        + bz_ref[0:1, :])
    Ht = jnp.tanh(
        jnp.dot(a, w0h_ref[...], preferred_element_type=jnp.float32)
        + jnp.dot(T, w1h_ref[...], preferred_element_type=jnp.float32)
        + bh_ref[0:1, :])
    h = jnp.maximum((1.0 - Z) * Ht, 0.0)
    o_ref[...] = jax.nn.sigmoid(
        jnp.dot(h, wl_ref[...], preferred_element_type=jnp.float32)
        + bl_ref[0:1, :])


def _e_call(a16, p0, p1, d0, d1, w0z, w1z, bz, w0h, w1h, bh, wl, bl):
    return pl.pallas_call(
        _e_body,
        grid=(N // BA,),
        in_specs=[
            pl.BlockSpec((BA, L), lambda i: (i, 0)),
            pl.BlockSpec((BA, L), lambda i: (i, 0)),
            pl.BlockSpec((BA, L), lambda i: (i + OP // BA, 0)),
            pl.BlockSpec((BA, 1), lambda i: (i, 0)),
            pl.BlockSpec((BA, 1), lambda i: (i + OP // BA, 0)),
            pl.BlockSpec((L, H_DIM), lambda i: (0, 0)),
            pl.BlockSpec((L, H_DIM), lambda i: (0, 0)),
            pl.BlockSpec((8, H_DIM), lambda i: (0, 0)),
            pl.BlockSpec((L, H_DIM), lambda i: (0, 0)),
            pl.BlockSpec((L, H_DIM), lambda i: (0, 0)),
            pl.BlockSpec((8, H_DIM), lambda i: (0, 0)),
            pl.BlockSpec((H_DIM, 1), lambda i: (0, 0)),
            pl.BlockSpec((8, 1), lambda i: (0, 0)),
        ],
        out_specs=pl.BlockSpec((BA, 1), lambda i: (i, 0)),
        out_shape=jax.ShapeDtypeStruct((N, 1), jnp.float32),
    )(a16, p0, p1, d0, d1, w0z, w1z, bz, w0h, w1h, bh, wl, bl)


def _pad16(w):
    return jnp.zeros((L, H_DIM), jnp.float32).at[:10, :].set(w)


def kernel(x, edge_index, Wm, bm, W0_xz, W1_xz, b_xz, W0_hz, W1_hz, b_hz,
           W0_xr, W1_xr, b_xr, W0_hr, W1_hr, b_hr, W0_xh, W1_xh, b_xh,
           W0_hh, W1_hh, b_hh, Wl, bl):
    src = edge_index[0]
    dst = edge_index[1]
    src_p = jnp.concatenate(
        [src, jnp.zeros((E_PAD - E,), jnp.int32)]).reshape(ROWS2D, CHUNK)
    pad_dst = N + (jnp.arange(E_PAD - E, dtype=jnp.int32) % (SP - N))
    dst_p = jnp.concatenate([dst, pad_dst]).reshape(ROWS2D, CHUNK)

    zeros_n = jnp.zeros((RPS,), jnp.float32)
    zeros_nl = jnp.zeros((ZBR, L), jnp.float32)

    deg2 = _deg_call(dst_p, zeros_n)
    dd = deg2.reshape(NC * OP, 1)

    wa = jnp.zeros((F_IN + 2, L), jnp.float32)
    wa = wa.at[0:314, 0:4].set(Wm)
    wa = wa.at[314, 4].set(1.0)
    wa = wa.at[315:629, 5:9].set(Wm)
    wa = wa.at[629, 9].set(1.0)
    wa = wa.at[630, 0:4].set(bm)
    wa = wa.at[630, 5:9].set(bm)

    a16, b16 = _a_call(x, wa, dd, dd)

    acc = _scatter_call(src_p, dst_p, b16, zeros_nl)

    bz = jnp.tile((b_xz + b_hz).reshape(1, H_DIM), (8, 1))
    bh = jnp.tile((b_xh + b_hh).reshape(1, H_DIM), (8, 1))
    bl2 = jnp.tile(bl.reshape(1, 1), (8, 1))
    return _e_call(a16, acc, acc, dd, dd,
                   _pad16(W0_xz), _pad16(W1_xz), bz,
                   _pad16(W0_xh), _pad16(W1_xh), bh,
                   Wl, bl2)

# --- scband reference (transcript-rebuilt; emitter-appended) ---
"""Pipeline reference for scband-recurrent-gcn-79568564126311 (READ-ONLY COPY).

The authoritative reference and input builder live on the scoring server;
editing this copy changes nothing except your own understanding.
"""

import jax, jax.numpy as jnp
import numpy as np

N = 50000
E = 800000
F_IN = 630
H_DIM = 64


def _cheb(x, W0, W1, b, src, dst, norm):
    # ChebConv with K=2, sym normalization, lambda_max=2:
    # Tx0 = x ; Tx1 = L_hat x = -D^{-1/2} A D^{-1/2} x
    Tx1 = jax.ops.segment_sum(x[src] * norm[:, None], dst, num_segments=N)
    return x @ W0 + Tx1 @ W1 + b


def setup_inputs(seed: int = 0):
    key = jax.random.key(seed)
    ks = jax.random.split(key, 30)
    inp = {}
    inp['x'] = jax.random.normal(ks[0], (N, F_IN), dtype=jnp.float32)
    inp['edge_index'] = jax.random.randint(ks[1], (2, E), 0, N, dtype=jnp.int32)
    inp['Wm'] = jax.random.normal(ks[2], (314, 4), dtype=jnp.float32) * 0.05
    inp['bm'] = jnp.zeros((4,), jnp.float32)
    names = ['xz', 'hz', 'xr', 'hr', 'xh', 'hh']
    ins = [10, H_DIM, 10, H_DIM, 10, H_DIM]
    for i, (nm, di) in enumerate(zip(names, ins)):
        inp['W0_' + nm] = jax.random.normal(ks[3 + 3 * i], (di, H_DIM), dtype=jnp.float32) * 0.05
        inp['W1_' + nm] = jax.random.normal(ks[4 + 3 * i], (di, H_DIM), dtype=jnp.float32) * 0.05
        inp['b_' + nm] = jnp.zeros((H_DIM,), jnp.float32)
    inp['Wl'] = jax.random.normal(ks[25], (H_DIM, 1), dtype=jnp.float32) * 0.05
    inp['bl'] = jnp.zeros((1,), jnp.float32)
    return inp


def reference(x, edge_index, Wm, bm, W0_xz, W1_xz, b_xz, W0_hz, W1_hz, b_hz, W0_xr, W1_xr, b_xr, W0_hr, W1_hr, b_hr, W0_xh, W1_xh, b_xh, W0_hh, W1_hh, b_hh, Wl, bl):
    src = edge_index[0]
    dst = edge_index[1]
    deg = jax.ops.segment_sum(jnp.ones((E,), jnp.float32), dst, num_segments=N)
    dinv = jnp.where(deg > 0, 1.0 / jnp.sqrt(deg), 0.0)
    norm = -dinv[src] * dinv[dst]
    # feature preprocessing: shared Linear(314, 4) applied to two slices
    v0 = x[:, 0:314] @ Wm + bm
    v1 = x[:, 315:629] @ Wm + bm
    a = jnp.concatenate([v0, x[:, 314:315], v1, x[:, 629:630]], axis=1)  # [N, 10]
    # GConvGRU(10, 64, K=2) single step with H0 = 0
    H = jnp.zeros((N, H_DIM), jnp.float32)
    Z = jax.nn.sigmoid(_cheb(a, W0_xz, W1_xz, b_xz, src, dst, norm) + _cheb(H, W0_hz, W1_hz, b_hz, src, dst, norm))
    R = jax.nn.sigmoid(_cheb(a, W0_xr, W1_xr, b_xr, src, dst, norm) + _cheb(H, W0_hr, W1_hr, b_hr, src, dst, norm))
    Ht = jnp.tanh(_cheb(a, W0_xh, W1_xh, b_xh, src, dst, norm) + _cheb(H * R, W0_hh, W1_hh, b_hh, src, dst, norm))
    H = Z * H + (1.0 - Z) * Ht
    h = jax.nn.relu(H)
    return jax.nn.sigmoid(h @ Wl + bl)

if __name__ == "__main__":
    import jax
    _d = setup_inputs()
    print(jax.jit(kernel)(*tuple(_d.values())))

</pallas_src>

<mosaic_0001>
#map = affine_map<(d0, d1) -> (0, 0)>
module attributes {stable_mosaic.version = 14 : i64} {
  func.func @_scatter_call(%arg0: i32, %arg1: i32, %arg2: memref<6400x128xi32, #tpu.memory_space<hbm>>, %arg3: memref<6400x128xi32, #tpu.memory_space<hbm>>, %arg4: memref<50000x16xf32, #tpu.memory_space<hbm>>, %arg5: memref<392x16xf32, #tpu.memory_space<hbm>>, %arg6: memref<128000x16xf32, #tpu.memory_space<hbm>>, %arg7: memref<200x128xi32, #tpu.memory_space<vmem>>, %arg8: memref<200x128xi32, #tpu.memory_space<vmem>>, %arg9: memref<128x16xf32, #tpu.memory_space<vmem>>, %arg10: memref<128x16xf32, #tpu.memory_space<vmem>>, %arg11: memref<128x16xf32, #tpu.memory_space<vmem>>, %arg12: memref<128x16xf32, #tpu.memory_space<vmem>>, %arg13: memref<128x16xf32, #tpu.memory_space<vmem>>, %arg14: memref<128x16xf32, #tpu.memory_space<vmem>>, %arg15: memref<128x16xf32, #tpu.memory_space<vmem>>, %arg16: memref<128x16xf32, #tpu.memory_space<vmem>>, %arg17: memref<392x16xf32, #tpu.memory_space<vmem>>, %arg18: memref<50176x16xf32, #tpu.memory_space<vmem_shared>>, %arg19: memref<!tpu.dma_semaphore, #tpu.memory_space<semaphore_mem>>, %arg20: memref<!tpu.dma_semaphore, #tpu.memory_space<semaphore_mem>>, %arg21: memref<!tpu.dma_semaphore, #tpu.memory_space<semaphore_mem>>, %arg22: memref<!tpu.dma_semaphore, #tpu.memory_space<semaphore_mem>>, %arg23: memref<!tpu.dma_semaphore, #tpu.memory_space<semaphore_mem>>, %arg24: memref<!tpu.dma_semaphore, #tpu.memory_space<semaphore_mem>>, %arg25: memref<!tpu.dma_semaphore, #tpu.memory_space<semaphore_mem>>, %arg26: memref<!tpu.dma_semaphore, #tpu.memory_space<semaphore_mem>>, %arg27: memref<!tpu.dma_semaphore, #tpu.memory_space<semaphore_mem>>, %arg28: memref<!tpu.dma_semaphore, #tpu.memory_space<semaphore_mem>>, %arg29: memref<!tpu.dma_semaphore, #tpu.memory_space<semaphore_mem>>, %arg30: memref<!tpu.dma_semaphore, #tpu.memory_space<semaphore_mem>>, %arg31: memref<!tpu.dma_semaphore, #tpu.memory_space<semaphore_mem>>, %arg32: memref<!tpu.dma_semaphore, #tpu.memory_space<semaphore_mem>>, %arg33: memref<!tpu.dma_semaphore, #tpu.memory_space<semaphore_mem>>, %arg34: memref<!tpu.dma_semaphore, #tpu.memory_space<semaphore_mem>>) attributes {dimension_semantics = [#tpu.dimension_semantics<core_parallel>, #tpu.dimension_semantics<subcore_parallel>], iteration_bounds = array<i64: 2, 16>, scalar_prefetch = 0 : i64, scratch_operands = 28 : i64, tpu.core_type = #tpu.core_type<sc_vector_subcore>, window_params = [{transform_indices = #map}, {transform_indices = #map}, {transform_indices = #map}, {transform_indices = #map}, {transform_indices = #map}]} {
    %mul3A = arith.constant 2 : i32
    %mul3A_0 = arith.muli %arg1, %mul3A : i32
    %add3A = arith.addi %mul3A_0, %arg0 : i32
    %mul3A_1 = arith.constant 200 : i32
    %mul3A_2 = arith.muli %add3A, %mul3A_1 : i32
    "tpu.region"() ({
      %run_scoped3A = tpu.sem_alloc : memref<!tpu.dma_semaphore, #tpu.memory_space<semaphore_mem>>
      %dma_start3A_353 = arith.constant 0 : i32
      %dma_start3A_354 = tpu.memref_slice %arg2[%mul3A_2, %dma_start3A_353] : memref<6400x128xi32, #tpu.memory_space<hbm>> -> memref<200x128xi32, #tpu.memory_space<hbm>>
      %dma_start3A_355 = arith.constant 0 : i32
      %dma_start3A_356 = tpu.memref_slice %arg2[%mul3A_2, %dma_start3A_355] : memref<6400x128xi32, #tpu.memory_space<hbm>> -> memref<200x128xi32, #tpu.memory_space<hbm>>
      tpu.enqueue_dma source(%dma_start3A_356 : memref<200x128xi32, #tpu.memory_space<hbm>>) target(%arg7 : memref<200x128xi32, #tpu.memory_space<vmem>>) target_semaphore(%run_scoped3A : memref<!tpu.dma_semaphore, #tpu.memory_space<semaphore_mem>>)
      %dma_wait3A_357 = arith.constant 0 : i32
      %dma_wait3A_358 = tpu.memref_slice %arg2[%mul3A_2, %dma_wait3A_357] : memref<6400x128xi32, #tpu.memory_space<hbm>> -> memref<200x128xi32, #tpu.memory_space<hbm>>
      %dma_wait3A_359 = arith.constant 0 : i32
      %dma_wait3A_360 = tpu.memref_slice %arg2[%mul3A_2, %dma_wait3A_359] : memref<6400x128xi32, #tpu.memory_space<hbm>> -> memref<200x128xi32, #tpu.memory_space<hbm>>
      tpu.wait_dma2 semaphore(%run_scoped3A : memref<!tpu.dma_semaphore, #tpu.memory_space<semaphore_mem>>) src(%dma_wait3A_360 : memref<200x128xi32, #tpu.memory_space<hbm>>) dst(%arg7 : memref<200x128xi32, #tpu.memory_space<vmem>>)
      tpu.yield
    }) : () -> ()
    %mul3A_3 = arith.constant 200 : i32
    %mul3A_4 = arith.muli %add3A, %mul3A_3 : i32
    "tpu.region"() ({
      %run_scoped3A = tpu.sem_alloc : memref<!tpu.dma_semaphore, #tpu.memory_space<semaphore_mem>>
      %dma_start3A_353 = arith.constant 0 : i32
      %dma_start3A_354 = tpu.memref_slice %arg3[%mul3A_4, %dma_start3A_353] : memref<6400x128xi32, #tpu.memory_space<hbm>> -> memref<200x128xi32, #tpu.memory_space<hbm>>
      %dma_start3A_355 = arith.constant 0 : i32
      %dma_start3A_356 = tpu.memref_slice %arg3[%mul3A_4, %dma_start3A_355] : memref<6400x128xi32, #tpu.memory_space<hbm>> -> memref<200x128xi32, #tpu.memory_space<hbm>>
      tpu.enqueue_dma source(%dma_start3A_356 : memref<200x128xi32, #tpu.memory_space<hbm>>) target(%arg8 : memref<200x128xi32, #tpu.memory_space<vmem>>) target_semaphore(%run_scoped3A : memref<!tpu.dma_semaphore, #tpu.memory_space<semaphore_mem>>)
      %dma_wait3A_357 = arith.constant 0 : i32
      %dma_wait3A_358 = tpu.memref_slice %arg3[%mul3A_4, %dma_wait3A_357] : memref<6400x128xi32, #tpu.memory_space<hbm>> -> memref<200x128xi32, #tpu.memory_space<hbm>>
      %dma_wait3A_359 = arith.constant 0 : i32
      %dma_wait3A_360 = tpu.memref_slice %arg3[%mul3A_4, %dma_wait3A_359] : memref<6400x128xi32, #tpu.memory_space<hbm>> -> memref<200x128xi32, #tpu.memory_space<hbm>>
      tpu.wait_dma2 semaphore(%run_scoped3A : memref<!tpu.dma_semaphore, #tpu.memory_space<semaphore_mem>>) src(%dma_wait3A_360 : memref<200x128xi32, #tpu.memory_space<hbm>>) dst(%arg8 : memref<200x128xi32, #tpu.memory_space<vmem>>)
      tpu.yield
    }) : () -> ()
    "tpu.region"() ({
      %run_scoped3A = tpu.sem_alloc : memref<!tpu.dma_semaphore, #tpu.memory_space<semaphore_mem>>
      tpu.enqueue_dma source(%arg5 : memref<392x16xf32, #tpu.memory_space<hbm>>) target(%arg17 : memref<392x16xf32, #tpu.memory_space<vmem>>) target_semaphore(%run_scoped3A : memref<!tpu.dma_semaphore, #tpu.memory_space<semaphore_mem>>)
      tpu.wait_dma2 semaphore(%run_scoped3A : memref<!tpu.dma_semaphore, #tpu.memory_space<semaphore_mem>>) src(%arg5 : memref<392x16xf32, #tpu.memory_space<hbm>>) dst(%arg17 : memref<392x16xf32, #tpu.memory_space<vmem>>)
      tpu.yield
    }) : () -> ()
    %mul3A_5 = arith.constant 3136 : i32
    %mul3A_6 = arith.muli %arg1, %mul3A_5 : i32
    %add3A_7 = arith.constant 0 : i32
    %add3A_8 = arith.addi %mul3A_6, %add3A_7 : i32
    "tpu.region"() ({
      %run_scoped3A = tpu.sem_alloc : memref<!tpu.dma_semaphore, #tpu.memory_space<semaphore_mem>>
      %dma_start3A_353 = arith.constant 0 : i32
      %dma_start3A_354 = tpu.memref_slice %arg18[%add3A_8, %dma_start3A_353] : memref<50176x16xf32, #tpu.memory_space<vmem_shared>> -> memref<392x16xf32, #tpu.memory_space<vmem_shared>>
      %dma_start3A_355 = arith.constant 0 : i32
      %dma_start3A_356 = tpu.memref_slice %arg18[%add3A_8, %dma_start3A_355] : memref<50176x16xf32, #tpu.memory_space<vmem_shared>> -> memref<392x16xf32, #tpu.memory_space<vmem_shared>>
      tpu.enqueue_dma source(%arg17 : memref<392x16xf32, #tpu.memory_space<vmem>>) target(%dma_start3A_356 : memref<392x16xf32, #tpu.memory_space<vmem_shared>>) target_semaphore(%run_scoped3A : memref<!tpu.dma_semaphore, #tpu.memory_space<semaphore_mem>>)
      %dma_wait3A_357 = arith.constant 0 : i32
      %dma_wait3A_358 = tpu.memref_slice %arg18[%add3A_8, %dma_wait3A_357] : memref<50176x16xf32, #tpu.memory_space<vmem_shared>> -> memref<392x16xf32, #tpu.memory_space<vmem_shared>>
      %dma_wait3A_359 = arith.constant 0 : i32
      %dma_wait3A_360 = tpu.memref_slice %arg18[%add3A_8, %dma_wait3A_359] : memref<50176x16xf32, #tpu.memory_space<vmem_shared>> -> memref<392x16xf32, #tpu.memory_space<vmem_shared>>
      tpu.wait_dma2 semaphore(%run_scoped3A : memref<!tpu.dma_semaphore, #tpu.memory_space<semaphore_mem>>) src(%arg17 : memref<392x16xf32, #tpu.memory_space<vmem>>) dst(%dma_wait3A_360 : memref<392x16xf32, #tpu.memory_space<vmem_shared>>)
      tpu.yield
    }) : () -> ()
    %mul3A_9 = arith.constant 3136 : i32
    %mul3A_10 = arith.muli %arg1, %mul3A_9 : i32
    %add3A_11 = arith.constant 392 : i32
    %add3A_12 = arith.addi %mul3A_10, %add3A_11 : i32
    "tpu.region"() ({
      %run_scoped3A = tpu.sem_alloc : memref<!tpu.dma_semaphore, #tpu.memory_space<semaphore_mem>>
      %dma_start3A_353 = arith.constant 0 : i32
      %dma_start3A_354 = tpu.memref_slice %arg18[%add3A_12, %dma_start3A_353] : memref<50176x16xf32, #tpu.memory_space<vmem_shared>> -> memref<392x16xf32, #tpu.memory_space<vmem_shared>>
      %dma_start3A_355 = arith.constant 0 : i32
      %dma_start3A_356 = tpu.memref_slice %arg18[%add3A_12, %dma_start3A_355] : memref<50176x16xf32, #tpu.memory_space<vmem_shared>> -> memref<392x16xf32, #tpu.memory_space<vmem_shared>>
      tpu.enqueue_dma source(%arg17 : memref<392x16xf32, #tpu.memory_space<vmem>>) target(%dma_start3A_356 : memref<392x16xf32, #tpu.memory_space<vmem_shared>>) target_semaphore(%run_scoped3A : memref<!tpu.dma_semaphore, #tpu.memory_space<semaphore_mem>>)
      %dma_wait3A_357 = arith.constant 0 : i32
      %dma_wait3A_358 = tpu.memref_slice %arg18[%add3A_12, %dma_wait3A_357] : memref<50176x16xf32, #tpu.memory_space<vmem_shared>> -> memref<392x16xf32, #tpu.memory_space<vmem_shared>>
      %dma_wait3A_359 = arith.constant 0 : i32
      %dma_wait3A_360 = tpu.memref_slice %arg18[%add3A_12, %dma_wait3A_359] : memref<50176x16xf32, #tpu.memory_space<vmem_shared>> -> memref<392x16xf32, #tpu.memory_space<vmem_shared>>
      tpu.wait_dma2 semaphore(%run_scoped3A : memref<!tpu.dma_semaphore, #tpu.memory_space<semaphore_mem>>) src(%arg17 : memref<392x16xf32, #tpu.memory_space<vmem>>) dst(%dma_wait3A_360 : memref<392x16xf32, #tpu.memory_space<vmem_shared>>)
      tpu.yield
    }) : () -> ()
    %mul3A_13 = arith.constant 3136 : i32
    %mul3A_14 = arith.muli %arg1, %mul3A_13 : i32
    %add3A_15 = arith.constant 784 : i32
    %add3A_16 = arith.addi %mul3A_14, %add3A_15 : i32
    "tpu.region"() ({
      %run_scoped3A = tpu.sem_alloc : memref<!tpu.dma_semaphore, #tpu.memory_space<semaphore_mem>>
      %dma_start3A_353 = arith.constant 0 : i32
      %dma_start3A_354 = tpu.memref_slice %arg18[%add3A_16, %dma_start3A_353] : memref<50176x16xf32, #tpu.memory_space<vmem_shared>> -> memref<392x16xf32, #tpu.memory_space<vmem_shared>>
      %dma_start3A_355 = arith.constant 0 : i32
      %dma_start3A_356 = tpu.memref_slice %arg18[%add3A_16, %dma_start3A_355] : memref<50176x16xf32, #tpu.memory_space<vmem_shared>> -> memref<392x16xf32, #tpu.memory_space<vmem_shared>>
      tpu.enqueue_dma source(%arg17 : memref<392x16xf32, #tpu.memory_space<vmem>>) target(%dma_start3A_356 : memref<392x16xf32, #tpu.memory_space<vmem_shared>>) target_semaphore(%run_scoped3A : memref<!tpu.dma_semaphore, #tpu.memory_space<semaphore_mem>>)
      %dma_wait3A_357 = arith.constant 0 : i32
      %dma_wait3A_358 = tpu.memref_slice %arg18[%add3A_16, %dma_wait3A_357] : memref<50176x16xf32, #tpu.memory_space<vmem_shared>> -> memref<392x16xf32, #tpu.memory_space<vmem_shared>>
      %dma_wait3A_359 = arith.constant 0 : i32
      %dma_wait3A_360 = tpu.memref_slice %arg18[%add3A_16, %dma_wait3A_359] : memref<50176x16xf32, #tpu.memory_space<vmem_shared>> -> memref<392x16xf32, #tpu.memory_space<vmem_shared>>
      tpu.wait_dma2 semaphore(%run_scoped3A : memref<!tpu.dma_semaphore, #tpu.memory_space<semaphore_mem>>) src(%arg17 : memref<392x16xf32, #tpu.memory_space<vmem>>) dst(%dma_wait3A_360 : memref<392x16xf32, #tpu.memory_space<vmem_shared>>)
      tpu.yield
    }) : () -> ()
    %mul3A_17 = arith.constant 3136 : i32
    %mul3A_18 = arith.muli %arg1, %mul3A_17 : i32
    %add3A_19 = arith.constant 1176 : i32
    %add3A_20 = arith.addi %mul3A_18, %add3A_19 : i32
    "tpu.region"() ({
      %run_scoped3A = tpu.sem_alloc : memref<!tpu.dma_semaphore, #tpu.memory_space<semaphore_mem>>
      %dma_start3A_353 = arith.constant 0 : i32
      %dma_start3A_354 = tpu.memref_slice %arg18[%add3A_20, %dma_start3A_353] : memref<50176x16xf32, #tpu.memory_space<vmem_shared>> -> memref<392x16xf32, #tpu.memory_space<vmem_shared>>
      %dma_start3A_355 = arith.constant 0 : i32
      %dma_start3A_356 = tpu.memref_slice %arg18[%add3A_20, %dma_start3A_355] : memref<50176x16xf32, #tpu.memory_space<vmem_shared>> -> memref<392x16xf32, #tpu.memory_space<vmem_shared>>
      tpu.enqueue_dma source(%arg17 : memref<392x16xf32, #tpu.memory_space<vmem>>) target(%dma_start3A_356 : memref<392x16xf32, #tpu.memory_space<vmem_shared>>) target_semaphore(%run_scoped3A : memref<!tpu.dma_semaphore, #tpu.memory_space<semaphore_mem>>)
      %dma_wait3A_357 = arith.constant 0 : i32
      %dma_wait3A_358 = tpu.memref_slice %arg18[%add3A_20, %dma_wait3A_357] : memref<50176x16xf32, #tpu.memory_space<vmem_shared>> -> memref<392x16xf32, #tpu.memory_space<vmem_shared>>
      %dma_wait3A_359 = arith.constant 0 : i32
      %dma_wait3A_360 = tpu.memref_slice %arg18[%add3A_20, %dma_wait3A_359] : memref<50176x16xf32, #tpu.memory_space<vmem_shared>> -> memref<392x16xf32, #tpu.memory_space<vmem_shared>>
      tpu.wait_dma2 semaphore(%run_scoped3A : memref<!tpu.dma_semaphore, #tpu.memory_space<semaphore_mem>>) src(%arg17 : memref<392x16xf32, #tpu.memory_space<vmem>>) dst(%dma_wait3A_360 : memref<392x16xf32, #tpu.memory_space<vmem_shared>>)
      tpu.yield
    }) : () -> ()
    %mul3A_21 = arith.constant 3136 : i32
    %mul3A_22 = arith.muli %arg1, %mul3A_21 : i32
    %add3A_23 = arith.constant 1568 : i32
    %add3A_24 = arith.addi %mul3A_22, %add3A_23 : i32
    "tpu.region"() ({
      %run_scoped3A = tpu.sem_alloc : memref<!tpu.dma_semaphore, #tpu.memory_space<semaphore_mem>>
      %dma_start3A_353 = arith.constant 0 : i32
      %dma_start3A_354 = tpu.memref_slice %arg18[%add3A_24, %dma_start3A_353] : memref<50176x16xf32, #tpu.memory_space<vmem_shared>> -> memref<392x16xf32, #tpu.memory_space<vmem_shared>>
      %dma_start3A_355 = arith.constant 0 : i32
      %dma_start3A_356 = tpu.memref_slice %arg18[%add3A_24, %dma_start3A_355] : memref<50176x16xf32, #tpu.memory_space<vmem_shared>> -> memref<392x16xf32, #tpu.memory_space<vmem_shared>>
      tpu.enqueue_dma source(%arg17 : memref<392x16xf32, #tpu.memory_space<vmem>>) target(%dma_start3A_356 : memref<392x16xf32, #tpu.memory_space<vmem_shared>>) target_semaphore(%run_scoped3A : memref<!tpu.dma_semaphore, #tpu.memory_space<semaphore_mem>>)
      %dma_wait3A_357 = arith.constant 0 : i32
      %dma_wait3A_358 = tpu.memref_slice %arg18[%add3A_24, %dma_wait3A_357] : memref<50176x16xf32, #tpu.memory_space<vmem_shared>> -> memref<392x16xf32, #tpu.memory_space<vmem_shared>>
      %dma_wait3A_359 = arith.constant 0 : i32
      %dma_wait3A_360 = tpu.memref_slice %arg18[%add3A_24, %dma_wait3A_359] : memref<50176x16xf32, #tpu.memory_space<vmem_shared>> -> memref<392x16xf32, #tpu.memory_space<vmem_shared>>
      tpu.wait_dma2 semaphore(%run_scoped3A : memref<!tpu.dma_semaphore, #tpu.memory_space<semaphore_mem>>) src(%arg17 : memref<392x16xf32, #tpu.memory_space<vmem>>) dst(%dma_wait3A_360 : memref<392x16xf32, #tpu.memory_space<vmem_shared>>)
      tpu.yield
    }) : () -> ()
    %mul3A_25 = arith.constant 3136 : i32
    %mul3A_26 = arith.muli %arg1, %mul3A_25 : i32
    %add3A_27 = arith.constant 1960 : i32
    %add3A_28 = arith.addi %mul3A_26, %add3A_27 : i32
    "tpu.region"() ({
      %run_scoped3A = tpu.sem_alloc : memref<!tpu.dma_semaphore, #tpu.memory_space<semaphore_mem>>
      %dma_start3A_353 = arith.constant 0 : i32
      %dma_start3A_354 = tpu.memref_slice %arg18[%add3A_28, %dma_start3A_353] : memref<50176x16xf32, #tpu.memory_space<vmem_shared>> -> memref<392x16xf32, #tpu.memory_space<vmem_shared>>
      %dma_start3A_355 = arith.constant 0 : i32
      %dma_start3A_356 = tpu.memref_slice %arg18[%add3A_28, %dma_start3A_355] : memref<50176x16xf32, #tpu.memory_space<vmem_shared>> -> memref<392x16xf32, #tpu.memory_space<vmem_shared>>
      tpu.enqueue_dma source(%arg17 : memref<392x16xf32, #tpu.memory_space<vmem>>) target(%dma_start3A_356 : memref<392x16xf32, #tpu.memory_space<vmem_shared>>) target_semaphore(%run_scoped3A : memref<!tpu.dma_semaphore, #tpu.memory_space<semaphore_mem>>)
      %dma_wait3A_357 = arith.constant 0 : i32
      %dma_wait3A_358 = tpu.memref_slice %arg18[%add3A_28, %dma_wait3A_357] : memref<50176x16xf32, #tpu.memory_space<vmem_shared>> -> memref<392x16xf32, #tpu.memory_space<vmem_shared>>
      %dma_wait3A_359 = arith.constant 0 : i32
      %dma_wait3A_360 = tpu.memref_slice %arg18[%add3A_28, %dma_wait3A_359] : memref<50176x16xf32, #tpu.memory_space<vmem_shared>> -> memref<392x16xf32, #tpu.memory_space<vmem_shared>>
      tpu.wait_dma2 semaphore(%run_scoped3A : memref<!tpu.dma_semaphore, #tpu.memory_space<semaphore_mem>>) src(%arg17 : memref<392x16xf32, #tpu.memory_space<vmem>>) dst(%dma_wait3A_360 : memref<392x16xf32, #tpu.memory_space<vmem_shared>>)
      tpu.yield
    }) : () -> ()
    %mul3A_29 = arith.constant 3136 : i32
    %mul3A_30 = arith.muli %arg1, %mul3A_29 : i32
    %add3A_31 = arith.constant 2352 : i32
    %add3A_32 = arith.addi %mul3A_30, %add3A_31 : i32
    "tpu.region"() ({
      %run_scoped3A = tpu.sem_alloc : memref<!tpu.dma_semaphore, #tpu.memory_space<semaphore_mem>>
      %dma_start3A_353 = arith.constant 0 : i32
      %dma_start3A_354 = tpu.memref_slice %arg18[%add3A_32, %dma_start3A_353] : memref<50176x16xf32, #tpu.memory_space<vmem_shared>> -> memref<392x16xf32, #tpu.memory_space<vmem_shared>>
      %dma_start3A_355 = arith.constant 0 : i32
      %dma_start3A_356 = tpu.memref_slice %arg18[%add3A_32, %dma_start3A_355] : memref<50176x16xf32, #tpu.memory_space<vmem_shared>> -> memref<392x16xf32, #tpu.memory_space<vmem_shared>>
      tpu.enqueue_dma source(%arg17 : memref<392x16xf32, #tpu.memory_space<vmem>>) target(%dma_start3A_356 : memref<392x16xf32, #tpu.memory_space<vmem_shared>>) target_semaphore(%run_scoped3A : memref<!tpu.dma_semaphore, #tpu.memory_space<semaphore_mem>>)
      %dma_wait3A_357 = arith.constant 0 : i32
      %dma_wait3A_358 = tpu.memref_slice %arg18[%add3A_32, %dma_wait3A_357] : memref<50176x16xf32, #tpu.memory_space<vmem_shared>> -> memref<392x16xf32, #tpu.memory_space<vmem_shared>>
      %dma_wait3A_359 = arith.constant 0 : i32
      %dma_wait3A_360 = tpu.memref_slice %arg18[%add3A_32, %dma_wait3A_359] : memref<50176x16xf32, #tpu.memory_space<vmem_shared>> -> memref<392x16xf32, #tpu.memory_space<vmem_shared>>
      tpu.wait_dma2 semaphore(%run_scoped3A : memref<!tpu.dma_semaphore, #tpu.memory_space<semaphore_mem>>) src(%arg17 : memref<392x16xf32, #tpu.memory_space<vmem>>) dst(%dma_wait3A_360 : memref<392x16xf32, #tpu.memory_space<vmem_shared>>)
      tpu.yield
    }) : () -> ()
    %mul3A_33 = arith.constant 3136 : i32
    %mul3A_34 = arith.muli %arg1, %mul3A_33 : i32
    %add3A_35 = arith.constant 2744 : i32
    %add3A_36 = arith.addi %mul3A_34, %add3A_35 : i32
    "tpu.region"() ({
      %run_scoped3A = tpu.sem_alloc : memref<!tpu.dma_semaphore, #tpu.memory_space<semaphore_mem>>
      %dma_start3A_353 = arith.constant 0 : i32
      %dma_start3A_354 = tpu.memref_slice %arg18[%add3A_36, %dma_start3A_353] : memref<50176x16xf32, #tpu.memory_space<vmem_shared>> -> memref<392x16xf32, #tpu.memory_space<vmem_shared>>
      %dma_start3A_355 = arith.constant 0 : i32
      %dma_start3A_356 = tpu.memref_slice %arg18[%add3A_36, %dma_start3A_355] : memref<50176x16xf32, #tpu.memory_space<vmem_shared>> -> memref<392x16xf32, #tpu.memory_space<vmem_shared>>
      tpu.enqueue_dma source(%arg17 : memref<392x16xf32, #tpu.memory_space<vmem>>) target(%dma_start3A_356 : memref<392x16xf32, #tpu.memory_space<vmem_shared>>) target_semaphore(%run_scoped3A : memref<!tpu.dma_semaphore, #tpu.memory_space<semaphore_mem>>)
      %dma_wait3A_357 = arith.constant 0 : i32
      %dma_wait3A_358 = tpu.memref_slice %arg18[%add3A_36, %dma_wait3A_357] : memref<50176x16xf32, #tpu.memory_space<vmem_shared>> -> memref<392x16xf32, #tpu.memory_space<vmem_shared>>
      %dma_wait3A_359 = arith.constant 0 : i32
      %dma_wait3A_360 = tpu.memref_slice %arg18[%add3A_36, %dma_wait3A_359] : memref<50176x16xf32, #tpu.memory_space<vmem_shared>> -> memref<392x16xf32, #tpu.memory_space<vmem_shared>>
      tpu.wait_dma2 semaphore(%run_scoped3A : memref<!tpu.dma_semaphore, #tpu.memory_space<semaphore_mem>>) src(%arg17 : memref<392x16xf32, #tpu.memory_space<vmem>>) dst(%dma_wait3A_360 : memref<392x16xf32, #tpu.memory_space<vmem_shared>>)
      tpu.yield
    }) : () -> ()
    %barrier3A = arith.constant 0 : index
    tpu.barrier barrier_id(%barrier3A)
    %dma_start3A = arith.constant 0 : i32
    %dma_start3A_37 = arith.constant 0 : i32
    %dma_start3A_38 = tpu.memref_slice %arg7[%dma_start3A, %dma_start3A_37] : memref<200x128xi32, #tpu.memory_space<vmem>> -> memref<1x128xi32, #tpu.memory_space<vmem>>
    %dma_start3A_39 = tpu.memref_squeeze %dma_start3A_38 : memref<1x128xi32, #tpu.memory_space<vmem>> -> memref<128xi32, #tpu.memory_space<vmem>>
    %dma_start3A_40 = arith.constant 0 : i32
    %dma_start3A_41 = arith.constant 0 : i32
    %dma_start3A_42 = tpu.memref_slice %arg4[%dma_start3A_40, %dma_start3A_41] : memref<50000x16xf32, #tpu.memory_space<hbm>> -> memref<50000x16xf32, #tpu.memory_space<hbm>>
    tpu.enqueue_indirect_dma source(%dma_start3A_42 : memref<50000x16xf32, #tpu.memory_space<hbm>>) target(%arg9 : memref<128x16xf32, #tpu.memory_space<vmem>>) offsets(%dma_start3A_39 : memref<128xi32, #tpu.memory_space<vmem>>) semaphore(%arg19 : memref<!tpu.dma_semaphore, #tpu.memory_space<semaphore_mem>>)
    %dma_start3A_43 = arith.constant 1 : i32
    %dma_start3A_44 = arith.constant 0 : i32
    %dma_start3A_45 = tpu.memref_slice %arg7[%dma_start3A_43, %dma_start3A_44] : memref<200x128xi32, #tpu.memory_space<vmem>> -> memref<1x128xi32, #tpu.memory_space<vmem>>
    %dma_start3A_46 = tpu.memref_squeeze %dma_start3A_45 : memref<1x128xi32, #tpu.memory_space<vmem>> -> memref<128xi32, #tpu.memory_space<vmem>>
    %dma_start3A_47 = arith.constant 0 : i32
    %dma_start3A_48 = arith.constant 0 : i32
    %dma_start3A_49 = tpu.memref_slice %arg4[%dma_start3A_47, %dma_start3A_48] : memref<50000x16xf32, #tpu.memory_space<hbm>> -> memref<50000x16xf32, #tpu.memory_space<hbm>>
    tpu.enqueue_indirect_dma source(%dma_start3A_49 : memref<50000x16xf32, #tpu.memory_space<hbm>>) target(%arg10 : memref<128x16xf32, #tpu.memory_space<vmem>>) offsets(%dma_start3A_46 : memref<128xi32, #tpu.memory_space<vmem>>) semaphore(%arg20 : memref<!tpu.dma_semaphore, #tpu.memory_space<semaphore_mem>>)
    %dma_start3A_50 = arith.constant 2 : i32
    %dma_start3A_51 = arith.constant 0 : i32
    %dma_start3A_52 = tpu.memref_slice %arg7[%dma_start3A_50, %dma_start3A_51] : memref<200x128xi32, #tpu.memory_space<vmem>> -> memref<1x128xi32, #tpu.memory_space<vmem>>
    %dma_start3A_53 = tpu.memref_squeeze %dma_start3A_52 : memref<1x128xi32, #tpu.memory_space<vmem>> -> memref<128xi32, #tpu.memory_space<vmem>>
    %dma_start3A_54 = arith.constant 0 : i32
    %dma_start3A_55 = arith.constant 0 : i32
    %dma_start3A_56 = tpu.memref_slice %arg4[%dma_start3A_54, %dma_start3A_55] : memref<50000x16xf32, #tpu.memory_space<hbm>> -> memref<50000x16xf32, #tpu.memory_space<hbm>>
    tpu.enqueue_indirect_dma source(%dma_start3A_56 : memref<50000x16xf32, #tpu.memory_space<hbm>>) target(%arg11 : memref<128x16xf32, #tpu.memory_space<vmem>>) offsets(%dma_start3A_53 : memref<128xi32, #tpu.memory_space<vmem>>) semaphore(%arg21 : memref<!tpu.dma_semaphore, #tpu.memory_space<semaphore_mem>>)
    %dma_start3A_57 = arith.constant 3 : i32
    %dma_start3A_58 = arith.constant 0 : i32
    %dma_start3A_59 = tpu.memref_slice %arg7[%dma_start3A_57, %dma_start3A_58] : memref<200x128xi32, #tpu.memory_space<vmem>> -> memref<1x128xi32, #tpu.memory_space<vmem>>
    %dma_start3A_60 = tpu.memref_squeeze %dma_start3A_59 : memref<1x128xi32, #tpu.memory_space<vmem>> -> memref<128xi32, #tpu.memory_space<vmem>>
    %dma_start3A_61 = arith.constant 0 : i32
    %dma_start3A_62 = arith.constant 0 : i32
    %dma_start3A_63 = tpu.memref_slice %arg4[%dma_start3A_61, %dma_start3A_62] : memref<50000x16xf32, #tpu.memory_space<hbm>> -> memref<50000x16xf32, #tpu.memory_space<hbm>>
    tpu.enqueue_indirect_dma source(%dma_start3A_63 : memref<50000x16xf32, #tpu.memory_space<hbm>>) target(%arg12 : memref<128x16xf32, #tpu.memory_space<vmem>>) offsets(%dma_start3A_60 : memref<128xi32, #tpu.memory_space<vmem>>) semaphore(%arg22 : memref<!tpu.dma_semaphore, #tpu.memory_space<semaphore_mem>>)
    %dma_start3A_64 = arith.constant 4 : i32
    %dma_start3A_65 = arith.constant 0 : i32
    %dma_start3A_66 = tpu.memref_slice %arg7[%dma_start3A_64, %dma_start3A_65] : memref<200x128xi32, #tpu.memory_space<vmem>> -> memref<1x128xi32, #tpu.memory_space<vmem>>
    %dma_start3A_67 = tpu.memref_squeeze %dma_start3A_66 : memref<1x128xi32, #tpu.memory_space<vmem>> -> memref<128xi32, #tpu.memory_space<vmem>>
    %dma_start3A_68 = arith.constant 0 : i32
    %dma_start3A_69 = arith.constant 0 : i32
    %dma_start3A_70 = tpu.memref_slice %arg4[%dma_start3A_68, %dma_start3A_69] : memref<50000x16xf32, #tpu.memory_space<hbm>> -> memref<50000x16xf32, #tpu.memory_space<hbm>>
    tpu.enqueue_indirect_dma source(%dma_start3A_70 : memref<50000x16xf32, #tpu.memory_space<hbm>>) target(%arg13 : memref<128x16xf32, #tpu.memory_space<vmem>>) offsets(%dma_start3A_67 : memref<128xi32, #tpu.memory_space<vmem>>) semaphore(%arg23 : memref<!tpu.dma_semaphore, #tpu.memory_space<semaphore_mem>>)
    %dma_start3A_71 = arith.constant 5 : i32
    %dma_start3A_72 = arith.constant 0 : i32
    %dma_start3A_73 = tpu.memref_slice %arg7[%dma_start3A_71, %dma_start3A_72] : memref<200x128xi32, #tpu.memory_space<vmem>> -> memref<1x128xi32, #tpu.memory_space<vmem>>
    %dma_start3A_74 = tpu.memref_squeeze %dma_start3A_73 : memref<1x128xi32, #tpu.memory_space<vmem>> -> memref<128xi32, #tpu.memory_space<vmem>>
    %dma_start3A_75 = arith.constant 0 : i32
    %dma_start3A_76 = arith.constant 0 : i32
    %dma_start3A_77 = tpu.memref_slice %arg4[%dma_start3A_75, %dma_start3A_76] : memref<50000x16xf32, #tpu.memory_space<hbm>> -> memref<50000x16xf32, #tpu.memory_space<hbm>>
    tpu.enqueue_indirect_dma source(%dma_start3A_77 : memref<50000x16xf32, #tpu.memory_space<hbm>>) target(%arg14 : memref<128x16xf32, #tpu.memory_space<vmem>>) offsets(%dma_start3A_74 : memref<128xi32, #tpu.memory_space<vmem>>) semaphore(%arg24 : memref<!tpu.dma_semaphore, #tpu.memory_space<semaphore_mem>>)
    %dma_start3A_78 = arith.constant 6 : i32
    %dma_start3A_79 = arith.constant 0 : i32
    %dma_start3A_80 = tpu.memref_slice %arg7[%dma_start3A_78, %dma_start3A_79] : memref<200x128xi32, #tpu.memory_space<vmem>> -> memref<1x128xi32, #tpu.memory_space<vmem>>
    %dma_start3A_81 = tpu.memref_squeeze %dma_start3A_80 : memref<1x128xi32, #tpu.memory_space<vmem>> -> memref<128xi32, #tpu.memory_space<vmem>>
    %dma_start3A_82 = arith.constant 0 : i32
    %dma_start3A_83 = arith.constant 0 : i32
    %dma_start3A_84 = tpu.memref_slice %arg4[%dma_start3A_82, %dma_start3A_83] : memref<50000x16xf32, #tpu.memory_space<hbm>> -> memref<50000x16xf32, #tpu.memory_space<hbm>>
    tpu.enqueue_indirect_dma source(%dma_start3A_84 : memref<50000x16xf32, #tpu.memory_space<hbm>>) target(%arg15 : memref<128x16xf32, #tpu.memory_space<vmem>>) offsets(%dma_start3A_81 : memref<128xi32, #tpu.memory_space<vmem>>) semaphore(%arg25 : memref<!tpu.dma_semaphore, #tpu.memory_space<semaphore_mem>>)
    %dma_start3A_85 = arith.constant 7 : i32
    %dma_start3A_86 = arith.constant 0 : i32
    %dma_start3A_87 = tpu.memref_slice %arg7[%dma_start3A_85, %dma_start3A_86] : memref<200x128xi32, #tpu.memory_space<vmem>> -> memref<1x128xi32, #tpu.memory_space<vmem>>
    %dma_start3A_88 = tpu.memref_squeeze %dma_start3A_87 : memref<1x128xi32, #tpu.memory_space<vmem>> -> memref<128xi32, #tpu.memory_space<vmem>>
    %dma_start3A_89 = arith.constant 0 : i32
    %dma_start3A_90 = arith.constant 0 : i32
    %dma_start3A_91 = tpu.memref_slice %arg4[%dma_start3A_89, %dma_start3A_90] : memref<50000x16xf32, #tpu.memory_space<hbm>> -> memref<50000x16xf32, #tpu.memory_space<hbm>>
    tpu.enqueue_indirect_dma source(%dma_start3A_91 : memref<50000x16xf32, #tpu.memory_space<hbm>>) target(%arg16 : memref<128x16xf32, #tpu.memory_space<vmem>>) offsets(%dma_start3A_88 : memref<128xi32, #tpu.memory_space<vmem>>) semaphore(%arg26 : memref<!tpu.dma_semaphore, #tpu.memory_space<semaphore_mem>>)
    %scan3A = arith.constant 0 : i32
    %scan3A_92 = arith.constant 0 : i32
    %scan3A_93 = arith.constant 24 : i32
    %scan3A_94 = arith.addi %scan3A_92, %scan3A_93 : i32
    %scan3A_95 = arith.constant 1 : i32
    scf.for %scan3A_353 = %scan3A_92 to %scan3A_94 step %scan3A_95  : i32 {
      %mul3A_354 = arith.constant 8 : i32
      %mul3A_355 = arith.muli %mul3A_354, %scan3A_353 : i32
      %add3A_356 = arith.constant 0 : i32
      %add3A_357 = arith.addi %mul3A_355, %add3A_356 : i32
      %dma_wait3A_358 = arith.constant 0 : i32
      %dma_wait3A_359 = tpu.memref_slice %arg7[%add3A_357, %dma_wait3A_358] : memref<200x128xi32, #tpu.memory_space<vmem>> -> memref<1x128xi32, #tpu.memory_space<vmem>>
      %dma_wait3A_360 = tpu.memref_squeeze %dma_wait3A_359 : memref<1x128xi32, #tpu.memory_space<vmem>> -> memref<128xi32, #tpu.memory_space<vmem>>
      %dma_wait3A_361 = arith.constant 0 : i32
      %dma_wait3A_362 = arith.constant 0 : i32
      %dma_wait3A_363 = tpu.memref_slice %arg4[%dma_wait3A_361, %dma_wait3A_362] : memref<50000x16xf32, #tpu.memory_space<hbm>> -> memref<50000x16xf32, #tpu.memory_space<hbm>>
      tpu.wait_indirect_dma semaphore(%arg19 : memref<!tpu.dma_semaphore, #tpu.memory_space<semaphore_mem>>) src(%dma_wait3A_363 : memref<50000x16xf32, #tpu.memory_space<hbm>>) dst(%arg9 : memref<128x16xf32, #tpu.memory_space<vmem>>)
      %add3A_364 = arith.constant 0 : i32
      %add3A_365 = arith.addi %mul3A_355, %add3A_364 : i32
      %dma_start3A_366 = arith.constant 0 : i32
      %dma_start3A_367 = tpu.memref_slice %arg8[%add3A_365, %dma_start3A_366] : memref<200x128xi32, #tpu.memory_space<vmem>> -> memref<1x128xi32, #tpu.memory_space<vmem>>
      %dma_start3A_368 = tpu.memref_squeeze %dma_start3A_367 : memref<1x128xi32, #tpu.memory_space<vmem>> -> memref<128xi32, #tpu.memory_space<vmem>>
      %dma_start3A_369 = arith.constant 0 : i32
      %dma_start3A_370 = arith.constant 0 : i32
      %dma_start3A_371 = tpu.memref_slice %arg18[%dma_start3A_369, %dma_start3A_370] : memref<50176x16xf32, #tpu.memory_space<vmem_shared>> -> memref<50176x16xf32, #tpu.memory_space<vmem_shared>>
      tpu.enqueue_indirect_dma source(%arg9 : memref<128x16xf32, #tpu.memory_space<vmem>>) target(%dma_start3A_371 : memref<50176x16xf32, #tpu.memory_space<vmem_shared>>) offsets(%dma_start3A_368 : memref<128xi32, #tpu.memory_space<vmem>>) semaphore(%arg27 : memref<!tpu.dma_semaphore, #tpu.memory_space<semaphore_mem>>) {add = true}
      %add3A_372 = arith.constant 1 : i32
      %add3A_373 = arith.addi %mul3A_355, %add3A_372 : i32
      %dma_wait3A_374 = arith.constant 0 : i32
      %dma_wait3A_375 = tpu.memref_slice %arg7[%add3A_373, %dma_wait3A_374] : memref<200x128xi32, #tpu.memory_space<vmem>> -> memref<1x128xi32, #tpu.memory_space<vmem>>
      %dma_wait3A_376 = tpu.memref_squeeze %dma_wait3A_375 : memref<1x128xi32, #tpu.memory_space<vmem>> -> memref<128xi32, #tpu.memory_space<vmem>>
      %dma_wait3A_377 = arith.constant 0 : i32
      %dma_wait3A_378 = arith.constant 0 : i32
      %dma_wait3A_379 = tpu.memref_slice %arg4[%dma_wait3A_377, %dma_wait3A_378] : memref<50000x16xf32, #tpu.memory_space<hbm>> -> memref<50000x16xf32, #tpu.memory_space<hbm>>
      tpu.wait_indirect_dma semaphore(%arg20 : memref<!tpu.dma_semaphore, #tpu.memory_space<semaphore_mem>>) src(%dma_wait3A_379 : memref<50000x16xf32, #tpu.memory_space<hbm>>) dst(%arg10 : memref<128x16xf32, #tpu.memory_space<vmem>>)
      %add3A_380 = arith.constant 1 : i32
      %add3A_381 = arith.addi %mul3A_355, %add3A_380 : i32
      %dma_start3A_382 = arith.constant 0 : i32
      %dma_start3A_383 = tpu.memref_slice %arg8[%add3A_381, %dma_start3A_382] : memref<200x128xi32, #tpu.memory_space<vmem>> -> memref<1x128xi32, #tpu.memory_space<vmem>>
      %dma_start3A_384 = tpu.memref_squeeze %dma_start3A_383 : memref<1x128xi32, #tpu.memory_space<vmem>> -> memref<128xi32, #tpu.memory_space<vmem>>
      %dma_start3A_385 = arith.constant 0 : i32
      %dma_start3A_386 = arith.constant 0 : i32
      %dma_start3A_387 = tpu.memref_slice %arg18[%dma_start3A_385, %dma_start3A_386] : memref<50176x16xf32, #tpu.memory_space<vmem_shared>> -> memref<50176x16xf32, #tpu.memory_space<vmem_shared>>
      tpu.enqueue_indirect_dma source(%arg10 : memref<128x16xf32, #tpu.memory_space<vmem>>) target(%dma_start3A_387 : memref<50176x16xf32, #tpu.memory_space<vmem_shared>>) offsets(%dma_start3A_384 : memref<128xi32, #tpu.memory_space<vmem>>) semaphore(%arg28 : memref<!tpu.dma_semaphore, #tpu.memory_space<semaphore_mem>>) {add = true}
      %add3A_388 = arith.constant 2 : i32
      %add3A_389 = arith.addi %mul3A_355, %add3A_388 : i32
      %dma_wait3A_390 = arith.constant 0 : i32
      %dma_wait3A_391 = tpu.memref_slice %arg7[%add3A_389, %dma_wait3A_390] : memref<200x128xi32, #tpu.memory_space<vmem>> -> memref<1x128xi32, #tpu.memory_space<vmem>>
      %dma_wait3A_392 = tpu.memref_squeeze %dma_wait3A_391 : memref<1x128xi32, #tpu.memory_space<vmem>> -> memref<128xi32, #tpu.memory_space<vmem>>
      %dma_wait3A_393 = arith.constant 0 : i32
      %dma_wait3A_394 = arith.constant 0 : i32
      %dma_wait3A_395 = tpu.memref_slice %arg4[%dma_wait3A_393, %dma_wait3A_394] : memref<50000x16xf32, #tpu.memory_space<hbm>> -> memref<50000x16xf32, #tpu.memory_space<hbm>>
      tpu.wait_indirect_dma semaphore(%arg21 : memref<!tpu.dma_semaphore, #tpu.memory_space<semaphore_mem>>) src(%dma_wait3A_395 : memref<50000x16xf32, #tpu.memory_space<hbm>>) dst(%arg11 : memref<128x16xf32, #tpu.memory_space<vmem>>)
      %add3A_396 = arith.constant 2 : i32
      %add3A_397 = arith.addi %mul3A_355, %add3A_396 : i32
      %dma_start3A_398 = arith.constant 0 : i32
      %dma_start3A_399 = tpu.memref_slice %arg8[%add3A_397, %dma_start3A_398] : memref<200x128xi32, #tpu.memory_space<vmem>> -> memref<1x128xi32, #tpu.memory_space<vmem>>
      %dma_start3A_400 = tpu.memref_squeeze %dma_start3A_399 : memref<1x128xi32, #tpu.memory_space<vmem>> -> memref<128xi32, #tpu.memory_space<vmem>>
      %dma_start3A_401 = arith.constant 0 : i32
      %dma_start3A_402 = arith.constant 0 : i32
      %dma_start3A_403 = tpu.memref_slice %arg18[%dma_start3A_401, %dma_start3A_402] : memref<50176x16xf32, #tpu.memory_space<vmem_shared>> -> memref<50176x16xf32, #tpu.memory_space<vmem_shared>>
      tpu.enqueue_indirect_dma source(%arg11 : memref<128x16xf32, #tpu.memory_space<vmem>>) target(%dma_start3A_403 : memref<50176x16xf32, #tpu.memory_space<vmem_shared>>) offsets(%dma_start3A_400 : memref<128xi32, #tpu.memory_space<vmem>>) semaphore(%arg29 : memref<!tpu.dma_semaphore, #tpu.memory_space<semaphore_mem>>) {add = true}
      %add3A_404 = arith.constant 3 : i32
      %add3A_405 = arith.addi %mul3A_355, %add3A_404 : i32
      %dma_wait3A_406 = arith.constant 0 : i32
      %dma_wait3A_407 = tpu.memref_slice %arg7[%add3A_405, %dma_wait3A_406] : memref<200x128xi32, #tpu.memory_space<vmem>> -> memref<1x128xi32, #tpu.memory_space<vmem>>
      %dma_wait3A_408 = tpu.memref_squeeze %dma_wait3A_407 : memref<1x128xi32, #tpu.memory_space<vmem>> -> memref<128xi32, #tpu.memory_space<vmem>>
      %dma_wait3A_409 = arith.constant 0 : i32
      %dma_wait3A_410 = arith.constant 0 : i32
      %dma_wait3A_411 = tpu.memref_slice %arg4[%dma_wait3A_409, %dma_wait3A_410] : memref<50000x16xf32, #tpu.memory_space<hbm>> -> memref<50000x16xf32, #tpu.memory_space<hbm>>
      tpu.wait_indirect_dma semaphore(%arg22 : memref<!tpu.dma_semaphore, #tpu.memory_space<semaphore_mem>>) src(%dma_wait3A_411 : memref<50000x16xf32, #tpu.memory_space<hbm>>) dst(%arg12 : memref<128x16xf32, #tpu.memory_space<vmem>>)
      %add3A_412 = arith.constant 3 : i32
      %add3A_413 = arith.addi %mul3A_355, %add3A_412 : i32
      %dma_start3A_414 = arith.constant 0 : i32
      %dma_start3A_415 = tpu.memref_slice %arg8[%add3A_413, %dma_start3A_414] : memref<200x128xi32, #tpu.memory_space<vmem>> -> memref<1x128xi32, #tpu.memory_space<vmem>>
      %dma_start3A_416 = tpu.memref_squeeze %dma_start3A_415 : memref<1x128xi32, #tpu.memory_space<vmem>> -> memref<128xi32, #tpu.memory_space<vmem>>
      %dma_start3A_417 = arith.constant 0 : i32
      %dma_start3A_418 = arith.constant 0 : i32
      %dma_start3A_419 = tpu.memref_slice %arg18[%dma_start3A_417, %dma_start3A_418] : memref<50176x16xf32, #tpu.memory_space<vmem_shared>> -> memref<50176x16xf32, #tpu.memory_space<vmem_shared>>
      tpu.enqueue_indirect_dma source(%arg12 : memref<128x16xf32, #tpu.memory_space<vmem>>) target(%dma_start3A_419 : memref<50176x16xf32, #tpu.memory_space<vmem_shared>>) offsets(%dma_start3A_416 : memref<128xi32, #tpu.memory_space<vmem>>) semaphore(%arg30 : memref<!tpu.dma_semaphore, #tpu.memory_space<semaphore_mem>>) {add = true}
      %add3A_420 = arith.constant 4 : i32
      %add3A_421 = arith.addi %mul3A_355, %add3A_420 : i32
      %dma_wait3A_422 = arith.constant 0 : i32
      %dma_wait3A_423 = tpu.memref_slice %arg7[%add3A_421, %dma_wait3A_422] : memref<200x128xi32, #tpu.memory_space<vmem>> -> memref<1x128xi32, #tpu.memory_space<vmem>>
      %dma_wait3A_424 = tpu.memref_squeeze %dma_wait3A_423 : memref<1x128xi32, #tpu.memory_space<vmem>> -> memref<128xi32, #tpu.memory_space<vmem>>
      %dma_wait3A_425 = arith.constant 0 : i32
      %dma_wait3A_426 = arith.constant 0 : i32
      %dma_wait3A_427 = tpu.memref_slice %arg4[%dma_wait3A_425, %dma_wait3A_426] : memref<50000x16xf32, #tpu.memory_space<hbm>> -> memref<50000x16xf32, #tpu.memory_space<hbm>>
      tpu.wait_indirect_dma semaphore(%arg23 : memref<!tpu.dma_semaphore, #tpu.memory_space<semaphore_mem>>) src(%dma_wait3A_427 : memref<50000x16xf32, #tpu.memory_space<hbm>>) dst(%arg13 : memref<128x16xf32, #tpu.memory_space<vmem>>)
      %add3A_428 = arith.constant 4 : i32
      %add3A_429 = arith.addi %mul3A_355, %add3A_428 : i32
      %dma_start3A_430 = arith.constant 0 : i32
      %dma_start3A_431 = tpu.memref_slice %arg8[%add3A_429, %dma_start3A_430] : memref<200x128xi32, #tpu.memory_space<vmem>> -> memref<1x128xi32, #tpu.memory_space<vmem>>
      %dma_start3A_432 = tpu.memref_squeeze %dma_start3A_431 : memref<1x128xi32, #tpu.memory_space<vmem>> -> memref<128xi32, #tpu.memory_space<vmem>>
      %dma_start3A_433 = arith.constant 0 : i32
      %dma_start3A_434 = arith.constant 0 : i32
      %dma_start3A_435 = tpu.memref_slice %arg18[%dma_start3A_433, %dma_start3A_434] : memref<50176x16xf32, #tpu.memory_space<vmem_shared>> -> memref<50176x16xf32, #tpu.memory_space<vmem_shared>>
      tpu.enqueue_indirect_dma source(%arg13 : memref<128x16xf32, #tpu.memory_space<vmem>>) target(%dma_start3A_435 : memref<50176x16xf32, #tpu.memory_space<vmem_shared>>) offsets(%dma_start3A_432 : memref<128xi32, #tpu.memory_space<vmem>>) semaphore(%arg31 : memref<!tpu.dma_semaphore, #tpu.memory_space<semaphore_mem>>) {add = true}
      %add3A_436 = arith.constant 5 : i32
      %add3A_437 = arith.addi %mul3A_355, %add3A_436 : i32
      %dma_wait3A_438 = arith.constant 0 : i32
      %dma_wait3A_439 = tpu.memref_slice %arg7[%add3A_437, %dma_wait3A_438] : memref<200x128xi32, #tpu.memory_space<vmem>> -> memref<1x128xi32, #tpu.memory_space<vmem>>
      %dma_wait3A_440 = tpu.memref_squeeze %dma_wait3A_439 : memref<1x128xi32, #tpu.memory_space<vmem>> -> memref<128xi32, #tpu.memory_space<vmem>>
      %dma_wait3A_441 = arith.constant 0 : i32
      %dma_wait3A_442 = arith.constant 0 : i32
      %dma_wait3A_443 = tpu.memref_slice %arg4[%dma_wait3A_441, %dma_wait3A_442] : memref<50000x16xf32, #tpu.memory_space<hbm>> -> memref<50000x16xf32, #tpu.memory_space<hbm>>
      tpu.wait_indirect_dma semaphore(%arg24 : memref<!tpu.dma_semaphore, #tpu.memory_space<semaphore_mem>>) src(%dma_wait3A_443 : memref<50000x16xf32, #tpu.memory_space<hbm>>) dst(%arg14 : memref<128x16xf32, #tpu.memory_space<vmem>>)
      %add3A_444 = arith.constant 5 : i32
      %add3A_445 = arith.addi %mul3A_355, %add3A_444 : i32
      %dma_start3A_446 = arith.constant 0 : i32
      %dma_start3A_447 = tpu.memref_slice %arg8[%add3A_445, %dma_start3A_446] : memref<200x128xi32, #tpu.memory_space<vmem>> -> memref<1x128xi32, #tpu.memory_space<vmem>>
      %dma_start3A_448 = tpu.memref_squeeze %dma_start3A_447 : memref<1x128xi32, #tpu.memory_space<vmem>> -> memref<128xi32, #tpu.memory_space<vmem>>
      %dma_start3A_449 = arith.constant 0 : i32
      %dma_start3A_450 = arith.constant 0 : i32
      %dma_start3A_451 = tpu.memref_slice %arg18[%dma_start3A_449, %dma_start3A_450] : memref<50176x16xf32, #tpu.memory_space<vmem_shared>> -> memref<50176x16xf32, #tpu.memory_space<vmem_shared>>
      tpu.enqueue_indirect_dma source(%arg14 : memref<128x16xf32, #tpu.memory_space<vmem>>) target(%dma_start3A_451 : memref<50176x16xf32, #tpu.memory_space<vmem_shared>>) offsets(%dma_start3A_448 : memref<128xi32, #tpu.memory_space<vmem>>) semaphore(%arg32 : memref<!tpu.dma_semaphore, #tpu.memory_space<semaphore_mem>>) {add = true}
      %add3A_452 = arith.constant 6 : i32
      %add3A_453 = arith.addi %mul3A_355, %add3A_452 : i32
      %dma_wait3A_454 = arith.constant 0 : i32
      %dma_wait3A_455 = tpu.memref_slice %arg7[%add3A_453, %dma_wait3A_454] : memref<200x128xi32, #tpu.memory_space<vmem>> -> memref<1x128xi32, #tpu.memory_space<vmem>>
      %dma_wait3A_456 = tpu.memref_squeeze %dma_wait3A_455 : memref<1x128xi32, #tpu.memory_space<vmem>> -> memref<128xi32, #tpu.memory_space<vmem>>
      %dma_wait3A_457 = arith.constant 0 : i32
      %dma_wait3A_458 = arith.constant 0 : i32
      %dma_wait3A_459 = tpu.memref_slice %arg4[%dma_wait3A_457, %dma_wait3A_458] : memref<50000x16xf32, #tpu.memory_space<hbm>> -> memref<50000x16xf32, #tpu.memory_space<hbm>>
      tpu.wait_indirect_dma semaphore(%arg25 : memref<!tpu.dma_semaphore, #tpu.memory_space<semaphore_mem>>) src(%dma_wait3A_459 : memref<50000x16xf32, #tpu.memory_space<hbm>>) dst(%arg15 : memref<128x16xf32, #tpu.memory_space<vmem>>)
      %add3A_460 = arith.constant 6 : i32
      %add3A_461 = arith.addi %mul3A_355, %add3A_460 : i32
      %dma_start3A_462 = arith.constant 0 : i32
      %dma_start3A_463 = tpu.memref_slice %arg8[%add3A_461, %dma_start3A_462] : memref<200x128xi32, #tpu.memory_space<vmem>> -> memref<1x128xi32, #tpu.memory_space<vmem>>
      %dma_start3A_464 = tpu.memref_squeeze %dma_start3A_463 : memref<1x128xi32, #tpu.memory_space<vmem>> -> memref<128xi32, #tpu.memory_space<vmem>>
      %dma_start3A_465 = arith.constant 0 : i32
      %dma_start3A_466 = arith.constant 0 : i32
      %dma_start3A_467 = tpu.memref_slice %arg18[%dma_start3A_465, %dma_start3A_466] : memref<50176x16xf32, #tpu.memory_space<vmem_shared>> -> memref<50176x16xf32, #tpu.memory_space<vmem_shared>>
      tpu.enqueue_indirect_dma source(%arg15 : memref<128x16xf32, #tpu.memory_space<vmem>>) target(%dma_start3A_467 : memref<50176x16xf32, #tpu.memory_space<vmem_shared>>) offsets(%dma_start3A_464 : memref<128xi32, #tpu.memory_space<vmem>>) semaphore(%arg33 : memref<!tpu.dma_semaphore, #tpu.memory_space<semaphore_mem>>) {add = true}
      %add3A_468 = arith.constant 7 : i32
      %add3A_469 = arith.addi %mul3A_355, %add3A_468 : i32
      %dma_wait3A_470 = arith.constant 0 : i32
      %dma_wait3A_471 = tpu.memref_slice %arg7[%add3A_469, %dma_wait3A_470] : memref<200x128xi32, #tpu.memory_space<vmem>> -> memref<1x128xi32, #tpu.memory_space<vmem>>
      %dma_wait3A_472 = tpu.memref_squeeze %dma_wait3A_471 : memref<1x128xi32, #tpu.memory_space<vmem>> -> memref<128xi32, #tpu.memory_space<vmem>>
      %dma_wait3A_473 = arith.constant 0 : i32
      %dma_wait3A_474 = arith.constant 0 : i32
      %dma_wait3A_475 = tpu.memref_slice %arg4[%dma_wait3A_473, %dma_wait3A_474] : memref<50000x16xf32, #tpu.memory_space<hbm>> -> memref<50000x16xf32, #tpu.memory_space<hbm>>
      tpu.wait_indirect_dma semaphore(%arg26 : memref<!tpu.dma_semaphore, #tpu.memory_space<semaphore_mem>>) src(%dma_wait3A_475 : memref<50000x16xf32, #tpu.memory_space<hbm>>) dst(%arg16 : memref<128x16xf32, #tpu.memory_space<vmem>>)
      %add3A_476 = arith.constant 7 : i32
      %add3A_477 = arith.addi %mul3A_355, %add3A_476 : i32
      %dma_start3A_478 = arith.constant 0 : i32
      %dma_start3A_479 = tpu.memref_slice %arg8[%add3A_477, %dma_start3A_478] : memref<200x128xi32, #tpu.memory_space<vmem>> -> memref<1x128xi32, #tpu.memory_space<vmem>>
      %dma_start3A_480 = tpu.memref_squeeze %dma_start3A_479 : memref<1x128xi32, #tpu.memory_space<vmem>> -> memref<128xi32, #tpu.memory_space<vmem>>
      %dma_start3A_481 = arith.constant 0 : i32
      %dma_start3A_482 = arith.constant 0 : i32
      %dma_start3A_483 = tpu.memref_slice %arg18[%dma_start3A_481, %dma_start3A_482] : memref<50176x16xf32, #tpu.memory_space<vmem_shared>> -> memref<50176x16xf32, #tpu.memory_space<vmem_shared>>
      tpu.enqueue_indirect_dma source(%arg16 : memref<128x16xf32, #tpu.memory_space<vmem>>) target(%dma_start3A_483 : memref<50176x16xf32, #tpu.memory_space<vmem_shared>>) offsets(%dma_start3A_480 : memref<128xi32, #tpu.memory_space<vmem>>) semaphore(%arg34 : memref<!tpu.dma_semaphore, #tpu.memory_space<semaphore_mem>>) {add = true}
      %add3A_484 = arith.constant 0 : i32
      %add3A_485 = arith.addi %mul3A_355, %add3A_484 : i32
      %dma_wait3A_486 = arith.constant 0 : i32
      %dma_wait3A_487 = tpu.memref_slice %arg8[%add3A_485, %dma_wait3A_486] : memref<200x128xi32, #tpu.memory_space<vmem>> -> memref<1x128xi32, #tpu.memory_space<vmem>>
      %dma_wait3A_488 = tpu.memref_squeeze %dma_wait3A_487 : memref<1x128xi32, #tpu.memory_space<vmem>> -> memref<128xi32, #tpu.memory_space<vmem>>
      %dma_wait3A_489 = arith.constant 0 : i32
      %dma_wait3A_490 = arith.constant 0 : i32
      %dma_wait3A_491 = tpu.memref_slice %arg18[%dma_wait3A_489, %dma_wait3A_490] : memref<50176x16xf32, #tpu.memory_space<vmem_shared>> -> memref<50176x16xf32, #tpu.memory_space<vmem_shared>>
      tpu.wait_indirect_dma semaphore(%arg27 : memref<!tpu.dma_semaphore, #tpu.memory_space<semaphore_mem>>) src(%arg9 : memref<128x16xf32, #tpu.memory_space<vmem>>) dst(%dma_wait3A_491 : memref<50176x16xf32, #tpu.memory_space<vmem_shared>>)
      %add3A_492 = arith.constant 0 : i32
      %add3A_493 = arith.addi %mul3A_355, %add3A_492 : i32
      %add3A_494 = arith.constant 8 : i32
      %add3A_495 = arith.addi %add3A_493, %add3A_494 : i32
      %dma_start3A_496 = arith.constant 0 : i32
      %dma_start3A_497 = tpu.memref_slice %arg7[%add3A_495, %dma_start3A_496] : memref<200x128xi32, #tpu.memory_space<vmem>> -> memref<1x128xi32, #tpu.memory_space<vmem>>
      %dma_start3A_498 = tpu.memref_squeeze %dma_start3A_497 : memref<1x128xi32, #tpu.memory_space<vmem>> -> memref<128xi32, #tpu.memory_space<vmem>>
      %dma_start3A_499 = arith.constant 0 : i32
      %dma_start3A_500 = arith.constant 0 : i32
      %dma_start3A_501 = tpu.memref_slice %arg4[%dma_start3A_499, %dma_start3A_500] : memref<50000x16xf32, #tpu.memory_space<hbm>> -> memref<50000x16xf32, #tpu.memory_space<hbm>>
      tpu.enqueue_indirect_dma source(%dma_start3A_501 : memref<50000x16xf32, #tpu.memory_space<hbm>>) target(%arg9 : memref<128x16xf32, #tpu.memory_space<vmem>>) offsets(%dma_start3A_498 : memref<128xi32, #tpu.memory_space<vmem>>) semaphore(%arg19 : memref<!tpu.dma_semaphore, #tpu.memory_space<semaphore_mem>>)
      %add3A_502 = arith.constant 1 : i32
      %add3A_503 = arith.addi %mul3A_355, %add3A_502 : i32
      %dma_wait3A_504 = arith.constant 0 : i32
      %dma_wait3A_505 = tpu.memref_slice %arg8[%add3A_503, %dma_wait3A_504] : memref<200x128xi32, #tpu.memory_space<vmem>> -> memref<1x128xi32, #tpu.memory_space<vmem>>
      %dma_wait3A_506 = tpu.memref_squeeze %dma_wait3A_505 : memref<1x128xi32, #tpu.memory_space<vmem>> -> memref<128xi32, #tpu.memory_space<vmem>>
      %dma_wait3A_507 = arith.constant 0 : i32
      %dma_wait3A_508 = arith.constant 0 : i32
      %dma_wait3A_509 = tpu.memref_slice %arg18[%dma_wait3A_507, %dma_wait3A_508] : memref<50176x16xf32, #tpu.memory_space<vmem_shared>> -> memref<50176x16xf32, #tpu.memory_space<vmem_shared>>
      tpu.wait_indirect_dma semaphore(%arg28 : memref<!tpu.dma_semaphore, #tpu.memory_space<semaphore_mem>>) src(%arg10 : memref<128x16xf32, #tpu.memory_space<vmem>>) dst(%dma_wait3A_509 : memref<50176x16xf32, #tpu.memory_space<vmem_shared>>)
      %add3A_510 = arith.constant 1 : i32
      %add3A_511 = arith.addi %mul3A_355, %add3A_510 : i32
      %add3A_512 = arith.constant 8 : i32
      %add3A_513 = arith.addi %add3A_511, %add3A_512 : i32
      %dma_start3A_514 = arith.constant 0 : i32
      %dma_start3A_515 = tpu.memref_slice %arg7[%add3A_513, %dma_start3A_514] : memref<200x128xi32, #tpu.memory_space<vmem>> -> memref<1x128xi32, #tpu.memory_space<vmem>>
      %dma_start3A_516 = tpu.memref_squeeze %dma_start3A_515 : memref<1x128xi32, #tpu.memory_space<vmem>> -> memref<128xi32, #tpu.memory_space<vmem>>
      %dma_start3A_517 = arith.constant 0 : i32
      %dma_start3A_518 = arith.constant 0 : i32
      %dma_start3A_519 = tpu.memref_slice %arg4[%dma_start3A_517, %dma_start3A_518] : memref<50000x16xf32, #tpu.memory_space<hbm>> -> memref<50000x16xf32, #tpu.memory_space<hbm>>
      tpu.enqueue_indirect_dma source(%dma_start3A_519 : memref<50000x16xf32, #tpu.memory_space<hbm>>) target(%arg10 : memref<128x16xf32, #tpu.memory_space<vmem>>) offsets(%dma_start3A_516 : memref<128xi32, #tpu.memory_space<vmem>>) semaphore(%arg20 : memref<!tpu.dma_semaphore, #tpu.memory_space<semaphore_mem>>)
      %add3A_520 = arith.constant 2 : i32
      %add3A_521 = arith.addi %mul3A_355, %add3A_520 : i32
      %dma_wait3A_522 = arith.constant 0 : i32
      %dma_wait3A_523 = tpu.memref_slice %arg8[%add3A_521, %dma_wait3A_522] : memref<200x128xi32, #tpu.memory_space<vmem>> -> memref<1x128xi32, #tpu.memory_space<vmem>>
      %dma_wait3A_524 = tpu.memref_squeeze %dma_wait3A_523 : memref<1x128xi32, #tpu.memory_space<vmem>> -> memref<128xi32, #tpu.memory_space<vmem>>
      %dma_wait3A_525 = arith.constant 0 : i32
      %dma_wait3A_526 = arith.constant 0 : i32
      %dma_wait3A_527 = tpu.memref_slice %arg18[%dma_wait3A_525, %dma_wait3A_526] : memref<50176x16xf32, #tpu.memory_space<vmem_shared>> -> memref<50176x16xf32, #tpu.memory_space<vmem_shared>>
      tpu.wait_indirect_dma semaphore(%arg29 : memref<!tpu.dma_semaphore, #tpu.memory_space<semaphore_mem>>) src(%arg11 : memref<128x16xf32, #tpu.memory_space<vmem>>) dst(%dma_wait3A_527 : memref<50176x16xf32, #tpu.memory_space<vmem_shared>>)
      %add3A_528 = arith.constant 2 : i32
      %add3A_529 = arith.addi %mul3A_355, %add3A_528 : i32
      %add3A_530 = arith.constant 8 : i32
      %add3A_531 = arith.addi %add3A_529, %add3A_530 : i32
      %dma_start3A_532 = arith.constant 0 : i32
      %dma_start3A_533 = tpu.memref_slice %arg7[%add3A_531, %dma_start3A_532] : memref<200x128xi32, #tpu.memory_space<vmem>> -> memref<1x128xi32, #tpu.memory_space<vmem>>
      %dma_start3A_534 = tpu.memref_squeeze %dma_start3A_533 : memref<1x128xi32, #tpu.memory_space<vmem>> -> memref<128xi32, #tpu.memory_space<vmem>>
      %dma_start3A_535 = arith.constant 0 : i32
      %dma_start3A_536 = arith.constant 0 : i32
      %dma_start3A_537 = tpu.memref_slice %arg4[%dma_start3A_535, %dma_start3A_536] : memref<50000x16xf32, #tpu.memory_space<hbm>> -> memref<50000x16xf32, #tpu.memory_space<hbm>>
      tpu.enqueue_indirect_dma source(%dma_start3A_537 : memref<50000x16xf32, #tpu.memory_space<hbm>>) target(%arg11 : memref<128x16xf32, #tpu.memory_space<vmem>>) offsets(%dma_start3A_534 : memref<128xi32, #tpu.memory_space<vmem>>) semaphore(%arg21 : memref<!tpu.dma_semaphore, #tpu.memory_space<semaphore_mem>>)
      %add3A_538 = arith.constant 3 : i32
      %add3A_539 = arith.addi %mul3A_355, %add3A_538 : i32
      %dma_wait3A_540 = arith.constant 0 : i32
      %dma_wait3A_541 = tpu.memref_slice %arg8[%add3A_539, %dma_wait3A_540] : memref<200x128xi32, #tpu.memory_space<vmem>> -> memref<1x128xi32, #tpu.memory_space<vmem>>
      %dma_wait3A_542 = tpu.memref_squeeze %dma_wait3A_541 : memref<1x128xi32, #tpu.memory_space<vmem>> -> memref<128xi32, #tpu.memory_space<vmem>>
      %dma_wait3A_543 = arith.constant 0 : i32
      %dma_wait3A_544 = arith.constant 0 : i32
      %dma_wait3A_545 = tpu.memref_slice %arg18[%dma_wait3A_543, %dma_wait3A_544] : memref<50176x16xf32, #tpu.memory_space<vmem_shared>> -> memref<50176x16xf32, #tpu.memory_space<vmem_shared>>
      tpu.wait_indirect_dma semaphore(%arg30 : memref<!tpu.dma_semaphore, #tpu.memory_space<semaphore_mem>>) src(%arg12 : memref<128x16xf32, #tpu.memory_space<vmem>>) dst(%dma_wait3A_545 : memref<50176x16xf32, #tpu.memory_space<vmem_shared>>)
      %add3A_546 = arith.constant 3 : i32
      %add3A_547 = arith.addi %mul3A_355, %add3A_546 : i32
      %add3A_548 = arith.constant 8 : i32
      %add3A_549 = arith.addi %add3A_547, %add3A_548 : i32
      %dma_start3A_550 = arith.constant 0 : i32
      %dma_start3A_551 = tpu.memref_slice %arg7[%add3A_549, %dma_start3A_550] : memref<200x128xi32, #tpu.memory_space<vmem>> -> memref<1x128xi32, #tpu.memory_space<vmem>>
      %dma_start3A_552 = tpu.memref_squeeze %dma_start3A_551 : memref<1x128xi32, #tpu.memory_space<vmem>> -> memref<128xi32, #tpu.memory_space<vmem>>
      %dma_start3A_553 = arith.constant 0 : i32
      %dma_start3A_554 = arith.constant 0 : i32
      %dma_start3A_555 = tpu.memref_slice %arg4[%dma_start3A_553, %dma_start3A_554] : memref<50000x16xf32, #tpu.memory_space<hbm>> -> memref<50000x16xf32, #tpu.memory_space<hbm>>
      tpu.enqueue_indirect_dma source(%dma_start3A_555 : memref<50000x16xf32, #tpu.memory_space<hbm>>) target(%arg12 : memref<128x16xf32, #tpu.memory_space<vmem>>) offsets(%dma_start3A_552 : memref<128xi32, #tpu.memory_space<vmem>>) semaphore(%arg22 : memref<!tpu.dma_semaphore, #tpu.memory_space<semaphore_mem>>)
      %add3A_556 = arith.constant 4 : i32
      %add3A_557 = arith.addi %mul3A_355, %add3A_556 : i32
      %dma_wait3A_558 = arith.constant 0 : i32
      %dma_wait3A_559 = tpu.memref_slice %arg8[%add3A_557, %dma_wait3A_558] : memref<200x128xi32, #tpu.memory_space<vmem>> -> memref<1x128xi32, #tpu.memory_space<vmem>>
      %dma_wait3A_560 = tpu.memref_squeeze %dma_wait3A_559 : memref<1x128xi32, #tpu.memory_space<vmem>> -> memref<128xi32, #tpu.memory_space<vmem>>
      %dma_wait3A_561 = arith.constant 0 : i32
      %dma_wait3A_562 = arith.constant 0 : i32
      %dma_wait3A_563 = tpu.memref_slice %arg18[%dma_wait3A_561, %dma_wait3A_562] : memref<50176x16xf32, #tpu.memory_space<vmem_shared>> -> memref<50176x16xf32, #tpu.memory_space<vmem_shared>>
      tpu.wait_indirect_dma semaphore(%arg31 : memref<!tpu.dma_semaphore, #tpu.memory_space<semaphore_mem>>) src(%arg13 : memref<128x16xf32, #tpu.memory_space<vmem>>) dst(%dma_wait3A_563 : memref<50176x16xf32, #tpu.memory_space<vmem_shared>>)
      %add3A_564 = arith.constant 4 : i32
      %add3A_565 = arith.addi %mul3A_355, %add3A_564 : i32
      %add3A_566 = arith.constant 8 : i32
      %add3A_567 = arith.addi %add3A_565, %add3A_566 : i32
      %dma_start3A_568 = arith.constant 0 : i32
      %dma_start3A_569 = tpu.memref_slice %arg7[%add3A_567, %dma_start3A_568] : memref<200x128xi32, #tpu.memory_space<vmem>> -> memref<1x128xi32, #tpu.memory_space<vmem>>
      %dma_start3A_570 = tpu.memref_squeeze %dma_start3A_569 : memref<1x128xi32, #tpu.memory_space<vmem>> -> memref<128xi32, #tpu.memory_space<vmem>>
      %dma_start3A_571 = arith.constant 0 : i32
      %dma_start3A_572 = arith.constant 0 : i32
      %dma_start3A_573 = tpu.memref_slice %arg4[%dma_start3A_571, %dma_start3A_572] : memref<50000x16xf32, #tpu.memory_space<hbm>> -> memref<50000x16xf32, #tpu.memory_space<hbm>>
      tpu.enqueue_indirect_dma source(%dma_start3A_573 : memref<50000x16xf32, #tpu.memory_space<hbm>>) target(%arg13 : memref<128x16xf32, #tpu.memory_space<vmem>>) offsets(%dma_start3A_570 : memref<128xi32, #tpu.memory_space<vmem>>) semaphore(%arg23 : memref<!tpu.dma_semaphore, #tpu.memory_space<semaphore_mem>>)
      %add3A_574 = arith.constant 5 : i32
      %add3A_575 = arith.addi %mul3A_355, %add3A_574 : i32
      %dma_wait3A_576 = arith.constant 0 : i32
      %dma_wait3A_577 = tpu.memref_slice %arg8[%add3A_575, %dma_wait3A_576] : memref<200x128xi32, #tpu.memory_space<vmem>> -> memref<1x128xi32, #tpu.memory_space<vmem>>
      %dma_wait3A_578 = tpu.memref_squeeze %dma_wait3A_577 : memref<1x128xi32, #tpu.memory_space<vmem>> -> memref<128xi32, #tpu.memory_space<vmem>>
      %dma_wait3A_579 = arith.constant 0 : i32
      %dma_wait3A_580 = arith.constant 0 : i32
      %dma_wait3A_581 = tpu.memref_slice %arg18[%dma_wait3A_579, %dma_wait3A_580] : memref<50176x16xf32, #tpu.memory_space<vmem_shared>> -> memref<50176x16xf32, #tpu.memory_space<vmem_shared>>
      tpu.wait_indirect_dma semaphore(%arg32 : memref<!tpu.dma_semaphore, #tpu.memory_space<semaphore_mem>>) src(%arg14 : memref<128x16xf32, #tpu.memory_space<vmem>>) dst(%dma_wait3A_581 : memref<50176x16xf32, #tpu.memory_space<vmem_shared>>)
      %add3A_582 = arith.constant 5 : i32
      %add3A_583 = arith.addi %mul3A_355, %add3A_582 : i32
      %add3A_584 = arith.constant 8 : i32
      %add3A_585 = arith.addi %add3A_583, %add3A_584 : i32
      %dma_start3A_586 = arith.constant 0 : i32
      %dma_start3A_587 = tpu.memref_slice %arg7[%add3A_585, %dma_start3A_586] : memref<200x128xi32, #tpu.memory_space<vmem>> -> memref<1x128xi32, #tpu.memory_space<vmem>>
      %dma_start3A_588 = tpu.memref_squeeze %dma_start3A_587 : memref<1x128xi32, #tpu.memory_space<vmem>> -> memref<128xi32, #tpu.memory_space<vmem>>
      %dma_start3A_589 = arith.constant 0 : i32
      %dma_start3A_590 = arith.constant 0 : i32
      %dma_start3A_591 = tpu.memref_slice %arg4[%dma_start3A_589, %dma_start3A_590] : memref<50000x16xf32, #tpu.memory_space<hbm>> -> memref<50000x16xf32, #tpu.memory_space<hbm>>
      tpu.enqueue_indirect_dma source(%dma_start3A_591 : memref<50000x16xf32, #tpu.memory_space<hbm>>) target(%arg14 : memref<128x16xf32, #tpu.memory_space<vmem>>) offsets(%dma_start3A_588 : memref<128xi32, #tpu.memory_space<vmem>>) semaphore(%arg24 : memref<!tpu.dma_semaphore, #tpu.memory_space<semaphore_mem>>)
      %add3A_592 = arith.constant 6 : i32
      %add3A_593 = arith.addi %mul3A_355, %add3A_592 : i32
      %dma_wait3A_594 = arith.constant 0 : i32
      %dma_wait3A_595 = tpu.memref_slice %arg8[%add3A_593, %dma_wait3A_594] : memref<200x128xi32, #tpu.memory_space<vmem>> -> memref<1x128xi32, #tpu.memory_space<vmem>>
      %dma_wait3A_596 = tpu.memref_squeeze %dma_wait3A_595 : memref<1x128xi32, #tpu.memory_space<vmem>> -> memref<128xi32, #tpu.memory_space<vmem>>
      %dma_wait3A_597 = arith.constant 0 : i32
      %dma_wait3A_598 = arith.constant 0 : i32
      %dma_wait3A_599 = tpu.memref_slice %arg18[%dma_wait3A_597, %dma_wait3A_598] : memref<50176x16xf32, #tpu.memory_space<vmem_shared>> -> memref<50176x16xf32, #tpu.memory_space<vmem_shared>>
      tpu.wait_indirect_dma semaphore(%arg33 : memref<!tpu.dma_semaphore, #tpu.memory_space<semaphore_mem>>) src(%arg15 : memref<128x16xf32, #tpu.memory_space<vmem>>) dst(%dma_wait3A_599 : memref<50176x16xf32, #tpu.memory_space<vmem_shared>>)
      %add3A_600 = arith.constant 6 : i32
      %add3A_601 = arith.addi %mul3A_355, %add3A_600 : i32
      %add3A_602 = arith.constant 8 : i32
      %add3A_603 = arith.addi %add3A_601, %add3A_602 : i32
      %dma_start3A_604 = arith.constant 0 : i32
      %dma_start3A_605 = tpu.memref_slice %arg7[%add3A_603, %dma_start3A_604] : memref<200x128xi32, #tpu.memory_space<vmem>> -> memref<1x128xi32, #tpu.memory_space<vmem>>
      %dma_start3A_606 = tpu.memref_squeeze %dma_start3A_605 : memref<1x128xi32, #tpu.memory_space<vmem>> -> memref<128xi32, #tpu.memory_space<vmem>>
      %dma_start3A_607 = arith.constant 0 : i32
      %dma_start3A_608 = arith.constant 0 : i32
      %dma_start3A_609 = tpu.memref_slice %arg4[%dma_start3A_607, %dma_start3A_608] : memref<50000x16xf32, #tpu.memory_space<hbm>> -> memref<50000x16xf32, #tpu.memory_space<hbm>>
      tpu.enqueue_indirect_dma source(%dma_start3A_609 : memref<50000x16xf32, #tpu.memory_space<hbm>>) target(%arg15 : memref<128x16xf32, #tpu.memory_space<vmem>>) offsets(%dma_start3A_606 : memref<128xi32, #tpu.memory_space<vmem>>) semaphore(%arg25 : memref<!tpu.dma_semaphore, #tpu.memory_space<semaphore_mem>>)
      %add3A_610 = arith.constant 7 : i32
      %add3A_611 = arith.addi %mul3A_355, %add3A_610 : i32
      %dma_wait3A_612 = arith.constant 0 : i32
      %dma_wait3A_613 = tpu.memref_slice %arg8[%add3A_611, %dma_wait3A_612] : memref<200x128xi32, #tpu.memory_space<vmem>> -> memref<1x128xi32, #tpu.memory_space<vmem>>
      %dma_wait3A_614 = tpu.memref_squeeze %dma_wait3A_613 : memref<1x128xi32, #tpu.memory_space<vmem>> -> memref<128xi32, #tpu.memory_space<vmem>>
      %dma_wait3A_615 = arith.constant 0 : i32
      %dma_wait3A_616 = arith.constant 0 : i32
      %dma_wait3A_617 = tpu.memref_slice %arg18[%dma_wait3A_615, %dma_wait3A_616] : memref<50176x16xf32, #tpu.memory_space<vmem_shared>> -> memref<50176x16xf32, #tpu.memory_space<vmem_shared>>
      tpu.wait_indirect_dma semaphore(%arg34 : memref<!tpu.dma_semaphore, #tpu.memory_space<semaphore_mem>>) src(%arg16 : memref<128x16xf32, #tpu.memory_space<vmem>>) dst(%dma_wait3A_617 : memref<50176x16xf32, #tpu.memory_space<vmem_shared>>)
      %add3A_618 = arith.constant 7 : i32
      %add3A_619 = arith.addi %mul3A_355, %add3A_618 : i32
      %add3A_620 = arith.constant 8 : i32
      %add3A_621 = arith.addi %add3A_619, %add3A_620 : i32
      %dma_start3A_622 = arith.constant 0 : i32
      %dma_start3A_623 = tpu.memref_slice %arg7[%add3A_621, %dma_start3A_622] : memref<200x128xi32, #tpu.memory_space<vmem>> -> memref<1x128xi32, #tpu.memory_space<vmem>>
      %dma_start3A_624 = tpu.memref_squeeze %dma_start3A_623 : memref<1x128xi32, #tpu.memory_space<vmem>> -> memref<128xi32, #tpu.memory_space<vmem>>
      %dma_start3A_625 = arith.constant 0 : i32
      %dma_start3A_626 = arith.constant 0 : i32
      %dma_start3A_627 = tpu.memref_slice %arg4[%dma_start3A_625, %dma_start3A_626] : memref<50000x16xf32, #tpu.memory_space<hbm>> -> memref<50000x16xf32, #tpu.memory_space<hbm>>
      tpu.enqueue_indirect_dma source(%dma_start3A_627 : memref<50000x16xf32, #tpu.memory_space<hbm>>) target(%arg16 : memref<128x16xf32, #tpu.memory_space<vmem>>) offsets(%dma_start3A_624 : memref<128xi32, #tpu.memory_space<vmem>>) semaphore(%arg26 : memref<!tpu.dma_semaphore, #tpu.memory_space<semaphore_mem>>)
    }
    %scan3A_96 = arith.constant 24 : i32
    %dma_wait3A = arith.constant 192 : i32
    %dma_wait3A_97 = arith.constant 0 : i32
    %dma_wait3A_98 = tpu.memref_slice %arg7[%dma_wait3A, %dma_wait3A_97] : memref<200x128xi32, #tpu.memory_space<vmem>> -> memref<1x128xi32, #tpu.memory_space<vmem>>
    %dma_wait3A_99 = tpu.memref_squeeze %dma_wait3A_98 : memref<1x128xi32, #tpu.memory_space<vmem>> -> memref<128xi32, #tpu.memory_space<vmem>>
    %dma_wait3A_100 = arith.constant 0 : i32
    %dma_wait3A_101 = arith.constant 0 : i32
    %dma_wait3A_102 = tpu.memref_slice %arg4[%dma_wait3A_100, %dma_wait3A_101] : memref<50000x16xf32, #tpu.memory_space<hbm>> -> memref<50000x16xf32, #tpu.memory_space<hbm>>
    tpu.wait_indirect_dma semaphore(%arg19 : memref<!tpu.dma_semaphore, #tpu.memory_space<semaphore_mem>>) src(%dma_wait3A_102 : memref<50000x16xf32, #tpu.memory_space<hbm>>) dst(%arg9 : memref<128x16xf32, #tpu.memory_space<vmem>>)
    %dma_start3A_103 = arith.constant 192 : i32
    %dma_start3A_104 = arith.constant 0 : i32
    %dma_start3A_105 = tpu.memref_slice %arg8[%dma_start3A_103, %dma_start3A_104] : memref<200x128xi32, #tpu.memory_space<vmem>> -> memref<1x128xi32, #tpu.memory_space<vmem>>
    %dma_start3A_106 = tpu.memref_squeeze %dma_start3A_105 : memref<1x128xi32, #tpu.memory_space<vmem>> -> memref<128xi32, #tpu.memory_space<vmem>>
    %dma_start3A_107 = arith.constant 0 : i32
    %dma_start3A_108 = arith.constant 0 : i32
    %dma_start3A_109 = tpu.memref_slice %arg18[%dma_start3A_107, %dma_start3A_108] : memref<50176x16xf32, #tpu.memory_space<vmem_shared>> -> memref<50176x16xf32, #tpu.memory_space<vmem_shared>>
    tpu.enqueue_indirect_dma source(%arg9 : memref<128x16xf32, #tpu.memory_space<vmem>>) target(%dma_start3A_109 : memref<50176x16xf32, #tpu.memory_space<vmem_shared>>) offsets(%dma_start3A_106 : memref<128xi32, #tpu.memory_space<vmem>>) semaphore(%arg27 : memref<!tpu.dma_semaphore, #tpu.memory_space<semaphore_mem>>) {add = true}
    %dma_wait3A_110 = arith.constant 193 : i32
    %dma_wait3A_111 = arith.constant 0 : i32
    %dma_wait3A_112 = tpu.memref_slice %arg7[%dma_wait3A_110, %dma_wait3A_111] : memref<200x128xi32, #tpu.memory_space<vmem>> -> memref<1x128xi32, #tpu.memory_space<vmem>>
    %dma_wait3A_113 = tpu.memref_squeeze %dma_wait3A_112 : memref<1x128xi32, #tpu.memory_space<vmem>> -> memref<128xi32, #tpu.memory_space<vmem>>
    %dma_wait3A_114 = arith.constant 0 : i32
    %dma_wait3A_115 = arith.constant 0 : i32
    %dma_wait3A_116 = tpu.memref_slice %arg4[%dma_wait3A_114, %dma_wait3A_115] : memref<50000x16xf32, #tpu.memory_space<hbm>> -> memref<50000x16xf32, #tpu.memory_space<hbm>>
    tpu.wait_indirect_dma semaphore(%arg20 : memref<!tpu.dma_semaphore, #tpu.memory_space<semaphore_mem>>) src(%dma_wait3A_116 : memref<50000x16xf32, #tpu.memory_space<hbm>>) dst(%arg10 : memref<128x16xf32, #tpu.memory_space<vmem>>)
    %dma_start3A_117 = arith.constant 193 : i32
    %dma_start3A_118 = arith.constant 0 : i32
    %dma_start3A_119 = tpu.memref_slice %arg8[%dma_start3A_117, %dma_start3A_118] : memref<200x128xi32, #tpu.memory_space<vmem>> -> memref<1x128xi32, #tpu.memory_space<vmem>>
    %dma_start3A_120 = tpu.memref_squeeze %dma_start3A_119 : memref<1x128xi32, #tpu.memory_space<vmem>> -> memref<128xi32, #tpu.memory_space<vmem>>
    %dma_start3A_121 = arith.constant 0 : i32
    %dma_start3A_122 = arith.constant 0 : i32
    %dma_start3A_123 = tpu.memref_slice %arg18[%dma_start3A_121, %dma_start3A_122] : memref<50176x16xf32, #tpu.memory_space<vmem_shared>> -> memref<50176x16xf32, #tpu.memory_space<vmem_shared>>
    tpu.enqueue_indirect_dma source(%arg10 : memref<128x16xf32, #tpu.memory_space<vmem>>) target(%dma_start3A_123 : memref<50176x16xf32, #tpu.memory_space<vmem_shared>>) offsets(%dma_start3A_120 : memref<128xi32, #tpu.memory_space<vmem>>) semaphore(%arg28 : memref<!tpu.dma_semaphore, #tpu.memory_space<semaphore_mem>>) {add = true}
    %dma_wait3A_124 = arith.constant 194 : i32
    %dma_wait3A_125 = arith.constant 0 : i32
    %dma_wait3A_126 = tpu.memref_slice %arg7[%dma_wait3A_124, %dma_wait3A_125] : memref<200x128xi32, #tpu.memory_space<vmem>> -> memref<1x128xi32, #tpu.memory_space<vmem>>
    %dma_wait3A_127 = tpu.memref_squeeze %dma_wait3A_126 : memref<1x128xi32, #tpu.memory_space<vmem>> -> memref<128xi32, #tpu.memory_space<vmem>>
    %dma_wait3A_128 = arith.constant 0 : i32
    %dma_wait3A_129 = arith.constant 0 : i32
    %dma_wait3A_130 = tpu.memref_slice %arg4[%dma_wait3A_128, %dma_wait3A_129] : memref<50000x16xf32, #tpu.memory_space<hbm>> -> memref<50000x16xf32, #tpu.memory_space<hbm>>
    tpu.wait_indirect_dma semaphore(%arg21 : memref<!tpu.dma_semaphore, #tpu.memory_space<semaphore_mem>>) src(%dma_wait3A_130 : memref<50000x16xf32, #tpu.memory_space<hbm>>) dst(%arg11 : memref<128x16xf32, #tpu.memory_space<vmem>>)
    %dma_start3A_131 = arith.constant 194 : i32
    %dma_start3A_132 = arith.constant 0 : i32
    %dma_start3A_133 = tpu.memref_slice %arg8[%dma_start3A_131, %dma_start3A_132] : memref<200x128xi32, #tpu.memory_space<vmem>> -> memref<1x128xi32, #tpu.memory_space<vmem>>
    %dma_start3A_134 = tpu.memref_squeeze %dma_start3A_133 : memref<1x128xi32, #tpu.memory_space<vmem>> -> memref<128xi32, #tpu.memory_space<vmem>>
    %dma_start3A_135 = arith.constant 0 : i32
    %dma_start3A_136 = arith.constant 0 : i32
    %dma_start3A_137 = tpu.memref_slice %arg18[%dma_start3A_135, %dma_start3A_136] : memref<50176x16xf32, #tpu.memory_space<vmem_shared>> -> memref<50176x16xf32, #tpu.memory_space<vmem_shared>>
    tpu.enqueue_indirect_dma source(%arg11 : memref<128x16xf32, #tpu.memory_space<vmem>>) target(%dma_start3A_137 : memref<50176x16xf32, #tpu.memory_space<vmem_shared>>) offsets(%dma_start3A_134 : memref<128xi32, #tpu.memory_space<vmem>>) semaphore(%arg29 : memref<!tpu.dma_semaphore, #tpu.memory_space<semaphore_mem>>) {add = true}
    %dma_wait3A_138 = arith.constant 195 : i32
    %dma_wait3A_139 = arith.constant 0 : i32
    %dma_wait3A_140 = tpu.memref_slice %arg7[%dma_wait3A_138, %dma_wait3A_139] : memref<200x128xi32, #tpu.memory_space<vmem>> -> memref<1x128xi32, #tpu.memory_space<vmem>>
    %dma_wait3A_141 = tpu.memref_squeeze %dma_wait3A_140 : memref<1x128xi32, #tpu.memory_space<vmem>> -> memref<128xi32, #tpu.memory_space<vmem>>
    %dma_wait3A_142 = arith.constant 0 : i32
    %dma_wait3A_143 = arith.constant 0 : i32
    %dma_wait3A_144 = tpu.memref_slice %arg4[%dma_wait3A_142, %dma_wait3A_143] : memref<50000x16xf32, #tpu.memory_space<hbm>> -> memref<50000x16xf32, #tpu.memory_space<hbm>>
    tpu.wait_indirect_dma semaphore(%arg22 : memref<!tpu.dma_semaphore, #tpu.memory_space<semaphore_mem>>) src(%dma_wait3A_144 : memref<50000x16xf32, #tpu.memory_space<hbm>>) dst(%arg12 : memref<128x16xf32, #tpu.memory_space<vmem>>)
    %dma_start3A_145 = arith.constant 195 : i32
    %dma_start3A_146 = arith.constant 0 : i32
    %dma_start3A_147 = tpu.memref_slice %arg8[%dma_start3A_145, %dma_start3A_146] : memref<200x128xi32, #tpu.memory_space<vmem>> -> memref<1x128xi32, #tpu.memory_space<vmem>>
    %dma_start3A_148 = tpu.memref_squeeze %dma_start3A_147 : memref<1x128xi32, #tpu.memory_space<vmem>> -> memref<128xi32, #tpu.memory_space<vmem>>
    %dma_start3A_149 = arith.constant 0 : i32
    %dma_start3A_150 = arith.constant 0 : i32
    %dma_start3A_151 = tpu.memref_slice %arg18[%dma_start3A_149, %dma_start3A_150] : memref<50176x16xf32, #tpu.memory_space<vmem_shared>> -> memref<50176x16xf32, #tpu.memory_space<vmem_shared>>
    tpu.enqueue_indirect_dma source(%arg12 : memref<128x16xf32, #tpu.memory_space<vmem>>) target(%dma_start3A_151 : memref<50176x16xf32, #tpu.memory_space<vmem_shared>>) offsets(%dma_start3A_148 : memref<128xi32, #tpu.memory_space<vmem>>) semaphore(%arg30 : memref<!tpu.dma_semaphore, #tpu.memory_space<semaphore_mem>>) {add = true}
    %dma_wait3A_152 = arith.constant 196 : i32
    %dma_wait3A_153 = arith.constant 0 : i32
    %dma_wait3A_154 = tpu.memref_slice %arg7[%dma_wait3A_152, %dma_wait3A_153] : memref<200x128xi32, #tpu.memory_space<vmem>> -> memref<1x128xi32, #tpu.memory_space<vmem>>
    %dma_wait3A_155 = tpu.memref_squeeze %dma_wait3A_154 : memref<1x128xi32, #tpu.memory_space<vmem>> -> memref<128xi32, #tpu.memory_space<vmem>>
    %dma_wait3A_156 = arith.constant 0 : i32
    %dma_wait3A_157 = arith.constant 0 : i32
    %dma_wait3A_158 = tpu.memref_slice %arg4[%dma_wait3A_156, %dma_wait3A_157] : memref<50000x16xf32, #tpu.memory_space<hbm>> -> memref<50000x16xf32, #tpu.memory_space<hbm>>
    tpu.wait_indirect_dma semaphore(%arg23 : memref<!tpu.dma_semaphore, #tpu.memory_space<semaphore_mem>>) src(%dma_wait3A_158 : memref<50000x16xf32, #tpu.memory_space<hbm>>) dst(%arg13 : memref<128x16xf32, #tpu.memory_space<vmem>>)
    %dma_start3A_159 = arith.constant 196 : i32
    %dma_start3A_160 = arith.constant 0 : i32
    %dma_start3A_161 = tpu.memref_slice %arg8[%dma_start3A_159, %dma_start3A_160] : memref<200x128xi32, #tpu.memory_space<vmem>> -> memref<1x128xi32, #tpu.memory_space<vmem>>
    %dma_start3A_162 = tpu.memref_squeeze %dma_start3A_161 : memref<1x128xi32, #tpu.memory_space<vmem>> -> memref<128xi32, #tpu.memory_space<vmem>>
    %dma_start3A_163 = arith.constant 0 : i32
    %dma_start3A_164 = arith.constant 0 : i32
    %dma_start3A_165 = tpu.memref_slice %arg18[%dma_start3A_163, %dma_start3A_164] : memref<50176x16xf32, #tpu.memory_space<vmem_shared>> -> memref<50176x16xf32, #tpu.memory_space<vmem_shared>>
    tpu.enqueue_indirect_dma source(%arg13 : memref<128x16xf32, #tpu.memory_space<vmem>>) target(%dma_start3A_165 : memref<50176x16xf32, #tpu.memory_space<vmem_shared>>) offsets(%dma_start3A_162 : memref<128xi32, #tpu.memory_space<vmem>>) semaphore(%arg31 : memref<!tpu.dma_semaphore, #tpu.memory_space<semaphore_mem>>) {add = true}
    %dma_wait3A_166 = arith.constant 197 : i32
    %dma_wait3A_167 = arith.constant 0 : i32
    %dma_wait3A_168 = tpu.memref_slice %arg7[%dma_wait3A_166, %dma_wait3A_167] : memref<200x128xi32, #tpu.memory_space<vmem>> -> memref<1x128xi32, #tpu.memory_space<vmem>>
    %dma_wait3A_169 = tpu.memref_squeeze %dma_wait3A_168 : memref<1x128xi32, #tpu.memory_space<vmem>> -> memref<128xi32, #tpu.memory_space<vmem>>
    %dma_wait3A_170 = arith.constant 0 : i32
    %dma_wait3A_171 = arith.constant 0 : i32
    %dma_wait3A_172 = tpu.memref_slice %arg4[%dma_wait3A_170, %dma_wait3A_171] : memref<50000x16xf32, #tpu.memory_space<hbm>> -> memref<50000x16xf32, #tpu.memory_space<hbm>>
    tpu.wait_indirect_dma semaphore(%arg24 : memref<!tpu.dma_semaphore, #tpu.memory_space<semaphore_mem>>) src(%dma_wait3A_172 : memref<50000x16xf32, #tpu.memory_space<hbm>>) dst(%arg14 : memref<128x16xf32, #tpu.memory_space<vmem>>)
    %dma_start3A_173 = arith.constant 197 : i32
    %dma_start3A_174 = arith.constant 0 : i32
    %dma_start3A_175 = tpu.memref_slice %arg8[%dma_start3A_173, %dma_start3A_174] : memref<200x128xi32, #tpu.memory_space<vmem>> -> memref<1x128xi32, #tpu.memory_space<vmem>>
    %dma_start3A_176 = tpu.memref_squeeze %dma_start3A_175 : memref<1x128xi32, #tpu.memory_space<vmem>> -> memref<128xi32, #tpu.memory_space<vmem>>
    %dma_start3A_177 = arith.constant 0 : i32
    %dma_start3A_178 = arith.constant 0 : i32
    %dma_start3A_179 = tpu.memref_slice %arg18[%dma_start3A_177, %dma_start3A_178] : memref<50176x16xf32, #tpu.memory_space<vmem_shared>> -> memref<50176x16xf32, #tpu.memory_space<vmem_shared>>
    tpu.enqueue_indirect_dma source(%arg14 : memref<128x16xf32, #tpu.memory_space<vmem>>) target(%dma_start3A_179 : memref<50176x16xf32, #tpu.memory_space<vmem_shared>>) offsets(%dma_start3A_176 : memref<128xi32, #tpu.memory_space<vmem>>) semaphore(%arg32 : memref<!tpu.dma_semaphore, #tpu.memory_space<semaphore_mem>>) {add = true}
    %dma_wait3A_180 = arith.constant 198 : i32
    %dma_wait3A_181 = arith.constant 0 : i32
    %dma_wait3A_182 = tpu.memref_slice %arg7[%dma_wait3A_180, %dma_wait3A_181] : memref<200x128xi32, #tpu.memory_space<vmem>> -> memref<1x128xi32, #tpu.memory_space<vmem>>
    %dma_wait3A_183 = tpu.memref_squeeze %dma_wait3A_182 : memref<1x128xi32, #tpu.memory_space<vmem>> -> memref<128xi32, #tpu.memory_space<vmem>>
    %dma_wait3A_184 = arith.constant 0 : i32
    %dma_wait3A_185 = arith.constant 0 : i32
    %dma_wait3A_186 = tpu.memref_slice %arg4[%dma_wait3A_184, %dma_wait3A_185] : memref<50000x16xf32, #tpu.memory_space<hbm>> -> memref<50000x16xf32, #tpu.memory_space<hbm>>
    tpu.wait_indirect_dma semaphore(%arg25 : memref<!tpu.dma_semaphore, #tpu.memory_space<semaphore_mem>>) src(%dma_wait3A_186 : memref<50000x16xf32, #tpu.memory_space<hbm>>) dst(%arg15 : memref<128x16xf32, #tpu.memory_space<vmem>>)
    %dma_start3A_187 = arith.constant 198 : i32
    %dma_start3A_188 = arith.constant 0 : i32
    %dma_start3A_189 = tpu.memref_slice %arg8[%dma_start3A_187, %dma_start3A_188] : memref<200x128xi32, #tpu.memory_space<vmem>> -> memref<1x128xi32, #tpu.memory_space<vmem>>
    %dma_start3A_190 = tpu.memref_squeeze %dma_start3A_189 : memref<1x128xi32, #tpu.memory_space<vmem>> -> memref<128xi32, #tpu.memory_space<vmem>>
    %dma_start3A_191 = arith.constant 0 : i32
    %dma_start3A_192 = arith.constant 0 : i32
    %dma_start3A_193 = tpu.memref_slice %arg18[%dma_start3A_191, %dma_start3A_192] : memref<50176x16xf32, #tpu.memory_space<vmem_shared>> -> memref<50176x16xf32, #tpu.memory_space<vmem_shared>>
    tpu.enqueue_indirect_dma source(%arg15 : memref<128x16xf32, #tpu.memory_space<vmem>>) target(%dma_start3A_193 : memref<50176x16xf32, #tpu.memory_space<vmem_shared>>) offsets(%dma_start3A_190 : memref<128xi32, #tpu.memory_space<vmem>>) semaphore(%arg33 : memref<!tpu.dma_semaphore, #tpu.memory_space<semaphore_mem>>) {add = true}
    %dma_wait3A_194 = arith.constant 199 : i32
    %dma_wait3A_195 = arith.constant 0 : i32
    %dma_wait3A_196 = tpu.memref_slice %arg7[%dma_wait3A_194, %dma_wait3A_195] : memref<200x128xi32, #tpu.memory_space<vmem>> -> memref<1x128xi32, #tpu.memory_space<vmem>>
    %dma_wait3A_197 = tpu.memref_squeeze %dma_wait3A_196 : memref<1x128xi32, #tpu.memory_space<vmem>> -> memref<128xi32, #tpu.memory_space<vmem>>
    %dma_wait3A_198 = arith.constant 0 : i32
    %dma_wait3A_199 = arith.constant 0 : i32
    %dma_wait3A_200 = tpu.memref_slice %arg4[%dma_wait3A_198, %dma_wait3A_199] : memref<50000x16xf32, #tpu.memory_space<hbm>> -> memref<50000x16xf32, #tpu.memory_space<hbm>>
    tpu.wait_indirect_dma semaphore(%arg26 : memref<!tpu.dma_semaphore, #tpu.memory_space<semaphore_mem>>) src(%dma_wait3A_200 : memref<50000x16xf32, #tpu.memory_space<hbm>>) dst(%arg16 : memref<128x16xf32, #tpu.memory_space<vmem>>)
    %dma_start3A_201 = arith.constant 199 : i32
    %dma_start3A_202 = arith.constant 0 : i32
    %dma_start3A_203 = tpu.memref_slice %arg8[%dma_start3A_201, %dma_start3A_202] : memref<200x128xi32, #tpu.memory_space<vmem>> -> memref<1x128xi32, #tpu.memory_space<vmem>>
    %dma_start3A_204 = tpu.memref_squeeze %dma_start3A_203 : memref<1x128xi32, #tpu.memory_space<vmem>> -> memref<128xi32, #tpu.memory_space<vmem>>
    %dma_start3A_205 = arith.constant 0 : i32
    %dma_start3A_206 = arith.constant 0 : i32
    %dma_start3A_207 = tpu.memref_slice %arg18[%dma_start3A_205, %dma_start3A_206] : memref<50176x16xf32, #tpu.memory_space<vmem_shared>> -> memref<50176x16xf32, #tpu.memory_space<vmem_shared>>
    tpu.enqueue_indirect_dma source(%arg16 : memref<128x16xf32, #tpu.memory_space<vmem>>) target(%dma_start3A_207 : memref<50176x16xf32, #tpu.memory_space<vmem_shared>>) offsets(%dma_start3A_204 : memref<128xi32, #tpu.memory_space<vmem>>) semaphore(%arg34 : memref<!tpu.dma_semaphore, #tpu.memory_space<semaphore_mem>>) {add = true}
    %dma_wait3A_208 = arith.constant 192 : i32
    %dma_wait3A_209 = arith.constant 0 : i32
    %dma_wait3A_210 = tpu.memref_slice %arg8[%dma_wait3A_208, %dma_wait3A_209] : memref<200x128xi32, #tpu.memory_space<vmem>> -> memref<1x128xi32, #tpu.memory_space<vmem>>
    %dma_wait3A_211 = tpu.memref_squeeze %dma_wait3A_210 : memref<1x128xi32, #tpu.memory_space<vmem>> -> memref<128xi32, #tpu.memory_space<vmem>>
    %dma_wait3A_212 = arith.constant 0 : i32
    %dma_wait3A_213 = arith.constant 0 : i32
    %dma_wait3A_214 = tpu.memref_slice %arg18[%dma_wait3A_212, %dma_wait3A_213] : memref<50176x16xf32, #tpu.memory_space<vmem_shared>> -> memref<50176x16xf32, #tpu.memory_space<vmem_shared>>
    tpu.wait_indirect_dma semaphore(%arg27 : memref<!tpu.dma_semaphore, #tpu.memory_space<semaphore_mem>>) src(%arg9 : memref<128x16xf32, #tpu.memory_space<vmem>>) dst(%dma_wait3A_214 : memref<50176x16xf32, #tpu.memory_space<vmem_shared>>)
    %dma_wait3A_215 = arith.constant 193 : i32
    %dma_wait3A_216 = arith.constant 0 : i32
    %dma_wait3A_217 = tpu.memref_slice %arg8[%dma_wait3A_215, %dma_wait3A_216] : memref<200x128xi32, #tpu.memory_space<vmem>> -> memref<1x128xi32, #tpu.memory_space<vmem>>
    %dma_wait3A_218 = tpu.memref_squeeze %dma_wait3A_217 : memref<1x128xi32, #tpu.memory_space<vmem>> -> memref<128xi32, #tpu.memory_space<vmem>>
    %dma_wait3A_219 = arith.constant 0 : i32
    %dma_wait3A_220 = arith.constant 0 : i32
    %dma_wait3A_221 = tpu.memref_slice %arg18[%dma_wait3A_219, %dma_wait3A_220] : memref<50176x16xf32, #tpu.memory_space<vmem_shared>> -> memref<50176x16xf32, #tpu.memory_space<vmem_shared>>
    tpu.wait_indirect_dma semaphore(%arg28 : memref<!tpu.dma_semaphore, #tpu.memory_space<semaphore_mem>>) src(%arg10 : memref<128x16xf32, #tpu.memory_space<vmem>>) dst(%dma_wait3A_221 : memref<50176x16xf32, #tpu.memory_space<vmem_shared>>)
    %dma_wait3A_222 = arith.constant 194 : i32
    %dma_wait3A_223 = arith.constant 0 : i32
    %dma_wait3A_224 = tpu.memref_slice %arg8[%dma_wait3A_222, %dma_wait3A_223] : memref<200x128xi32, #tpu.memory_space<vmem>> -> memref<1x128xi32, #tpu.memory_space<vmem>>
    %dma_wait3A_225 = tpu.memref_squeeze %dma_wait3A_224 : memref<1x128xi32, #tpu.memory_space<vmem>> -> memref<128xi32, #tpu.memory_space<vmem>>
    %dma_wait3A_226 = arith.constant 0 : i32
    %dma_wait3A_227 = arith.constant 0 : i32
    %dma_wait3A_228 = tpu.memref_slice %arg18[%dma_wait3A_226, %dma_wait3A_227] : memref<50176x16xf32, #tpu.memory_space<vmem_shared>> -> memref<50176x16xf32, #tpu.memory_space<vmem_shared>>
    tpu.wait_indirect_dma semaphore(%arg29 : memref<!tpu.dma_semaphore, #tpu.memory_space<semaphore_mem>>) src(%arg11 : memref<128x16xf32, #tpu.memory_space<vmem>>) dst(%dma_wait3A_228 : memref<50176x16xf32, #tpu.memory_space<vmem_shared>>)
    %dma_wait3A_229 = arith.constant 195 : i32
    %dma_wait3A_230 = arith.constant 0 : i32
    %dma_wait3A_231 = tpu.memref_slice %arg8[%dma_wait3A_229, %dma_wait3A_230] : memref<200x128xi32, #tpu.memory_space<vmem>> -> memref<1x128xi32, #tpu.memory_space<vmem>>
    %dma_wait3A_232 = tpu.memref_squeeze %dma_wait3A_231 : memref<1x128xi32, #tpu.memory_space<vmem>> -> memref<128xi32, #tpu.memory_space<vmem>>
    %dma_wait3A_233 = arith.constant 0 : i32
    %dma_wait3A_234 = arith.constant 0 : i32
    %dma_wait3A_235 = tpu.memref_slice %arg18[%dma_wait3A_233, %dma_wait3A_234] : memref<50176x16xf32, #tpu.memory_space<vmem_shared>> -> memref<50176x16xf32, #tpu.memory_space<vmem_shared>>
    tpu.wait_indirect_dma semaphore(%arg30 : memref<!tpu.dma_semaphore, #tpu.memory_space<semaphore_mem>>) src(%arg12 : memref<128x16xf32, #tpu.memory_space<vmem>>) dst(%dma_wait3A_235 : memref<50176x16xf32, #tpu.memory_space<vmem_shared>>)
    %dma_wait3A_236 = arith.constant 196 : i32
    %dma_wait3A_237 = arith.constant 0 : i32
    %dma_wait3A_238 = tpu.memref_slice %arg8[%dma_wait3A_236, %dma_wait3A_237] : memref<200x128xi32, #tpu.memory_space<vmem>> -> memref<1x128xi32, #tpu.memory_space<vmem>>
    %dma_wait3A_239 = tpu.memref_squeeze %dma_wait3A_238 : memref<1x128xi32, #tpu.memory_space<vmem>> -> memref<128xi32, #tpu.memory_space<vmem>>
    %dma_wait3A_240 = arith.constant 0 : i32
    %dma_wait3A_241 = arith.constant 0 : i32
    %dma_wait3A_242 = tpu.memref_slice %arg18[%dma_wait3A_240, %dma_wait3A_241] : memref<50176x16xf32, #tpu.memory_space<vmem_shared>> -> memref<50176x16xf32, #tpu.memory_space<vmem_shared>>
    tpu.wait_indirect_dma semaphore(%arg31 : memref<!tpu.dma_semaphore, #tpu.memory_space<semaphore_mem>>) src(%arg13 : memref<128x16xf32, #tpu.memory_space<vmem>>) dst(%dma_wait3A_242 : memref<50176x16xf32, #tpu.memory_space<vmem_shared>>)
    %dma_wait3A_243 = arith.constant 197 : i32
    %dma_wait3A_244 = arith.constant 0 : i32
    %dma_wait3A_245 = tpu.memref_slice %arg8[%dma_wait3A_243, %dma_wait3A_244] : memref<200x128xi32, #tpu.memory_space<vmem>> -> memref<1x128xi32, #tpu.memory_space<vmem>>
    %dma_wait3A_246 = tpu.memref_squeeze %dma_wait3A_245 : memref<1x128xi32, #tpu.memory_space<vmem>> -> memref<128xi32, #tpu.memory_space<vmem>>
    %dma_wait3A_247 = arith.constant 0 : i32
    %dma_wait3A_248 = arith.constant 0 : i32
    %dma_wait3A_249 = tpu.memref_slice %arg18[%dma_wait3A_247, %dma_wait3A_248] : memref<50176x16xf32, #tpu.memory_space<vmem_shared>> -> memref<50176x16xf32, #tpu.memory_space<vmem_shared>>
    tpu.wait_indirect_dma semaphore(%arg32 : memref<!tpu.dma_semaphore, #tpu.memory_space<semaphore_mem>>) src(%arg14 : memref<128x16xf32, #tpu.memory_space<vmem>>) dst(%dma_wait3A_249 : memref<50176x16xf32, #tpu.memory_space<vmem_shared>>)
    %dma_wait3A_250 = arith.constant 198 : i32
    %dma_wait3A_251 = arith.constant 0 : i32
    %dma_wait3A_252 = tpu.memref_slice %arg8[%dma_wait3A_250, %dma_wait3A_251] : memref<200x128xi32, #tpu.memory_space<vmem>> -> memref<1x128xi32, #tpu.memory_space<vmem>>
    %dma_wait3A_253 = tpu.memref_squeeze %dma_wait3A_252 : memref<1x128xi32, #tpu.memory_space<vmem>> -> memref<128xi32, #tpu.memory_space<vmem>>
    %dma_wait3A_254 = arith.constant 0 : i32
    %dma_wait3A_255 = arith.constant 0 : i32
    %dma_wait3A_256 = tpu.memref_slice %arg18[%dma_wait3A_254, %dma_wait3A_255] : memref<50176x16xf32, #tpu.memory_space<vmem_shared>> -> memref<50176x16xf32, #tpu.memory_space<vmem_shared>>
    tpu.wait_indirect_dma semaphore(%arg33 : memref<!tpu.dma_semaphore, #tpu.memory_space<semaphore_mem>>) src(%arg15 : memref<128x16xf32, #tpu.memory_space<vmem>>) dst(%dma_wait3A_256 : memref<50176x16xf32, #tpu.memory_space<vmem_shared>>)
    %dma_wait3A_257 = arith.constant 199 : i32
    %dma_wait3A_258 = arith.constant 0 : i32
    %dma_wait3A_259 = tpu.memref_slice %arg8[%dma_wait3A_257, %dma_wait3A_258] : memref<200x128xi32, #tpu.memory_space<vmem>> -> memref<1x128xi32, #tpu.memory_space<vmem>>
    %dma_wait3A_260 = tpu.memref_squeeze %dma_wait3A_259 : memref<1x128xi32, #tpu.memory_space<vmem>> -> memref<128xi32, #tpu.memory_space<vmem>>
    %dma_wait3A_261 = arith.constant 0 : i32
    %dma_wait3A_262 = arith.constant 0 : i32
    %dma_wait3A_263 = tpu.memref_slice %arg18[%dma_wait3A_261, %dma_wait3A_262] : memref<50176x16xf32, #tpu.memory_space<vmem_shared>> -> memref<50176x16xf32, #tpu.memory_space<vmem_shared>>
    tpu.wait_indirect_dma semaphore(%arg34 : memref<!tpu.dma_semaphore, #tpu.memory_space<semaphore_mem>>) src(%arg16 : memref<128x16xf32, #tpu.memory_space<vmem>>) dst(%dma_wait3A_263 : memref<50176x16xf32, #tpu.memory_space<vmem_shared>>)
    %barrier3A_264 = arith.constant 0 : index
    tpu.barrier barrier_id(%barrier3A_264)
    %mul3A_265 = arith.constant 3136 : i32
    %mul3A_266 = arith.muli %arg1, %mul3A_265 : i32
    %add3A_267 = arith.constant 0 : i32
    %add3A_268 = arith.addi %mul3A_266, %add3A_267 : i32
    "tpu.region"() ({
      %run_scoped3A = tpu.sem_alloc : memref<!tpu.dma_semaphore, #tpu.memory_space<semaphore_mem>>
      %dma_start3A_353 = arith.constant 0 : i32
      %dma_start3A_354 = tpu.memref_slice %arg18[%add3A_268, %dma_start3A_353] : memref<50176x16xf32, #tpu.memory_space<vmem_shared>> -> memref<392x16xf32, #tpu.memory_space<vmem_shared>>
      %dma_start3A_355 = arith.constant 0 : i32
      %dma_start3A_356 = tpu.memref_slice %arg18[%add3A_268, %dma_start3A_355] : memref<50176x16xf32, #tpu.memory_space<vmem_shared>> -> memref<392x16xf32, #tpu.memory_space<vmem_shared>>
      tpu.enqueue_dma source(%dma_start3A_356 : memref<392x16xf32, #tpu.memory_space<vmem_shared>>) target(%arg17 : memref<392x16xf32, #tpu.memory_space<vmem>>) target_semaphore(%run_scoped3A : memref<!tpu.dma_semaphore, #tpu.memory_space<semaphore_mem>>)
      %dma_wait3A_357 = arith.constant 0 : i32
      %dma_wait3A_358 = tpu.memref_slice %arg18[%add3A_268, %dma_wait3A_357] : memref<50176x16xf32, #tpu.memory_space<vmem_shared>> -> memref<392x16xf32, #tpu.memory_space<vmem_shared>>
      %dma_wait3A_359 = arith.constant 0 : i32
      %dma_wait3A_360 = tpu.memref_slice %arg18[%add3A_268, %dma_wait3A_359] : memref<50176x16xf32, #tpu.memory_space<vmem_shared>> -> memref<392x16xf32, #tpu.memory_space<vmem_shared>>
      tpu.wait_dma2 semaphore(%run_scoped3A : memref<!tpu.dma_semaphore, #tpu.memory_space<semaphore_mem>>) src(%dma_wait3A_360 : memref<392x16xf32, #tpu.memory_space<vmem_shared>>) dst(%arg17 : memref<392x16xf32, #tpu.memory_space<vmem>>)
      tpu.yield
    }) : () -> ()
    %mul3A_269 = arith.constant 64000 : i32
    %mul3A_270 = arith.muli %arg0, %mul3A_269 : i32
    %mul3A_271 = arith.constant 3136 : i32
    %mul3A_272 = arith.muli %arg1, %mul3A_271 : i32
    %add3A_273 = arith.addi %mul3A_270, %mul3A_272 : i32
    %add3A_274 = arith.constant 0 : i32
    %add3A_275 = arith.addi %add3A_273, %add3A_274 : i32
    "tpu.region"() ({
      %run_scoped3A = tpu.sem_alloc : memref<!tpu.dma_semaphore, #tpu.memory_space<semaphore_mem>>
      %dma_start3A_353 = arith.constant 0 : i32
      %dma_start3A_354 = tpu.memref_slice %arg6[%add3A_275, %dma_start3A_353] : memref<128000x16xf32, #tpu.memory_space<hbm>> -> memref<392x16xf32, #tpu.memory_space<hbm>>
      %dma_start3A_355 = arith.constant 0 : i32
      %dma_start3A_356 = tpu.memref_slice %arg6[%add3A_275, %dma_start3A_355] : memref<128000x16xf32, #tpu.memory_space<hbm>> -> memref<392x16xf32, #tpu.memory_space<hbm>>
      tpu.enqueue_dma source(%arg17 : memref<392x16xf32, #tpu.memory_space<vmem>>) target(%dma_start3A_356 : memref<392x16xf32, #tpu.memory_space<hbm>>) target_semaphore(%run_scoped3A : memref<!tpu.dma_semaphore, #tpu.memory_space<semaphore_mem>>)
      %dma_wait3A_357 = arith.constant 0 : i32
      %dma_wait3A_358 = tpu.memref_slice %arg6[%add3A_275, %dma_wait3A_357] : memref<128000x16xf32, #tpu.memory_space<hbm>> -> memref<392x16xf32, #tpu.memory_space<hbm>>
      %dma_wait3A_359 = arith.constant 0 : i32
      %dma_wait3A_360 = tpu.memref_slice %arg6[%add3A_275, %dma_wait3A_359] : memref<128000x16xf32, #tpu.memory_space<hbm>> -> memref<392x16xf32, #tpu.memory_space<hbm>>
      tpu.wait_dma2 semaphore(%run_scoped3A : memref<!tpu.dma_semaphore, #tpu.memory_space<semaphore_mem>>) src(%arg17 : memref<392x16xf32, #tpu.memory_space<vmem>>) dst(%dma_wait3A_360 : memref<392x16xf32, #tpu.memory_space<hbm>>)
      tpu.yield
    }) : () -> ()
    %mul3A_276 = arith.constant 3136 : i32
    %mul3A_277 = arith.muli %arg1, %mul3A_276 : i32
    %add3A_278 = arith.constant 392 : i32
    %add3A_279 = arith.addi %mul3A_277, %add3A_278 : i32
    "tpu.region"() ({
      %run_scoped3A = tpu.sem_alloc : memref<!tpu.dma_semaphore, #tpu.memory_space<semaphore_mem>>
      %dma_start3A_353 = arith.constant 0 : i32
      %dma_start3A_354 = tpu.memref_slice %arg18[%add3A_279, %dma_start3A_353] : memref<50176x16xf32, #tpu.memory_space<vmem_shared>> -> memref<392x16xf32, #tpu.memory_space<vmem_shared>>
      %dma_start3A_355 = arith.constant 0 : i32
      %dma_start3A_356 = tpu.memref_slice %arg18[%add3A_279, %dma_start3A_355] : memref<50176x16xf32, #tpu.memory_space<vmem_shared>> -> memref<392x16xf32, #tpu.memory_space<vmem_shared>>
      tpu.enqueue_dma source(%dma_start3A_356 : memref<392x16xf32, #tpu.memory_space<vmem_shared>>) target(%arg17 : memref<392x16xf32, #tpu.memory_space<vmem>>) target_semaphore(%run_scoped3A : memref<!tpu.dma_semaphore, #tpu.memory_space<semaphore_mem>>)
      %dma_wait3A_357 = arith.constant 0 : i32
      %dma_wait3A_358 = tpu.memref_slice %arg18[%add3A_279, %dma_wait3A_357] : memref<50176x16xf32, #tpu.memory_space<vmem_shared>> -> memref<392x16xf32, #tpu.memory_space<vmem_shared>>
      %dma_wait3A_359 = arith.constant 0 : i32
      %dma_wait3A_360 = tpu.memref_slice %arg18[%add3A_279, %dma_wait3A_359] : memref<50176x16xf32, #tpu.memory_space<vmem_shared>> -> memref<392x16xf32, #tpu.memory_space<vmem_shared>>
      tpu.wait_dma2 semaphore(%run_scoped3A : memref<!tpu.dma_semaphore, #tpu.memory_space<semaphore_mem>>) src(%dma_wait3A_360 : memref<392x16xf32, #tpu.memory_space<vmem_shared>>) dst(%arg17 : memref<392x16xf32, #tpu.memory_space<vmem>>)
      tpu.yield
    }) : () -> ()
    %mul3A_280 = arith.constant 64000 : i32
    %mul3A_281 = arith.muli %arg0, %mul3A_280 : i32
    %mul3A_282 = arith.constant 3136 : i32
    %mul3A_283 = arith.muli %arg1, %mul3A_282 : i32
    %add3A_284 = arith.addi %mul3A_281, %mul3A_283 : i32
    %add3A_285 = arith.constant 392 : i32
    %add3A_286 = arith.addi %add3A_284, %add3A_285 : i32
    "tpu.region"() ({
      %run_scoped3A = tpu.sem_alloc : memref<!tpu.dma_semaphore, #tpu.memory_space<semaphore_mem>>
      %dma_start3A_353 = arith.constant 0 : i32
      %dma_start3A_354 = tpu.memref_slice %arg6[%add3A_286, %dma_start3A_353] : memref<128000x16xf32, #tpu.memory_space<hbm>> -> memref<392x16xf32, #tpu.memory_space<hbm>>
      %dma_start3A_355 = arith.constant 0 : i32
      %dma_start3A_356 = tpu.memref_slice %arg6[%add3A_286, %dma_start3A_355] : memref<128000x16xf32, #tpu.memory_space<hbm>> -> memref<392x16xf32, #tpu.memory_space<hbm>>
      tpu.enqueue_dma source(%arg17 : memref<392x16xf32, #tpu.memory_space<vmem>>) target(%dma_start3A_356 : memref<392x16xf32, #tpu.memory_space<hbm>>) target_semaphore(%run_scoped3A : memref<!tpu.dma_semaphore, #tpu.memory_space<semaphore_mem>>)
      %dma_wait3A_357 = arith.constant 0 : i32
      %dma_wait3A_358 = tpu.memref_slice %arg6[%add3A_286, %dma_wait3A_357] : memref<128000x16xf32, #tpu.memory_space<hbm>> -> memref<392x16xf32, #tpu.memory_space<hbm>>
      %dma_wait3A_359 = arith.constant 0 : i32
      %dma_wait3A_360 = tpu.memref_slice %arg6[%add3A_286, %dma_wait3A_359] : memref<128000x16xf32, #tpu.memory_space<hbm>> -> memref<392x16xf32, #tpu.memory_space<hbm>>
      tpu.wait_dma2 semaphore(%run_scoped3A : memref<!tpu.dma_semaphore, #tpu.memory_space<semaphore_mem>>) src(%arg17 : memref<392x16xf32, #tpu.memory_space<vmem>>) dst(%dma_wait3A_360 : memref<392x16xf32, #tpu.memory_space<hbm>>)
      tpu.yield
    }) : () -> ()
    %mul3A_287 = arith.constant 3136 : i32
    %mul3A_288 = arith.muli %arg1, %mul3A_287 : i32
    %add3A_289 = arith.constant 784 : i32
    %add3A_290 = arith.addi %mul3A_288, %add3A_289 : i32
    "tpu.region"() ({
      %run_scoped3A = tpu.sem_alloc : memref<!tpu.dma_semaphore, #tpu.memory_space<semaphore_mem>>
      %dma_start3A_353 = arith.constant 0 : i32
      %dma_start3A_354 = tpu.memref_slice %arg18[%add3A_290, %dma_start3A_353] : memref<50176x16xf32, #tpu.memory_space<vmem_shared>> -> memref<392x16xf32, #tpu.memory_space<vmem_shared>>
      %dma_start3A_355 = arith.constant 0 : i32
      %dma_start3A_356 = tpu.memref_slice %arg18[%add3A_290, %dma_start3A_355] : memref<50176x16xf32, #tpu.memory_space<vmem_shared>> -> memref<392x16xf32, #tpu.memory_space<vmem_shared>>
      tpu.enqueue_dma source(%dma_start3A_356 : memref<392x16xf32, #tpu.memory_space<vmem_shared>>) target(%arg17 : memref<392x16xf32, #tpu.memory_space<vmem>>) target_semaphore(%run_scoped3A : memref<!tpu.dma_semaphore, #tpu.memory_space<semaphore_mem>>)
      %dma_wait3A_357 = arith.constant 0 : i32
      %dma_wait3A_358 = tpu.memref_slice %arg18[%add3A_290, %dma_wait3A_357] : memref<50176x16xf32, #tpu.memory_space<vmem_shared>> -> memref<392x16xf32, #tpu.memory_space<vmem_shared>>
      %dma_wait3A_359 = arith.constant 0 : i32
      %dma_wait3A_360 = tpu.memref_slice %arg18[%add3A_290, %dma_wait3A_359] : memref<50176x16xf32, #tpu.memory_space<vmem_shared>> -> memref<392x16xf32, #tpu.memory_space<vmem_shared>>
      tpu.wait_dma2 semaphore(%run_scoped3A : memref<!tpu.dma_semaphore, #tpu.memory_space<semaphore_mem>>) src(%dma_wait3A_360 : memref<392x16xf32, #tpu.memory_space<vmem_shared>>) dst(%arg17 : memref<392x16xf32, #tpu.memory_space<vmem>>)
      tpu.yield
    }) : () -> ()
    %mul3A_291 = arith.constant 64000 : i32
    %mul3A_292 = arith.muli %arg0, %mul3A_291 : i32
    %mul3A_293 = arith.constant 3136 : i32
    %mul3A_294 = arith.muli %arg1, %mul3A_293 : i32
    %add3A_295 = arith.addi %mul3A_292, %mul3A_294 : i32
    %add3A_296 = arith.constant 784 : i32
    %add3A_297 = arith.addi %add3A_295, %add3A_296 : i32
    "tpu.region"() ({
      %run_scoped3A = tpu.sem_alloc : memref<!tpu.dma_semaphore, #tpu.memory_space<semaphore_mem>>
      %dma_start3A_353 = arith.constant 0 : i32
      %dma_start3A_354 = tpu.memref_slice %arg6[%add3A_297, %dma_start3A_353] : memref<128000x16xf32, #tpu.memory_space<hbm>> -> memref<392x16xf32, #tpu.memory_space<hbm>>
      %dma_start3A_355 = arith.constant 0 : i32
      %dma_start3A_356 = tpu.memref_slice %arg6[%add3A_297, %dma_start3A_355] : memref<128000x16xf32, #tpu.memory_space<hbm>> -> memref<392x16xf32, #tpu.memory_space<hbm>>
      tpu.enqueue_dma source(%arg17 : memref<392x16xf32, #tpu.memory_space<vmem>>) target(%dma_start3A_356 : memref<392x16xf32, #tpu.memory_space<hbm>>) target_semaphore(%run_scoped3A : memref<!tpu.dma_semaphore, #tpu.memory_space<semaphore_mem>>)
      %dma_wait3A_357 = arith.constant 0 : i32
      %dma_wait3A_358 = tpu.memref_slice %arg6[%add3A_297, %dma_wait3A_357] : memref<128000x16xf32, #tpu.memory_space<hbm>> -> memref<392x16xf32, #tpu.memory_space<hbm>>
      %dma_wait3A_359 = arith.constant 0 : i32
      %dma_wait3A_360 = tpu.memref_slice %arg6[%add3A_297, %dma_wait3A_359] : memref<128000x16xf32, #tpu.memory_space<hbm>> -> memref<392x16xf32, #tpu.memory_space<hbm>>
      tpu.wait_dma2 semaphore(%run_scoped3A : memref<!tpu.dma_semaphore, #tpu.memory_space<semaphore_mem>>) src(%arg17 : memref<392x16xf32, #tpu.memory_space<vmem>>) dst(%dma_wait3A_360 : memref<392x16xf32, #tpu.memory_space<hbm>>)
      tpu.yield
    }) : () -> ()
    %mul3A_298 = arith.constant 3136 : i32
    %mul3A_299 = arith.muli %arg1, %mul3A_298 : i32
    %add3A_300 = arith.constant 1176 : i32
    %add3A_301 = arith.addi %mul3A_299, %add3A_300 : i32
    "tpu.region"() ({
      %run_scoped3A = tpu.sem_alloc : memref<!tpu.dma_semaphore, #tpu.memory_space<semaphore_mem>>
      %dma_start3A_353 = arith.constant 0 : i32
      %dma_start3A_354 = tpu.memref_slice %arg18[%add3A_301, %dma_start3A_353] : memref<50176x16xf32, #tpu.memory_space<vmem_shared>> -> memref<392x16xf32, #tpu.memory_space<vmem_shared>>
      %dma_start3A_355 = arith.constant 0 : i32
      %dma_start3A_356 = tpu.memref_slice %arg18[%add3A_301, %dma_start3A_355] : memref<50176x16xf32, #tpu.memory_space<vmem_shared>> -> memref<392x16xf32, #tpu.memory_space<vmem_shared>>
      tpu.enqueue_dma source(%dma_start3A_356 : memref<392x16xf32, #tpu.memory_space<vmem_shared>>) target(%arg17 : memref<392x16xf32, #tpu.memory_space<vmem>>) target_semaphore(%run_scoped3A : memref<!tpu.dma_semaphore, #tpu.memory_space<semaphore_mem>>)
      %dma_wait3A_357 = arith.constant 0 : i32
      %dma_wait3A_358 = tpu.memref_slice %arg18[%add3A_301, %dma_wait3A_357] : memref<50176x16xf32, #tpu.memory_space<vmem_shared>> -> memref<392x16xf32, #tpu.memory_space<vmem_shared>>
      %dma_wait3A_359 = arith.constant 0 : i32
      %dma_wait3A_360 = tpu.memref_slice %arg18[%add3A_301, %dma_wait3A_359] : memref<50176x16xf32, #tpu.memory_space<vmem_shared>> -> memref<392x16xf32, #tpu.memory_space<vmem_shared>>
      tpu.wait_dma2 semaphore(%run_scoped3A : memref<!tpu.dma_semaphore, #tpu.memory_space<semaphore_mem>>) src(%dma_wait3A_360 : memref<392x16xf32, #tpu.memory_space<vmem_shared>>) dst(%arg17 : memref<392x16xf32, #tpu.memory_space<vmem>>)
      tpu.yield
    }) : () -> ()
    %mul3A_302 = arith.constant 64000 : i32
    %mul3A_303 = arith.muli %arg0, %mul3A_302 : i32
    %mul3A_304 = arith.constant 3136 : i32
    %mul3A_305 = arith.muli %arg1, %mul3A_304 : i32
    %add3A_306 = arith.addi %mul3A_303, %mul3A_305 : i32
    %add3A_307 = arith.constant 1176 : i32
    %add3A_308 = arith.addi %add3A_306, %add3A_307 : i32
    "tpu.region"() ({
      %run_scoped3A = tpu.sem_alloc : memref<!tpu.dma_semaphore, #tpu.memory_space<semaphore_mem>>
      %dma_start3A_353 = arith.constant 0 : i32
      %dma_start3A_354 = tpu.memref_slice %arg6[%add3A_308, %dma_start3A_353] : memref<128000x16xf32, #tpu.memory_space<hbm>> -> memref<392x16xf32, #tpu.memory_space<hbm>>
      %dma_start3A_355 = arith.constant 0 : i32
      %dma_start3A_356 = tpu.memref_slice %arg6[%add3A_308, %dma_start3A_355] : memref<128000x16xf32, #tpu.memory_space<hbm>> -> memref<392x16xf32, #tpu.memory_space<hbm>>
      tpu.enqueue_dma source(%arg17 : memref<392x16xf32, #tpu.memory_space<vmem>>) target(%dma_start3A_356 : memref<392x16xf32, #tpu.memory_space<hbm>>) target_semaphore(%run_scoped3A : memref<!tpu.dma_semaphore, #tpu.memory_space<semaphore_mem>>)
      %dma_wait3A_357 = arith.constant 0 : i32
      %dma_wait3A_358 = tpu.memref_slice %arg6[%add3A_308, %dma_wait3A_357] : memref<128000x16xf32, #tpu.memory_space<hbm>> -> memref<392x16xf32, #tpu.memory_space<hbm>>
      %dma_wait3A_359 = arith.constant 0 : i32
      %dma_wait3A_360 = tpu.memref_slice %arg6[%add3A_308, %dma_wait3A_359] : memref<128000x16xf32, #tpu.memory_space<hbm>> -> memref<392x16xf32, #tpu.memory_space<hbm>>
      tpu.wait_dma2 semaphore(%run_scoped3A : memref<!tpu.dma_semaphore, #tpu.memory_space<semaphore_mem>>) src(%arg17 : memref<392x16xf32, #tpu.memory_space<vmem>>) dst(%dma_wait3A_360 : memref<392x16xf32, #tpu.memory_space<hbm>>)
      tpu.yield
    }) : () -> ()
    %mul3A_309 = arith.constant 3136 : i32
    %mul3A_310 = arith.muli %arg1, %mul3A_309 : i32
    %add3A_311 = arith.constant 1568 : i32
    %add3A_312 = arith.addi %mul3A_310, %add3A_311 : i32
    "tpu.region"() ({
      %run_scoped3A = tpu.sem_alloc : memref<!tpu.dma_semaphore, #tpu.memory_space<semaphore_mem>>
      %dma_start3A_353 = arith.constant 0 : i32
      %dma_start3A_354 = tpu.memref_slice %arg18[%add3A_312, %dma_start3A_353] : memref<50176x16xf32, #tpu.memory_space<vmem_shared>> -> memref<392x16xf32, #tpu.memory_space<vmem_shared>>
      %dma_start3A_355 = arith.constant 0 : i32
      %dma_start3A_356 = tpu.memref_slice %arg18[%add3A_312, %dma_start3A_355] : memref<50176x16xf32, #tpu.memory_space<vmem_shared>> -> memref<392x16xf32, #tpu.memory_space<vmem_shared>>
      tpu.enqueue_dma source(%dma_start3A_356 : memref<392x16xf32, #tpu.memory_space<vmem_shared>>) target(%arg17 : memref<392x16xf32, #tpu.memory_space<vmem>>) target_semaphore(%run_scoped3A : memref<!tpu.dma_semaphore, #tpu.memory_space<semaphore_mem>>)
      %dma_wait3A_357 = arith.constant 0 : i32
      %dma_wait3A_358 = tpu.memref_slice %arg18[%add3A_312, %dma_wait3A_357] : memref<50176x16xf32, #tpu.memory_space<vmem_shared>> -> memref<392x16xf32, #tpu.memory_space<vmem_shared>>
      %dma_wait3A_359 = arith.constant 0 : i32
      %dma_wait3A_360 = tpu.memref_slice %arg18[%add3A_312, %dma_wait3A_359] : memref<50176x16xf32, #tpu.memory_space<vmem_shared>> -> memref<392x16xf32, #tpu.memory_space<vmem_shared>>
      tpu.wait_dma2 semaphore(%run_scoped3A : memref<!tpu.dma_semaphore, #tpu.memory_space<semaphore_mem>>) src(%dma_wait3A_360 : memref<392x16xf32, #tpu.memory_space<vmem_shared>>) dst(%arg17 : memref<392x16xf32, #tpu.memory_space<vmem>>)
      tpu.yield
    }) : () -> ()
    %mul3A_313 = arith.constant 64000 : i32
    %mul3A_314 = arith.muli %arg0, %mul3A_313 : i32
    %mul3A_315 = arith.constant 3136 : i32
    %mul3A_316 = arith.muli %arg1, %mul3A_315 : i32
    %add3A_317 = arith.addi %mul3A_314, %mul3A_316 : i32
    %add3A_318 = arith.constant 1568 : i32
    %add3A_319 = arith.addi %add3A_317, %add3A_318 : i32
    "tpu.region"() ({
      %run_scoped3A = tpu.sem_alloc : memref<!tpu.dma_semaphore, #tpu.memory_space<semaphore_mem>>
      %dma_start3A_353 = arith.constant 0 : i32
      %dma_start3A_354 = tpu.memref_slice %arg6[%add3A_319, %dma_start3A_353] : memref<128000x16xf32, #tpu.memory_space<hbm>> -> memref<392x16xf32, #tpu.memory_space<hbm>>
      %dma_start3A_355 = arith.constant 0 : i32
      %dma_start3A_356 = tpu.memref_slice %arg6[%add3A_319, %dma_start3A_355] : memref<128000x16xf32, #tpu.memory_space<hbm>> -> memref<392x16xf32, #tpu.memory_space<hbm>>
      tpu.enqueue_dma source(%arg17 : memref<392x16xf32, #tpu.memory_space<vmem>>) target(%dma_start3A_356 : memref<392x16xf32, #tpu.memory_space<hbm>>) target_semaphore(%run_scoped3A : memref<!tpu.dma_semaphore, #tpu.memory_space<semaphore_mem>>)
      %dma_wait3A_357 = arith.constant 0 : i32
      %dma_wait3A_358 = tpu.memref_slice %arg6[%add3A_319, %dma_wait3A_357] : memref<128000x16xf32, #tpu.memory_space<hbm>> -> memref<392x16xf32, #tpu.memory_space<hbm>>
      %dma_wait3A_359 = arith.constant 0 : i32
      %dma_wait3A_360 = tpu.memref_slice %arg6[%add3A_319, %dma_wait3A_359] : memref<128000x16xf32, #tpu.memory_space<hbm>> -> memref<392x16xf32, #tpu.memory_space<hbm>>
      tpu.wait_dma2 semaphore(%run_scoped3A : memref<!tpu.dma_semaphore, #tpu.memory_space<semaphore_mem>>) src(%arg17 : memref<392x16xf32, #tpu.memory_space<vmem>>) dst(%dma_wait3A_360 : memref<392x16xf32, #tpu.memory_space<hbm>>)
      tpu.yield
    }) : () -> ()
    %mul3A_320 = arith.constant 3136 : i32
    %mul3A_321 = arith.muli %arg1, %mul3A_320 : i32
    %add3A_322 = arith.constant 1960 : i32
    %add3A_323 = arith.addi %mul3A_321, %add3A_322 : i32
    "tpu.region"() ({
      %run_scoped3A = tpu.sem_alloc : memref<!tpu.dma_semaphore, #tpu.memory_space<semaphore_mem>>
      %dma_start3A_353 = arith.constant 0 : i32
      %dma_start3A_354 = tpu.memref_slice %arg18[%add3A_323, %dma_start3A_353] : memref<50176x16xf32, #tpu.memory_space<vmem_shared>> -> memref<392x16xf32, #tpu.memory_space<vmem_shared>>
      %dma_start3A_355 = arith.constant 0 : i32
      %dma_start3A_356 = tpu.memref_slice %arg18[%add3A_323, %dma_start3A_355] : memref<50176x16xf32, #tpu.memory_space<vmem_shared>> -> memref<392x16xf32, #tpu.memory_space<vmem_shared>>
      tpu.enqueue_dma source(%dma_start3A_356 : memref<392x16xf32, #tpu.memory_space<vmem_shared>>) target(%arg17 : memref<392x16xf32, #tpu.memory_space<vmem>>) target_semaphore(%run_scoped3A : memref<!tpu.dma_semaphore, #tpu.memory_space<semaphore_mem>>)
      %dma_wait3A_357 = arith.constant 0 : i32
      %dma_wait3A_358 = tpu.memref_slice %arg18[%add3A_323, %dma_wait3A_357] : memref<50176x16xf32, #tpu.memory_space<vmem_shared>> -> memref<392x16xf32, #tpu.memory_space<vmem_shared>>
      %dma_wait3A_359 = arith.constant 0 : i32
      %dma_wait3A_360 = tpu.memref_slice %arg18[%add3A_323, %dma_wait3A_359] : memref<50176x16xf32, #tpu.memory_space<vmem_shared>> -> memref<392x16xf32, #tpu.memory_space<vmem_shared>>
      tpu.wait_dma2 semaphore(%run_scoped3A : memref<!tpu.dma_semaphore, #tpu.memory_space<semaphore_mem>>) src(%dma_wait3A_360 : memref<392x16xf32, #tpu.memory_space<vmem_shared>>) dst(%arg17 : memref<392x16xf32, #tpu.memory_space<vmem>>)
      tpu.yield
    }) : () -> ()
    %mul3A_324 = arith.constant 64000 : i32
    %mul3A_325 = arith.muli %arg0, %mul3A_324 : i32
    %mul3A_326 = arith.constant 3136 : i32
    %mul3A_327 = arith.muli %arg1, %mul3A_326 : i32
    %add3A_328 = arith.addi %mul3A_325, %mul3A_327 : i32
    %add3A_329 = arith.constant 1960 : i32
    %add3A_330 = arith.addi %add3A_328, %add3A_329 : i32
    "tpu.region"() ({
      %run_scoped3A = tpu.sem_alloc : memref<!tpu.dma_semaphore, #tpu.memory_space<semaphore_mem>>
      %dma_start3A_353 = arith.constant 0 : i32
      %dma_start3A_354 = tpu.memref_slice %arg6[%add3A_330, %dma_start3A_353] : memref<128000x16xf32, #tpu.memory_space<hbm>> -> memref<392x16xf32, #tpu.memory_space<hbm>>
      %dma_start3A_355 = arith.constant 0 : i32
      %dma_start3A_356 = tpu.memref_slice %arg6[%add3A_330, %dma_start3A_355] : memref<128000x16xf32, #tpu.memory_space<hbm>> -> memref<392x16xf32, #tpu.memory_space<hbm>>
      tpu.enqueue_dma source(%arg17 : memref<392x16xf32, #tpu.memory_space<vmem>>) target(%dma_start3A_356 : memref<392x16xf32, #tpu.memory_space<hbm>>) target_semaphore(%run_scoped3A : memref<!tpu.dma_semaphore, #tpu.memory_space<semaphore_mem>>)
      %dma_wait3A_357 = arith.constant 0 : i32
      %dma_wait3A_358 = tpu.memref_slice %arg6[%add3A_330, %dma_wait3A_357] : memref<128000x16xf32, #tpu.memory_space<hbm>> -> memref<392x16xf32, #tpu.memory_space<hbm>>
      %dma_wait3A_359 = arith.constant 0 : i32
      %dma_wait3A_360 = tpu.memref_slice %arg6[%add3A_330, %dma_wait3A_359] : memref<128000x16xf32, #tpu.memory_space<hbm>> -> memref<392x16xf32, #tpu.memory_space<hbm>>
      tpu.wait_dma2 semaphore(%run_scoped3A : memref<!tpu.dma_semaphore, #tpu.memory_space<semaphore_mem>>) src(%arg17 : memref<392x16xf32, #tpu.memory_space<vmem>>) dst(%dma_wait3A_360 : memref<392x16xf32, #tpu.memory_space<hbm>>)
      tpu.yield
    }) : () -> ()
    %mul3A_331 = arith.constant 3136 : i32
    %mul3A_332 = arith.muli %arg1, %mul3A_331 : i32
    %add3A_333 = arith.constant 2352 : i32
    %add3A_334 = arith.addi %mul3A_332, %add3A_333 : i32
    "tpu.region"() ({
      %run_scoped3A = tpu.sem_alloc : memref<!tpu.dma_semaphore, #tpu.memory_space<semaphore_mem>>
      %dma_start3A_353 = arith.constant 0 : i32
      %dma_start3A_354 = tpu.memref_slice %arg18[%add3A_334, %dma_start3A_353] : memref<50176x16xf32, #tpu.memory_space<vmem_shared>> -> memref<392x16xf32, #tpu.memory_space<vmem_shared>>
      %dma_start3A_355 = arith.constant 0 : i32
      %dma_start3A_356 = tpu.memref_slice %arg18[%add3A_334, %dma_start3A_355] : memref<50176x16xf32, #tpu.memory_space<vmem_shared>> -> memref<392x16xf32, #tpu.memory_space<vmem_shared>>
      tpu.enqueue_dma source(%dma_start3A_356 : memref<392x16xf32, #tpu.memory_space<vmem_shared>>) target(%arg17 : memref<392x16xf32, #tpu.memory_space<vmem>>) target_semaphore(%run_scoped3A : memref<!tpu.dma_semaphore, #tpu.memory_space<semaphore_mem>>)
      %dma_wait3A_357 = arith.constant 0 : i32
      %dma_wait3A_358 = tpu.memref_slice %arg18[%add3A_334, %dma_wait3A_357] : memref<50176x16xf32, #tpu.memory_space<vmem_shared>> -> memref<392x16xf32, #tpu.memory_space<vmem_shared>>
      %dma_wait3A_359 = arith.constant 0 : i32
      %dma_wait3A_360 = tpu.memref_slice %arg18[%add3A_334, %dma_wait3A_359] : memref<50176x16xf32, #tpu.memory_space<vmem_shared>> -> memref<392x16xf32, #tpu.memory_space<vmem_shared>>
      tpu.wait_dma2 semaphore(%run_scoped3A : memref<!tpu.dma_semaphore, #tpu.memory_space<semaphore_mem>>) src(%dma_wait3A_360 : memref<392x16xf32, #tpu.memory_space<vmem_shared>>) dst(%arg17 : memref<392x16xf32, #tpu.memory_space<vmem>>)
      tpu.yield
    }) : () -> ()
    %mul3A_335 = arith.constant 64000 : i32
    %mul3A_336 = arith.muli %arg0, %mul3A_335 : i32
    %mul3A_337 = arith.constant 3136 : i32
    %mul3A_338 = arith.muli %arg1, %mul3A_337 : i32
    %add3A_339 = arith.addi %mul3A_336, %mul3A_338 : i32
    %add3A_340 = arith.constant 2352 : i32
    %add3A_341 = arith.addi %add3A_339, %add3A_340 : i32
    "tpu.region"() ({
      %run_scoped3A = tpu.sem_alloc : memref<!tpu.dma_semaphore, #tpu.memory_space<semaphore_mem>>
      %dma_start3A_353 = arith.constant 0 : i32
      %dma_start3A_354 = tpu.memref_slice %arg6[%add3A_341, %dma_start3A_353] : memref<128000x16xf32, #tpu.memory_space<hbm>> -> memref<392x16xf32, #tpu.memory_space<hbm>>
      %dma_start3A_355 = arith.constant 0 : i32
      %dma_start3A_356 = tpu.memref_slice %arg6[%add3A_341, %dma_start3A_355] : memref<128000x16xf32, #tpu.memory_space<hbm>> -> memref<392x16xf32, #tpu.memory_space<hbm>>
      tpu.enqueue_dma source(%arg17 : memref<392x16xf32, #tpu.memory_space<vmem>>) target(%dma_start3A_356 : memref<392x16xf32, #tpu.memory_space<hbm>>) target_semaphore(%run_scoped3A : memref<!tpu.dma_semaphore, #tpu.memory_space<semaphore_mem>>)
      %dma_wait3A_357 = arith.constant 0 : i32
      %dma_wait3A_358 = tpu.memref_slice %arg6[%add3A_341, %dma_wait3A_357] : memref<128000x16xf32, #tpu.memory_space<hbm>> -> memref<392x16xf32, #tpu.memory_space<hbm>>
      %dma_wait3A_359 = arith.constant 0 : i32
      %dma_wait3A_360 = tpu.memref_slice %arg6[%add3A_341, %dma_wait3A_359] : memref<128000x16xf32, #tpu.memory_space<hbm>> -> memref<392x16xf32, #tpu.memory_space<hbm>>
      tpu.wait_dma2 semaphore(%run_scoped3A : memref<!tpu.dma_semaphore, #tpu.memory_space<semaphore_mem>>) src(%arg17 : memref<392x16xf32, #tpu.memory_space<vmem>>) dst(%dma_wait3A_360 : memref<392x16xf32, #tpu.memory_space<hbm>>)
      tpu.yield
    }) : () -> ()
    %mul3A_342 = arith.constant 3136 : i32
    %mul3A_343 = arith.muli %arg1, %mul3A_342 : i32
    %add3A_344 = arith.constant 2744 : i32
    %add3A_345 = arith.addi %mul3A_343, %add3A_344 : i32
    "tpu.region"() ({
      %run_scoped3A = tpu.sem_alloc : memref<!tpu.dma_semaphore, #tpu.memory_space<semaphore_mem>>
      %dma_start3A_353 = arith.constant 0 : i32
      %dma_start3A_354 = tpu.memref_slice %arg18[%add3A_345, %dma_start3A_353] : memref<50176x16xf32, #tpu.memory_space<vmem_shared>> -> memref<392x16xf32, #tpu.memory_space<vmem_shared>>
      %dma_start3A_355 = arith.constant 0 : i32
      %dma_start3A_356 = tpu.memref_slice %arg18[%add3A_345, %dma_start3A_355] : memref<50176x16xf32, #tpu.memory_space<vmem_shared>> -> memref<392x16xf32, #tpu.memory_space<vmem_shared>>
      tpu.enqueue_dma source(%dma_start3A_356 : memref<392x16xf32, #tpu.memory_space<vmem_shared>>) target(%arg17 : memref<392x16xf32, #tpu.memory_space<vmem>>) target_semaphore(%run_scoped3A : memref<!tpu.dma_semaphore, #tpu.memory_space<semaphore_mem>>)
      %dma_wait3A_357 = arith.constant 0 : i32
      %dma_wait3A_358 = tpu.memref_slice %arg18[%add3A_345, %dma_wait3A_357] : memref<50176x16xf32, #tpu.memory_space<vmem_shared>> -> memref<392x16xf32, #tpu.memory_space<vmem_shared>>
      %dma_wait3A_359 = arith.constant 0 : i32
      %dma_wait3A_360 = tpu.memref_slice %arg18[%add3A_345, %dma_wait3A_359] : memref<50176x16xf32, #tpu.memory_space<vmem_shared>> -> memref<392x16xf32, #tpu.memory_space<vmem_shared>>
      tpu.wait_dma2 semaphore(%run_scoped3A : memref<!tpu.dma_semaphore, #tpu.memory_space<semaphore_mem>>) src(%dma_wait3A_360 : memref<392x16xf32, #tpu.memory_space<vmem_shared>>) dst(%arg17 : memref<392x16xf32, #tpu.memory_space<vmem>>)
      tpu.yield
    }) : () -> ()
    %mul3A_346 = arith.constant 64000 : i32
    %mul3A_347 = arith.muli %arg0, %mul3A_346 : i32
    %mul3A_348 = arith.constant 3136 : i32
    %mul3A_349 = arith.muli %arg1, %mul3A_348 : i32
    %add3A_350 = arith.addi %mul3A_347, %mul3A_349 : i32
    %add3A_351 = arith.constant 2744 : i32
    %add3A_352 = arith.addi %add3A_350, %add3A_351 : i32
    "tpu.region"() ({
      %run_scoped3A = tpu.sem_alloc : memref<!tpu.dma_semaphore, #tpu.memory_space<semaphore_mem>>
      %dma_start3A_353 = arith.constant 0 : i32
      %dma_start3A_354 = tpu.memref_slice %arg6[%add3A_352, %dma_start3A_353] : memref<128000x16xf32, #tpu.memory_space<hbm>> -> memref<392x16xf32, #tpu.memory_space<hbm>>
      %dma_start3A_355 = arith.constant 0 : i32
      %dma_start3A_356 = tpu.memref_slice %arg6[%add3A_352, %dma_start3A_355] : memref<128000x16xf32, #tpu.memory_space<hbm>> -> memref<392x16xf32, #tpu.memory_space<hbm>>
      tpu.enqueue_dma source(%arg17 : memref<392x16xf32, #tpu.memory_space<vmem>>) target(%dma_start3A_356 : memref<392x16xf32, #tpu.memory_space<hbm>>) target_semaphore(%run_scoped3A : memref<!tpu.dma_semaphore, #tpu.memory_space<semaphore_mem>>)
      %dma_wait3A_357 = arith.constant 0 : i32
      %dma_wait3A_358 = tpu.memref_slice %arg6[%add3A_352, %dma_wait3A_357] : memref<128000x16xf32, #tpu.memory_space<hbm>> -> memref<392x16xf32, #tpu.memory_space<hbm>>
      %dma_wait3A_359 = arith.constant 0 : i32
      %dma_wait3A_360 = tpu.memref_slice %arg6[%add3A_352, %dma_wait3A_359] : memref<128000x16xf32, #tpu.memory_space<hbm>> -> memref<392x16xf32, #tpu.memory_space<hbm>>
      tpu.wait_dma2 semaphore(%run_scoped3A : memref<!tpu.dma_semaphore, #tpu.memory_space<semaphore_mem>>) src(%arg17 : memref<392x16xf32, #tpu.memory_space<vmem>>) dst(%dma_wait3A_360 : memref<392x16xf32, #tpu.memory_space<hbm>>)
      tpu.yield
    }) : () -> ()
    return
  }
}

#map = affine_map<(d0, d1) -> (0, 0)>
#map1 = affine_map<(d0, d1) -> (0)>
module attributes {stable_mosaic.version = 14 : i64} {
  func.func @_deg_call(%arg0: i32, %arg1: i32, %arg2: memref<6400x128xi32, #tpu.memory_space<hbm>>, %arg3: memref<3136xf32, #tpu.memory_space<hbm>>, %arg4: memref<128000xf32, #tpu.memory_space<hbm>>, %arg5: memref<200x128xi32, #tpu.memory_space<vmem>>, %arg6: memref<128xf32, #tpu.memory_space<vmem>>, %arg7: memref<3136xf32, #tpu.memory_space<vmem>>, %arg8: memref<50176xf32, #tpu.memory_space<vmem_shared>>) attributes {dimension_semantics = [#tpu.dimension_semantics<core_parallel>, #tpu.dimension_semantics<subcore_parallel>], iteration_bounds = array<i64: 2, 16>, scalar_prefetch = 0 : i64, scratch_operands = 4 : i64, tpu.core_type = #tpu.core_type<sc_vector_subcore>, window_params = [{transform_indices = #map}, {transform_indices = #map1}, {transform_indices = #map1}]} {
    %mul3A = arith.constant 2 : i32
    %mul3A_0 = arith.muli %arg1, %mul3A : i32
    %add3A = arith.addi %mul3A_0, %arg0 : i32
    %mul3A_1 = arith.constant 200 : i32
    %mul3A_2 = arith.muli %add3A, %mul3A_1 : i32
    "tpu.region"() ({
      %run_scoped3A = tpu.sem_alloc : memref<!tpu.dma_semaphore, #tpu.memory_space<semaphore_mem>>
      %dma_start3A = arith.constant 0 : i32
      %dma_start3A_64 = tpu.memref_slice %arg2[%mul3A_2, %dma_start3A] : memref<6400x128xi32, #tpu.memory_space<hbm>> -> memref<200x128xi32, #tpu.memory_space<hbm>>
      %dma_start3A_65 = arith.constant 0 : i32
      %dma_start3A_66 = tpu.memref_slice %arg2[%mul3A_2, %dma_start3A_65] : memref<6400x128xi32, #tpu.memory_space<hbm>> -> memref<200x128xi32, #tpu.memory_space<hbm>>
      tpu.enqueue_dma source(%dma_start3A_66 : memref<200x128xi32, #tpu.memory_space<hbm>>) target(%arg5 : memref<200x128xi32, #tpu.memory_space<vmem>>) target_semaphore(%run_scoped3A : memref<!tpu.dma_semaphore, #tpu.memory_space<semaphore_mem>>)
      %dma_wait3A = arith.constant 0 : i32
      %dma_wait3A_67 = tpu.memref_slice %arg2[%mul3A_2, %dma_wait3A] : memref<6400x128xi32, #tpu.memory_space<hbm>> -> memref<200x128xi32, #tpu.memory_space<hbm>>
      %dma_wait3A_68 = arith.constant 0 : i32
      %dma_wait3A_69 = tpu.memref_slice %arg2[%mul3A_2, %dma_wait3A_68] : memref<6400x128xi32, #tpu.memory_space<hbm>> -> memref<200x128xi32, #tpu.memory_space<hbm>>
      tpu.wait_dma2 semaphore(%run_scoped3A : memref<!tpu.dma_semaphore, #tpu.memory_space<semaphore_mem>>) src(%dma_wait3A_69 : memref<200x128xi32, #tpu.memory_space<hbm>>) dst(%arg5 : memref<200x128xi32, #tpu.memory_space<vmem>>)
      tpu.yield
    }) : () -> ()
    %broadcast_in_dim3A = arith.constant 1.000000e+00 : f32
    %broadcast_in_dim3A_3 = vector.broadcast %broadcast_in_dim3A : f32 to vector<16xf32>
    %swap3A = arith.constant 0 : index
    %swap3A_4 = tpu.vector_load %arg6[%swap3A] {strides = array<i32>} : memref<128xf32, #tpu.memory_space<vmem>>, vector<16xf32>,
    %swap3A_5 = vector.shape_cast %swap3A_4 : vector<16xf32> to vector<16xf32>
    %swap3A_6 = vector.shape_cast %broadcast_in_dim3A_3 : vector<16xf32> to vector<16xf32>
    tpu.vector_store %arg6[%swap3A], %swap3A_6 {strides = array<i32>} : memref<128xf32, #tpu.memory_space<vmem>>, vector<16xf32>,
    %broadcast_in_dim3A_7 = arith.constant 1.000000e+00 : f32
    %broadcast_in_dim3A_8 = vector.broadcast %broadcast_in_dim3A_7 : f32 to vector<16xf32>
    %swap3A_9 = arith.constant 16 : index
    %swap3A_10 = tpu.vector_load %arg6[%swap3A_9] {strides = array<i32>} : memref<128xf32, #tpu.memory_space<vmem>>, vector<16xf32>,
    %swap3A_11 = vector.shape_cast %swap3A_10 : vector<16xf32> to vector<16xf32>
    %swap3A_12 = vector.shape_cast %broadcast_in_dim3A_8 : vector<16xf32> to vector<16xf32>
    tpu.vector_store %arg6[%swap3A_9], %swap3A_12 {strides = array<i32>} : memref<128xf32, #tpu.memory_space<vmem>>, vector<16xf32>,
    %broadcast_in_dim3A_13 = arith.constant 1.000000e+00 : f32
    %broadcast_in_dim3A_14 = vector.broadcast %broadcast_in_dim3A_13 : f32 to vector<16xf32>
    %swap3A_15 = arith.constant 32 : index
    %swap3A_16 = tpu.vector_load %arg6[%swap3A_15] {strides = array<i32>} : memref<128xf32, #tpu.memory_space<vmem>>, vector<16xf32>,
    %swap3A_17 = vector.shape_cast %swap3A_16 : vector<16xf32> to vector<16xf32>
    %swap3A_18 = vector.shape_cast %broadcast_in_dim3A_14 : vector<16xf32> to vector<16xf32>
    tpu.vector_store %arg6[%swap3A_15], %swap3A_18 {strides = array<i32>} : memref<128xf32, #tpu.memory_space<vmem>>, vector<16xf32>,
    %broadcast_in_dim3A_19 = arith.constant 1.000000e+00 : f32
    %broadcast_in_dim3A_20 = vector.broadcast %broadcast_in_dim3A_19 : f32 to vector<16xf32>
    %swap3A_21 = arith.constant 48 : index
    %swap3A_22 = tpu.vector_load %arg6[%swap3A_21] {strides = array<i32>} : memref<128xf32, #tpu.memory_space<vmem>>, vector<16xf32>,
    %swap3A_23 = vector.shape_cast %swap3A_22 : vector<16xf32> to vector<16xf32>
    %swap3A_24 = vector.shape_cast %broadcast_in_dim3A_20 : vector<16xf32> to vector<16xf32>
    tpu.vector_store %arg6[%swap3A_21], %swap3A_24 {strides = array<i32>} : memref<128xf32, #tpu.memory_space<vmem>>, vector<16xf32>,
    %broadcast_in_dim3A_25 = arith.constant 1.000000e+00 : f32
    %broadcast_in_dim3A_26 = vector.broadcast %broadcast_in_dim3A_25 : f32 to vector<16xf32>
    %swap3A_27 = arith.constant 64 : index
    %swap3A_28 = tpu.vector_load %arg6[%swap3A_27] {strides = array<i32>} : memref<128xf32, #tpu.memory_space<vmem>>, vector<16xf32>,
    %swap3A_29 = vector.shape_cast %swap3A_28 : vector<16xf32> to vector<16xf32>
    %swap3A_30 = vector.shape_cast %broadcast_in_dim3A_26 : vector<16xf32> to vector<16xf32>
    tpu.vector_store %arg6[%swap3A_27], %swap3A_30 {strides = array<i32>} : memref<128xf32, #tpu.memory_space<vmem>>, vector<16xf32>,
    %broadcast_in_dim3A_31 = arith.constant 1.000000e+00 : f32
    %broadcast_in_dim3A_32 = vector.broadcast %broadcast_in_dim3A_31 : f32 to vector<16xf32>
    %swap3A_33 = arith.constant 80 : index
    %swap3A_34 = tpu.vector_load %arg6[%swap3A_33] {strides = array<i32>} : memref<128xf32, #tpu.memory_space<vmem>>, vector<16xf32>,
    %swap3A_35 = vector.shape_cast %swap3A_34 : vector<16xf32> to vector<16xf32>
    %swap3A_36 = vector.shape_cast %broadcast_in_dim3A_32 : vector<16xf32> to vector<16xf32>
    tpu.vector_store %arg6[%swap3A_33], %swap3A_36 {strides = array<i32>} : memref<128xf32, #tpu.memory_space<vmem>>, vector<16xf32>,
    %broadcast_in_dim3A_37 = arith.constant 1.000000e+00 : f32
    %broadcast_in_dim3A_38 = vector.broadcast %broadcast_in_dim3A_37 : f32 to vector<16xf32>
    %swap3A_39 = arith.constant 96 : index
    %swap3A_40 = tpu.vector_load %arg6[%swap3A_39] {strides = array<i32>} : memref<128xf32, #tpu.memory_space<vmem>>, vector<16xf32>,
    %swap3A_41 = vector.shape_cast %swap3A_40 : vector<16xf32> to vector<16xf32>
    %swap3A_42 = vector.shape_cast %broadcast_in_dim3A_38 : vector<16xf32> to vector<16xf32>
    tpu.vector_store %arg6[%swap3A_39], %swap3A_42 {strides = array<i32>} : memref<128xf32, #tpu.memory_space<vmem>>, vector<16xf32>,
    %broadcast_in_dim3A_43 = arith.constant 1.000000e+00 : f32
    %broadcast_in_dim3A_44 = vector.broadcast %broadcast_in_dim3A_43 : f32 to vector<16xf32>
    %swap3A_45 = arith.constant 112 : index
    %swap3A_46 = tpu.vector_load %arg6[%swap3A_45] {strides = array<i32>} : memref<128xf32, #tpu.memory_space<vmem>>, vector<16xf32>,
    %swap3A_47 = vector.shape_cast %swap3A_46 : vector<16xf32> to vector<16xf32>
    %swap3A_48 = vector.shape_cast %broadcast_in_dim3A_44 : vector<16xf32> to vector<16xf32>
    tpu.vector_store %arg6[%swap3A_45], %swap3A_48 {strides = array<i32>} : memref<128xf32, #tpu.memory_space<vmem>>, vector<16xf32>,
    "tpu.region"() ({
      %run_scoped3A = tpu.sem_alloc : memref<!tpu.dma_semaphore, #tpu.memory_space<semaphore_mem>>
      tpu.enqueue_dma source(%arg3 : memref<3136xf32, #tpu.memory_space<hbm>>) target(%arg7 : memref<3136xf32, #tpu.memory_space<vmem>>) target_semaphore(%run_scoped3A : memref<!tpu.dma_semaphore, #tpu.memory_space<semaphore_mem>>)
      tpu.wait_dma2 semaphore(%run_scoped3A : memref<!tpu.dma_semaphore, #tpu.memory_space<semaphore_mem>>) src(%arg3 : memref<3136xf32, #tpu.memory_space<hbm>>) dst(%arg7 : memref<3136xf32, #tpu.memory_space<vmem>>)
      tpu.yield
    }) : () -> ()
    %mul3A_49 = arith.constant 3136 : i32
    %mul3A_50 = arith.muli %arg1, %mul3A_49 : i32
    "tpu.region"() ({
      %run_scoped3A = tpu.sem_alloc : memref<!tpu.dma_semaphore, #tpu.memory_space<semaphore_mem>>
      %dma_start3A = tpu.memref_slice %arg8[%mul3A_50] : memref<50176xf32, #tpu.memory_space<vmem_shared>> -> memref<3136xf32, #tpu.memory_space<vmem_shared>>
      %dma_start3A_64 = tpu.memref_slice %arg8[%mul3A_50] : memref<50176xf32, #tpu.memory_space<vmem_shared>> -> memref<3136xf32, #tpu.memory_space<vmem_shared>>
      tpu.enqueue_dma source(%arg7 : memref<3136xf32, #tpu.memory_space<vmem>>) target(%dma_start3A_64 : memref<3136xf32, #tpu.memory_space<vmem_shared>>) target_semaphore(%run_scoped3A : memref<!tpu.dma_semaphore, #tpu.memory_space<semaphore_mem>>)
      %dma_wait3A = tpu.memref_slice %arg8[%mul3A_50] : memref<50176xf32, #tpu.memory_space<vmem_shared>> -> memref<3136xf32, #tpu.memory_space<vmem_shared>>
      %dma_wait3A_65 = tpu.memref_slice %arg8[%mul3A_50] : memref<50176xf32, #tpu.memory_space<vmem_shared>> -> memref<3136xf32, #tpu.memory_space<vmem_shared>>
      tpu.wait_dma2 semaphore(%run_scoped3A : memref<!tpu.dma_semaphore, #tpu.memory_space<semaphore_mem>>) src(%arg7 : memref<3136xf32, #tpu.memory_space<vmem>>) dst(%dma_wait3A_65 : memref<3136xf32, #tpu.memory_space<vmem_shared>>)
      tpu.yield
    }) : () -> ()
    %barrier3A = arith.constant 0 : index
    tpu.barrier barrier_id(%barrier3A)
    %scan3A = arith.constant 0 : i32
    %scan3A_51 = arith.constant 0 : i32
    %scan3A_52 = arith.constant 200 : i32
    %scan3A_53 = arith.addi %scan3A_51, %scan3A_52 : i32
    %scan3A_54 = arith.constant 1 : i32
    scf.for %scan3A_64 = %scan3A_51 to %scan3A_53 step %scan3A_54  : i32 {
      "tpu.region"() ({
        %run_scoped3A = tpu.sem_alloc : memref<!tpu.dma_semaphore, #tpu.memory_space<semaphore_mem>>
        %dma_start3A = arith.constant 0 : i32
        %dma_start3A_65 = tpu.memref_slice %arg5[%scan3A_64, %dma_start3A] : memref<200x128xi32, #tpu.memory_space<vmem>> -> memref<1x128xi32, #tpu.memory_space<vmem>>
        %dma_start3A_66 = tpu.memref_squeeze %dma_start3A_65 : memref<1x128xi32, #tpu.memory_space<vmem>> -> memref<128xi32, #tpu.memory_space<vmem>>
        %dma_start3A_67 = arith.constant 0 : i32
        %dma_start3A_68 = tpu.memref_slice %arg8[%dma_start3A_67] : memref<50176xf32, #tpu.memory_space<vmem_shared>> -> memref<50176xf32, #tpu.memory_space<vmem_shared>>
        tpu.enqueue_indirect_dma source(%arg6 : memref<128xf32, #tpu.memory_space<vmem>>) target(%dma_start3A_68 : memref<50176xf32, #tpu.memory_space<vmem_shared>>) offsets(%dma_start3A_66 : memref<128xi32, #tpu.memory_space<vmem>>) semaphore(%run_scoped3A : memref<!tpu.dma_semaphore, #tpu.memory_space<semaphore_mem>>) {add = true}
        %dma_wait3A = arith.constant 0 : i32
        %dma_wait3A_69 = tpu.memref_slice %arg5[%scan3A_64, %dma_wait3A] : memref<200x128xi32, #tpu.memory_space<vmem>> -> memref<1x128xi32, #tpu.memory_space<vmem>>
        %dma_wait3A_70 = tpu.memref_squeeze %dma_wait3A_69 : memref<1x128xi32, #tpu.memory_space<vmem>> -> memref<128xi32, #tpu.memory_space<vmem>>
        %dma_wait3A_71 = arith.constant 0 : i32
        %dma_wait3A_72 = tpu.memref_slice %arg8[%dma_wait3A_71] : memref<50176xf32, #tpu.memory_space<vmem_shared>> -> memref<50176xf32, #tpu.memory_space<vmem_shared>>
        tpu.wait_indirect_dma semaphore(%run_scoped3A : memref<!tpu.dma_semaphore, #tpu.memory_space<semaphore_mem>>) src(%arg6 : memref<128xf32, #tpu.memory_space<vmem>>) dst(%dma_wait3A_72 : memref<50176xf32, #tpu.memory_space<vmem_shared>>)
        tpu.yield
      }) : () -> ()
    }
    %scan3A_55 = arith.constant 200 : i32
    %barrier3A_56 = arith.constant 0 : index
    tpu.barrier barrier_id(%barrier3A_56)
    %mul3A_57 = arith.constant 3136 : i32
    %mul3A_58 = arith.muli %arg1, %mul3A_57 : i32
    "tpu.region"() ({
      %run_scoped3A = tpu.sem_alloc : memref<!tpu.dma_semaphore, #tpu.memory_space<semaphore_mem>>
      %dma_start3A = tpu.memref_slice %arg8[%mul3A_58] : memref<50176xf32, #tpu.memory_space<vmem_shared>> -> memref<3136xf32, #tpu.memory_space<vmem_shared>>
      %dma_start3A_64 = tpu.memref_slice %arg8[%mul3A_58] : memref<50176xf32, #tpu.memory_space<vmem_shared>> -> memref<3136xf32, #tpu.memory_space<vmem_shared>>
      tpu.enqueue_dma source(%dma_start3A_64 : memref<3136xf32, #tpu.memory_space<vmem_shared>>) target(%arg7 : memref<3136xf32, #tpu.memory_space<vmem>>) target_semaphore(%run_scoped3A : memref<!tpu.dma_semaphore, #tpu.memory_space<semaphore_mem>>)
      %dma_wait3A = tpu.memref_slice %arg8[%mul3A_58] : memref<50176xf32, #tpu.memory_space<vmem_shared>> -> memref<3136xf32, #tpu.memory_space<vmem_shared>>
      %dma_wait3A_65 = tpu.memref_slice %arg8[%mul3A_58] : memref<50176xf32, #tpu.memory_space<vmem_shared>> -> memref<3136xf32, #tpu.memory_space<vmem_shared>>
      tpu.wait_dma2 semaphore(%run_scoped3A : memref<!tpu.dma_semaphore, #tpu.memory_space<semaphore_mem>>) src(%dma_wait3A_65 : memref<3136xf32, #tpu.memory_space<vmem_shared>>) dst(%arg7 : memref<3136xf32, #tpu.memory_space<vmem>>)
      tpu.yield
    }) : () -> ()
    %mul3A_59 = arith.constant 64000 : i32
    %mul3A_60 = arith.muli %arg0, %mul3A_59 : i32
    %mul3A_61 = arith.constant 3136 : i32
    %mul3A_62 = arith.muli %arg1, %mul3A_61 : i32
    %add3A_63 = arith.addi %mul3A_60, %mul3A_62 : i32
    "tpu.region"() ({
      %run_scoped3A = tpu.sem_alloc : memref<!tpu.dma_semaphore, #tpu.memory_space<semaphore_mem>>
      %dma_start3A = tpu.memref_slice %arg4[%add3A_63] : memref<128000xf32, #tpu.memory_space<hbm>> -> memref<3136xf32, #tpu.memory_space<hbm>>
      %dma_start3A_64 = tpu.memref_slice %arg4[%add3A_63] : memref<128000xf32, #tpu.memory_space<hbm>> -> memref<3136xf32, #tpu.memory_space<hbm>>
      tpu.enqueue_dma source(%arg7 : memref<3136xf32, #tpu.memory_space<vmem>>) target(%dma_start3A_64 : memref<3136xf32, #tpu.memory_space<hbm>>) target_semaphore(%run_scoped3A : memref<!tpu.dma_semaphore, #tpu.memory_space<semaphore_mem>>)
      %dma_wait3A = tpu.memref_slice %arg4[%add3A_63] : memref<128000xf32, #tpu.memory_space<hbm>> -> memref<3136xf32, #tpu.memory_space<hbm>>
      %dma_wait3A_65 = tpu.memref_slice %arg4[%add3A_63] : memref<128000xf32, #tpu.memory_space<hbm>> -> memref<3136xf32, #tpu.memory_space<hbm>>
      tpu.wait_dma2 semaphore(%run_scoped3A : memref<!tpu.dma_semaphore, #tpu.memory_space<semaphore_mem>>) src(%arg7 : memref<3136xf32, #tpu.memory_space<vmem>>) dst(%dma_wait3A_65 : memref<3136xf32, #tpu.memory_space<hbm>>)
      tpu.yield
    }) : () -> ()
    return
  }
}

module attributes {stable_mosaic.version = 14 : i64} {
  func.func @_a_body(%arg0: i32, %arg1: memref<2000x630xf32, #tpu.memory_space<vmem>>, %arg2: memref<632x16xf32, #tpu.memory_space<vmem>>, %arg3: memref<2000x1xf32, #tpu.memory_space<vmem>>, %arg4: memref<2000x1xf32, #tpu.memory_space<vmem>>, %arg5: memref<2000x16xf32, #tpu.memory_space<vmem>>, %arg6: memref<2000x16xf32, #tpu.memory_space<vmem>>) attributes {dimension_semantics = [#tpu.dimension_semantics<arbitrary>], iteration_bounds = array<i64: 25>, scalar_prefetch = 0 : i64, scratch_operands = 0 : i64, tpu.core_type = #tpu.core_type<tc>, window_params = [{transform_indices = @transform_0, window_bounds = array<i64: 2000, 630>}, {pipeline_mode = #tpu.pipeline_mode<synchronous>, transform_indices = @transform_1, window_bounds = array<i64: 632, 16>}, {transform_indices = @transform_2, window_bounds = array<i64: 2000, 1>}, {transform_indices = @transform_3, window_bounds = array<i64: 2000, 1>}, {transform_indices = @transform_4, window_bounds = array<i64: 2000, 16>}, {transform_indices = @transform_5, window_bounds = array<i64: 2000, 16>}]} {
    %get3A = arith.constant 0 : index
    %get3A_0 = arith.constant 0 : index
    %get3A_1 = vector.load %arg1[%get3A, %get3A_0] : memref<2000x630xf32, #tpu.memory_space<vmem>>, vector<2000x630xf32>
    %get3A_2 = arith.constant 0 : index
    %get3A_3 = arith.constant 0 : index
    %get3A_4 = vector.load %arg2[%get3A_2, %get3A_3] : memref<632x16xf32, #tpu.memory_space<vmem>>, vector<630x16xf32>
    %dot_general3A = arith.constant dense<0.000000e+00> : vector<2000x16xf32>
    %dot_general3A_5 = tpu.matmul %get3A_1, %get3A_4, %dot_general3A {dimension_numbers = #tpu.dot_dimension_numbers<[1], [0], [0], [1], [0, 0, 1, 1], [], []>, transpose_lhs_hint = false} : vector<2000x630xf32>, vector<630x16xf32>, vector<2000x16xf32> -> vector<2000x16xf32>
    %get3A_6 = arith.constant 630 : index
    %get3A_7 = arith.constant 0 : index
    %get3A_8 = vector.load %arg2[%get3A_6, %get3A_7] : memref<632x16xf32, #tpu.memory_space<vmem>>, vector<1x16xf32>
    %add3A = vector.broadcast %get3A_8 : vector<1x16xf32> to vector<2000x16xf32>
    %add3A_9 = arith.addf %dot_general3A_5, %add3A : vector<2000x16xf32>
    %swap3A = arith.constant 0 : index
    %swap3A_10 = arith.constant 0 : index
    %swap3A_11 = vector.load %arg5[%swap3A, %swap3A_10] : memref<2000x16xf32, #tpu.memory_space<vmem>>, vector<2000x16xf32>
    tpu.vector_store %arg5[%swap3A, %swap3A_10], %add3A_9 {strides = array<i32>} : memref<2000x16xf32, #tpu.memory_space<vmem>>, vector<2000x16xf32>,
    %get3A_12 = arith.constant 0 : index
    %get3A_13 = arith.constant 0 : index
    %get3A_14 = vector.load %arg3[%get3A_12, %get3A_13] : memref<2000x1xf32, #tpu.memory_space<vmem>>, vector<2000x1xf32>
    %get3A_15 = arith.constant 0 : index
    %get3A_16 = arith.constant 0 : index
    %get3A_17 = vector.load %arg4[%get3A_15, %get3A_16] : memref<2000x1xf32, #tpu.memory_space<vmem>>, vector<2000x1xf32>
    %add3A_18 = arith.addf %get3A_14, %get3A_17 : vector<2000x1xf32>
    %gt3A = arith.constant 0.000000e+00 : f32
    %gt3A_19 = vector.broadcast %gt3A : f32 to vector<2000x1xf32>
    %gt3A_20 = arith.cmpf ogt, %add3A_18, %gt3A_19 : vector<2000x1xf32>
    %rsqrt3A = math.rsqrt %add3A_18 : vector<2000x1xf32>
    %jit3A = arith.constant 0.000000e+00 : f32
    %broadcast_in_dim3A = vector.broadcast %jit3A : f32 to vector<2000x1xf32>
    %select_n3A = arith.select %gt3A_20, %rsqrt3A, %broadcast_in_dim3A : vector<2000x1xi1>, vector<2000x1xf32>
    %mul3A = vector.broadcast %select_n3A : vector<2000x1xf32> to vector<2000x16xf32>
    %mul3A_21 = arith.mulf %add3A_9, %mul3A : vector<2000x16xf32>
    %swap3A_22 = arith.constant 0 : index
    %swap3A_23 = arith.constant 0 : index
    %swap3A_24 = vector.load %arg6[%swap3A_22, %swap3A_23] : memref<2000x16xf32, #tpu.memory_space<vmem>>, vector<2000x16xf32>
    tpu.vector_store %arg6[%swap3A_22, %swap3A_23], %mul3A_21 {strides = array<i32>} : memref<2000x16xf32, #tpu.memory_space<vmem>>, vector<2000x16xf32>,
    return
  }
  func.func @transform_0(%arg0: i32) -> (i32, i32) {
    %c0_i32 = arith.constant 0 : i32
    %c0_i32_0 = arith.constant 0 : i32
    return %arg0, %c0_i32 : i32, i32
  }
  func.func @transform_1(%arg0: i32) -> (i32, i32) {
    %c0_i32 = arith.constant 0 : i32
    %c0_i32_0 = arith.constant 0 : i32
    %c0_i32_1 = arith.constant 0 : i32
    return %c0_i32, %c0_i32_0 : i32, i32
  }
  func.func @transform_2(%arg0: i32) -> (i32, i32) {
    %c0_i32 = arith.constant 0 : i32
    %c0_i32_0 = arith.constant 0 : i32
    return %arg0, %c0_i32 : i32, i32
  }
  func.func @transform_3(%arg0: i32) -> (i32, i32) {
    %add3A = arith.constant 32 : i32
    %add3A_0 = arith.addi %arg0, %add3A : i32
    %c0_i32 = arith.constant 0 : i32
    %c0_i32_1 = arith.constant 0 : i32
    return %add3A_0, %c0_i32 : i32, i32
  }
  func.func @transform_4(%arg0: i32) -> (i32, i32) {
    %c0_i32 = arith.constant 0 : i32
    %c0_i32_0 = arith.constant 0 : i32
    return %arg0, %c0_i32 : i32, i32
  }
  func.func @transform_5(%arg0: i32) -> (i32, i32) {
    %c0_i32 = arith.constant 0 : i32
    %c0_i32_0 = arith.constant 0 : i32
    return %arg0, %c0_i32 : i32, i32
  }
}

module attributes {stable_mosaic.version = 14 : i64} {
  func.func @_e_body(%arg0: i32, %arg1: memref<2000x16xf32, #tpu.memory_space<vmem>>, %arg2: memref<2000x16xf32, #tpu.memory_space<vmem>>, %arg3: memref<2000x16xf32, #tpu.memory_space<vmem>>, %arg4: memref<2000x1xf32, #tpu.memory_space<vmem>>, %arg5: memref<2000x1xf32, #tpu.memory_space<vmem>>, %arg6: memref<16x64xf32, #tpu.memory_space<vmem>>, %arg7: memref<16x64xf32, #tpu.memory_space<vmem>>, %arg8: memref<8x64xf32, #tpu.memory_space<vmem>>, %arg9: memref<16x64xf32, #tpu.memory_space<vmem>>, %arg10: memref<16x64xf32, #tpu.memory_space<vmem>>, %arg11: memref<8x64xf32, #tpu.memory_space<vmem>>, %arg12: memref<64x1xf32, #tpu.memory_space<vmem>>, %arg13: memref<8x1xf32, #tpu.memory_space<vmem>>, %arg14: memref<2000x1xf32, #tpu.memory_space<vmem>>) attributes {dimension_semantics = [#tpu.dimension_semantics<arbitrary>], iteration_bounds = array<i64: 25>, scalar_prefetch = 0 : i64, scratch_operands = 0 : i64, tpu.core_type = #tpu.core_type<tc>, window_params = [{transform_indices = @transform_0, window_bounds = array<i64: 2000, 16>}, {transform_indices = @transform_1, window_bounds = array<i64: 2000, 16>}, {transform_indices = @transform_2, window_bounds = array<i64: 2000, 16>}, {transform_indices = @transform_3, window_bounds = array<i64: 2000, 1>}, {transform_indices = @transform_4, window_bounds = array<i64: 2000, 1>}, {pipeline_mode = #tpu.pipeline_mode<synchronous>, transform_indices = @transform_5, window_bounds = array<i64: 16, 64>}, {pipeline_mode = #tpu.pipeline_mode<synchronous>, transform_indices = @transform_6, window_bounds = array<i64: 16, 64>}, {pipeline_mode = #tpu.pipeline_mode<synchronous>, transform_indices = @transform_7, window_bounds = array<i64: 8, 64>}, {pipeline_mode = #tpu.pipeline_mode<synchronous>, transform_indices = @transform_8, window_bounds = array<i64: 16, 64>}, {pipeline_mode = #tpu.pipeline_mode<synchronous>, transform_indices = @transform_9, window_bounds = array<i64: 16, 64>}, {pipeline_mode = #tpu.pipeline_mode<synchronous>, transform_indices = @transform_10, window_bounds = array<i64: 8, 64>}, {pipeline_mode = #tpu.pipeline_mode<synchronous>, transform_indices = @transform_11, window_bounds = array<i64: 64, 1>}, {pipeline_mode = #tpu.pipeline_mode<synchronous>, transform_indices = @transform_12, window_bounds = array<i64: 8, 1>}, {transform_indices = @transform_13, window_bounds = array<i64: 2000, 1>}]} {
    %get3A = arith.constant 0 : index
    %get3A_0 = arith.constant 0 : index
    %get3A_1 = vector.load %arg1[%get3A, %get3A_0] : memref<2000x16xf32, #tpu.memory_space<vmem>>, vector<2000x16xf32>
    %get3A_2 = arith.constant 0 : index
    %get3A_3 = arith.constant 0 : index
    %get3A_4 = vector.load %arg4[%get3A_2, %get3A_3] : memref<2000x1xf32, #tpu.memory_space<vmem>>, vector<2000x1xf32>
    %get3A_5 = arith.constant 0 : index
    %get3A_6 = arith.constant 0 : index
    %get3A_7 = vector.load %arg5[%get3A_5, %get3A_6] : memref<2000x1xf32, #tpu.memory_space<vmem>>, vector<2000x1xf32>
    %add3A = arith.addf %get3A_4, %get3A_7 : vector<2000x1xf32>
    %gt3A = arith.constant 0.000000e+00 : f32
    %gt3A_8 = vector.broadcast %gt3A : f32 to vector<2000x1xf32>
    %gt3A_9 = arith.cmpf ogt, %add3A, %gt3A_8 : vector<2000x1xf32>
    %rsqrt3A = math.rsqrt %add3A : vector<2000x1xf32>
    %jit3A = arith.constant 0.000000e+00 : f32
    %broadcast_in_dim3A = vector.broadcast %jit3A : f32 to vector<2000x1xf32>
    %select_n3A = arith.select %gt3A_9, %rsqrt3A, %broadcast_in_dim3A : vector<2000x1xi1>, vector<2000x1xf32>
    %get3A_10 = arith.constant 0 : index
    %get3A_11 = arith.constant 0 : index
    %get3A_12 = vector.load %arg2[%get3A_10, %get3A_11] : memref<2000x16xf32, #tpu.memory_space<vmem>>, vector<2000x16xf32>
    %get3A_13 = arith.constant 0 : index
    %get3A_14 = arith.constant 0 : index
    %get3A_15 = vector.load %arg3[%get3A_13, %get3A_14] : memref<2000x16xf32, #tpu.memory_space<vmem>>, vector<2000x16xf32>
    %add3A_16 = arith.addf %get3A_12, %get3A_15 : vector<2000x16xf32>
    %neg3A = arith.constant 0.000000e+00 : f32
    %neg3A_17 = vector.broadcast %neg3A : f32 to vector<2000x16xf32>
    %neg3A_18 = arith.subf %neg3A_17, %add3A_16 : vector<2000x16xf32>
    %mul3A = vector.broadcast %select_n3A : vector<2000x1xf32> to vector<2000x16xf32>
    %mul3A_19 = arith.mulf %neg3A_18, %mul3A : vector<2000x16xf32>
    %get3A_20 = arith.constant 0 : index
    %get3A_21 = arith.constant 0 : index
    %get3A_22 = vector.load %arg6[%get3A_20, %get3A_21] : memref<16x64xf32, #tpu.memory_space<vmem>>, vector<16x64xf32>
    %dot_general3A = arith.constant dense<0.000000e+00> : vector<2000x64xf32>
    %dot_general3A_23 = tpu.matmul %get3A_1, %get3A_22, %dot_general3A {dimension_numbers = #tpu.dot_dimension_numbers<[1], [0], [0], [1], [0, 0, 1, 1], [], []>, transpose_lhs_hint = false} : vector<2000x16xf32>, vector<16x64xf32>, vector<2000x64xf32> -> vector<2000x64xf32>
    %get3A_24 = arith.constant 0 : index
    %get3A_25 = arith.constant 0 : index
    %get3A_26 = vector.load %arg7[%get3A_24, %get3A_25] : memref<16x64xf32, #tpu.memory_space<vmem>>, vector<16x64xf32>
    %dot_general3A_27 = arith.constant dense<0.000000e+00> : vector<2000x64xf32>
    %dot_general3A_28 = tpu.matmul %mul3A_19, %get3A_26, %dot_general3A_27 {dimension_numbers = #tpu.dot_dimension_numbers<[1], [0], [0], [1], [0, 0, 1, 1], [], []>, transpose_lhs_hint = false} : vector<2000x16xf32>, vector<16x64xf32>, vector<2000x64xf32> -> vector<2000x64xf32>
    %add3A_29 = arith.addf %dot_general3A_23, %dot_general3A_28 : vector<2000x64xf32>
    %get3A_30 = arith.constant 0 : index
    %get3A_31 = arith.constant 0 : index
    %get3A_32 = vector.load %arg8[%get3A_30, %get3A_31] : memref<8x64xf32, #tpu.memory_space<vmem>>, vector<1x64xf32>
    %add3A_33 = vector.broadcast %get3A_32 : vector<1x64xf32> to vector<2000x64xf32>
    %add3A_34 = arith.addf %add3A_29, %add3A_33 : vector<2000x64xf32>
    %logistic3A = arith.negf %add3A_34 : vector<2000x64xf32>
    %logistic3A_35 = math.exp %logistic3A : vector<2000x64xf32>
    %logistic3A_36 = arith.constant 1.000000e+00 : f32
    %logistic3A_37 = vector.broadcast %logistic3A_36 : f32 to vector<2000x64xf32>
    %logistic3A_38 = arith.addf %logistic3A_37, %logistic3A_35 : vector<2000x64xf32>
    %logistic3A_39 = arith.divf %logistic3A_37, %logistic3A_38 : vector<2000x64xf32>
    %get3A_40 = arith.constant 0 : index
    %get3A_41 = arith.constant 0 : index
    %get3A_42 = vector.load %arg9[%get3A_40, %get3A_41] : memref<16x64xf32, #tpu.memory_space<vmem>>, vector<16x64xf32>
    %dot_general3A_43 = arith.constant dense<0.000000e+00> : vector<2000x64xf32>
    %dot_general3A_44 = tpu.matmul %get3A_1, %get3A_42, %dot_general3A_43 {dimension_numbers = #tpu.dot_dimension_numbers<[1], [0], [0], [1], [0, 0, 1, 1], [], []>, transpose_lhs_hint = false} : vector<2000x16xf32>, vector<16x64xf32>, vector<2000x64xf32> -> vector<2000x64xf32>
    %get3A_45 = arith.constant 0 : index
    %get3A_46 = arith.constant 0 : index
    %get3A_47 = vector.load %arg10[%get3A_45, %get3A_46] : memref<16x64xf32, #tpu.memory_space<vmem>>, vector<16x64xf32>
    %dot_general3A_48 = arith.constant dense<0.000000e+00> : vector<2000x64xf32>
    %dot_general3A_49 = tpu.matmul %mul3A_19, %get3A_47, %dot_general3A_48 {dimension_numbers = #tpu.dot_dimension_numbers<[1], [0], [0], [1], [0, 0, 1, 1], [], []>, transpose_lhs_hint = false} : vector<2000x16xf32>, vector<16x64xf32>, vector<2000x64xf32> -> vector<2000x64xf32>
    %add3A_50 = arith.addf %dot_general3A_44, %dot_general3A_49 : vector<2000x64xf32>
    %get3A_51 = arith.constant 0 : index
    %get3A_52 = arith.constant 0 : index
    %get3A_53 = vector.load %arg11[%get3A_51, %get3A_52] : memref<8x64xf32, #tpu.memory_space<vmem>>, vector<1x64xf32>
    %add3A_54 = vector.broadcast %get3A_53 : vector<1x64xf32> to vector<2000x64xf32>
    %add3A_55 = arith.addf %add3A_50, %add3A_54 : vector<2000x64xf32>
    %tanh3A = math.tanh %add3A_55 : vector<2000x64xf32>
    %sub3A = arith.constant 1.000000e+00 : f32
    %sub3A_56 = vector.broadcast %sub3A : f32 to vector<2000x64xf32>
    %sub3A_57 = arith.subf %sub3A_56, %logistic3A_39 : vector<2000x64xf32>
    %mul3A_58 = arith.mulf %sub3A_57, %tanh3A : vector<2000x64xf32>
    %max3A = arith.constant 0.000000e+00 : f32
    %max3A_59 = vector.broadcast %max3A : f32 to vector<2000x64xf32>
    %max3A_60 = arith.maximumf %mul3A_58, %max3A_59 : vector<2000x64xf32>
    %get3A_61 = arith.constant 0 : index
    %get3A_62 = arith.constant 0 : index
    %get3A_63 = vector.load %arg12[%get3A_61, %get3A_62] : memref<64x1xf32, #tpu.memory_space<vmem>>, vector<64x1xf32>
    %dot_general3A_64 = arith.constant dense<0.000000e+00> : vector<2000x1xf32>
    %dot_general3A_65 = tpu.matmul %max3A_60, %get3A_63, %dot_general3A_64 {dimension_numbers = #tpu.dot_dimension_numbers<[1], [0], [0], [1], [0, 0, 1, 1], [], []>, transpose_lhs_hint = false} : vector<2000x64xf32>, vector<64x1xf32>, vector<2000x1xf32> -> vector<2000x1xf32>
    %get3A_66 = arith.constant 0 : index
    %get3A_67 = arith.constant 0 : index
    %get3A_68 = vector.load %arg13[%get3A_66, %get3A_67] : memref<8x1xf32, #tpu.memory_space<vmem>>, vector<1x1xf32>
    %add3A_69 = vector.broadcast %get3A_68 : vector<1x1xf32> to vector<2000x1xf32>
    %add3A_70 = arith.addf %dot_general3A_65, %add3A_69 : vector<2000x1xf32>
    %logistic3A_71 = arith.negf %add3A_70 : vector<2000x1xf32>
    %logistic3A_72 = math.exp %logistic3A_71 : vector<2000x1xf32>
    %logistic3A_73 = arith.constant 1.000000e+00 : f32
    %logistic3A_74 = vector.broadcast %logistic3A_73 : f32 to vector<2000x1xf32>
    %logistic3A_75 = arith.addf %logistic3A_74, %logistic3A_72 : vector<2000x1xf32>
    %logistic3A_76 = arith.divf %logistic3A_74, %logistic3A_75 : vector<2000x1xf32>
    %swap3A = arith.constant 0 : index
    %swap3A_77 = arith.constant 0 : index
    %swap3A_78 = vector.load %arg14[%swap3A, %swap3A_77] : memref<2000x1xf32, #tpu.memory_space<vmem>>, vector<2000x1xf32>
    tpu.vector_store %arg14[%swap3A, %swap3A_77], %logistic3A_76 {strides = array<i32>} : memref<2000x1xf32, #tpu.memory_space<vmem>>, vector<2000x1xf32>,
    return
  }
  func.func @transform_0(%arg0: i32) -> (i32, i32) {
    %c0_i32 = arith.constant 0 : i32
    %c0_i32_0 = arith.constant 0 : i32
    return %arg0, %c0_i32 : i32, i32
  }
  func.func @transform_1(%arg0: i32) -> (i32, i32) {
    %c0_i32 = arith.constant 0 : i32
    %c0_i32_0 = arith.constant 0 : i32
    return %arg0, %c0_i32 : i32, i32
  }
  func.func @transform_2(%arg0: i32) -> (i32, i32) {
    %add3A = arith.constant 32 : i32
    %add3A_0 = arith.addi %arg0, %add3A : i32
    %c0_i32 = arith.constant 0 : i32
    %c0_i32_1 = arith.constant 0 : i32
    return %add3A_0, %c0_i32 : i32, i32
  }
  func.func @transform_3(%arg0: i32) -> (i32, i32) {
    %c0_i32 = arith.constant 0 : i32
    %c0_i32_0 = arith.constant 0 : i32
    return %arg0, %c0_i32 : i32, i32
  }
  func.func @transform_4(%arg0: i32) -> (i32, i32) {
    %add3A = arith.constant 32 : i32
    %add3A_0 = arith.addi %arg0, %add3A : i32
    %c0_i32 = arith.constant 0 : i32
    %c0_i32_1 = arith.constant 0 : i32
    return %add3A_0, %c0_i32 : i32, i32
  }
  func.func @transform_5(%arg0: i32) -> (i32, i32) {
    %c0_i32 = arith.constant 0 : i32
    %c0_i32_0 = arith.constant 0 : i32
    %c0_i32_1 = arith.constant 0 : i32
    return %c0_i32, %c0_i32_0 : i32, i32
  }
  func.func @transform_6(%arg0: i32) -> (i32, i32) {
    %c0_i32 = arith.constant 0 : i32
    %c0_i32_0 = arith.constant 0 : i32
    %c0_i32_1 = arith.constant 0 : i32
    return %c0_i32, %c0_i32_0 : i32, i32
  }
  func.func @transform_7(%arg0: i32) -> (i32, i32) {
    %c0_i32 = arith.constant 0 : i32
    %c0_i32_0 = arith.constant 0 : i32
    %c0_i32_1 = arith.constant 0 : i32
    return %c0_i32, %c0_i32_0 : i32, i32
  }
  func.func @transform_8(%arg0: i32) -> (i32, i32) {
    %c0_i32 = arith.constant 0 : i32
    %c0_i32_0 = arith.constant 0 : i32
    %c0_i32_1 = arith.constant 0 : i32
    return %c0_i32, %c0_i32_0 : i32, i32
  }
  func.func @transform_9(%arg0: i32) -> (i32, i32) {
    %c0_i32 = arith.constant 0 : i32
    %c0_i32_0 = arith.constant 0 : i32
    %c0_i32_1 = arith.constant 0 : i32
    return %c0_i32, %c0_i32_0 : i32, i32
  }
  func.func @transform_10(%arg0: i32) -> (i32, i32) {
    %c0_i32 = arith.constant 0 : i32
    %c0_i32_0 = arith.constant 0 : i32
    %c0_i32_1 = arith.constant 0 : i32
    return %c0_i32, %c0_i32_0 : i32, i32
  }
  func.func @transform_11(%arg0: i32) -> (i32, i32) {
    %c0_i32 = arith.constant 0 : i32
    %c0_i32_0 = arith.constant 0 : i32
    %c0_i32_1 = arith.constant 0 : i32
    return %c0_i32, %c0_i32_0 : i32, i32
  }
  func.func @transform_12(%arg0: i32) -> (i32, i32) {
    %c0_i32 = arith.constant 0 : i32
    %c0_i32_0 = arith.constant 0 : i32
    %c0_i32_1 = arith.constant 0 : i32
    return %c0_i32, %c0_i32_0 : i32, i32
  }
  func.func @transform_13(%arg0: i32) -> (i32, i32) {
    %c0_i32 = arith.constant 0 : i32
    %c0_i32_0 = arith.constant 0 : i32
    return %arg0, %c0_i32 : i32, i32
  }
}

</mosaic_0001>

<sc_bundles>
// kernel: kernel.6.cloned.1.call-start
scs
__scs_entry_jumppad:
0x0: {  	(pc) =	sbr.rel $0x88, $3  }
0x1: {  	(tag) =	ssettag $0x0;
	lr =	simm.s32 $0x1  }
0x2: {  	[smem:$0x3F93] =	sst lr;
	_ =	strace $0xD0000000  }
0x3: {  	_ = 	snop  }
0x4: {  	_ = 	snop  }
0x5: {  	_ = 	snop  }
0x6: {  	_ = 	snop  }
0x7: {  	_ = 	snop  }
__scs_overlays_trampoline_lowered:
0x8: {  	[smem:$0x3FA2] =	sst s0  }
0x9: {  	[smem:$0x3FA3] =	sst s1  }
0xa: {  	[smem:$0x3FA4] =	sst s2  }
0xb: {  	[smem:$0x3FA5] =	sst s3  }
0xc: {  	[smem:$0x3FA6] =	sst s4  }
0xd: {  	[smem:$0x3FA7] =	sst s5  }
0xe: {  	[smem:$0x3FA8] =	sst s6  }
0xf: {  	[smem:$0x3FA9] =	sst s7  }
0x10: {  	[smem:$0x3FAA] =	sst s8  }
0x11: {  	[smem:$0x3FAB] =	sst s9;
	s0 =	simm.s32 @!p0 $0x0  }
0x12: {  	s1 =	sld [smem:$0x3F91];
	s0 =	simm.s32 @p0 $0x1  }
0x13: {  	[smem:$0x3FAC] =	sst s0;
	s0 =	simm.s32 @!p1 $0x0  }
0x14: {  	s2 =	sld [smem:$0x3F90];
	s0 =	simm.s32 @p1 $0x1  }
0x15: {  	[smem:$0x3FAD] =	sst s0;
	s0 =	simm.s32 @!p2 $0x0  }
0x16: {  	s3 =	sld [smem:$0x3FDB];
	s0 =	simm.s32 @p2 $0x1  }
0x17: {  	s4 =	simm.s32 $0x1BF5;
	[smem:$0x3FAF] =	sst s0  }
0x18: {  	s0 =	sld [smem:$0x3F92];
	_ =	swait.ge [sflag:s4], $0x0  }
0x19: {  	s7 =	sld [smem:$0x3F93]  }
0x1a: {  	s8 =	sadd.s32 $0xFFFFE003, lr  }
0x1b: {  	s9 =	sadd.s32 $0xFFFFFEF7, lr;
	s5 =	simm.s32 $0xFFFFFFFF;
	p2 =	slt.u32 s8, $0xFFFFF086  }
0x1c: {  	p1 =	slt.u32 s9, $0xF7A;
	s5 =	simm.s32 @!p2 $0x0  }
0x1d: {  	s5 =	simm.s32 @p1 $0x1;
	p0 =	seq.s32 s7, s2  }
0x1e: {  	s7 =	smul.u32 @!p0 $0xF7A, s2;
	p2 =	seq.s32 @!p0 s5, $0x0  }
0x1f: {  	s9 =	smul.u32 $0xF7A, s1;
	s8 =	simm.s32 @!p0 $0x1BF5;
	p2 =	por !p2, p0  }
0x20: {  	[sflag:s8] =	ssyncset.s32 @!p0 $0xFFFFF086;
	s6 =	sadd.s32 @!p0 s3, s7;
	s7 =	simm.s32 @!p0 $0x108  }
0x21: {  	s3 =	sadd.s32 s3, s9;
	s6 =	sadd.s32 @!p0 $0x88, s6;
	s7 =	simm.s32 @p2 $0x1082  }
0x22: {  	[simem:s7], [sflag:s8] =	dma.local @!p0 [hbm:s6], $0xF7A  }
0x23: {  	s9 =	sor.u32 $0xD0000000, s2;
	s6 =	simm.s32 $0x108;
	_ =	swait.ge @!p0 [sflag:s8], $0x0  }
0x24: {  	s3 =	sadd.s32 $0x88, s3;
	s6 =	simm.s32 @!p1 $0x1082;
	[sflag:s4] =	ssyncset.s32 $0xFFFFF086  }
0x25: {  	[simem:s6], [sflag:s4] =	dma.local [hbm:s3], $0xF7A  }
0x26: {  	[smem:$0x3F93] =	sst s1;
	(tag) =	ssettag s2;
	_ =	strace s9  }
0x27: {  	s1 =	sld [smem:$0x3FA3]  }
0x28: {  	s2 =	sld [smem:$0x3FA4]  }
0x29: {  	s4 =	sld [smem:$0x3FA6]  }
0x2a: {  	p0 =	seq.s32 s5, $0x0;
	s5 =	sld [smem:$0x3FA7]  }
0x2b: {  	s6 =	sld [smem:$0x3FA8]  }
0x2c: {  	s7 =	sld [smem:$0x3FA9]  }
0x2d: {  	s3 =	simm.s32 $0x108;
	s8 =	sld [smem:$0x3FAA]  }
0x2e: {  	s3 =	simm.s32 @!p0 $0x1082;
	s9 =	sld [smem:$0x3FAB]  }
0x2f: {  	lr =	sadd.s32 s0, s3;
	s0 =	sld [smem:$0x3FA2]  }
0x30: {  	s3 =	sld [smem:$0x3FA5]  }
0x31: {  	[smem:$0x3FAE] =	sst s10  }
0x32: {  	s10 =	sld [smem:$0x3FAC];
	_ =	sdelay $0x3  }
0x33: {  	p0 =	seq.s32 s10, $0x1;
	s10 =	sld [smem:$0x3FAE];
	_ =	sdelay $0x3  }
0x34: {  	[smem:$0x3FAE] =	sst s10  }
0x35: {  	s10 =	sld [smem:$0x3FAD];
	_ =	sdelay $0x3  }
0x36: {  	p1 =	seq.s32 s10, $0x1;
	s10 =	sld [smem:$0x3FAE];
	_ =	sdelay $0x3  }
0x37: {  	[smem:$0x3FAE] =	sst s10  }
0x38: {  	s10 =	sld [smem:$0x3FAF]  }
0x39: {  	_ = 	snop;
	(pc) =	sbr.ind lr, $3  }
0x3a: {  	_ = 	snop  }
0x3b: {  	_ = 	snop  }
0x3c: {  	p2 =	seq.s32 s10, $0x1;
	s10 =	sld [smem:$0x3FAE]  }
0x3d: {  	_ =	shalt  }
0x3e: {  	_ =	shalt  }
0x3f: {  	_ =	shalt  }
0x40: {  	_ =	shalt  }
0x41: {  	_ =	shalt  }
0x42: {  	_ =	shalt  }
0x43: {  	_ =	shalt  }
0x44: {  	_ =	shalt  }
0x45: {  	_ =	shalt  }
0x46: {  	_ =	shalt  }
0x47: {  	_ =	shalt  }
0x48: {  	_ =	shalt  }
0x49: {  	_ =	shalt  }
0x4a: {  	_ =	shalt  }
0x4b: {  	_ =	shalt  }
0x4c: {  	_ =	shalt  }
0x4d: {  	_ =	shalt  }
0x4e: {  	_ =	shalt  }
0x4f: {  	_ =	shalt  }
0x50: {  	_ =	shalt  }
0x51: {  	_ =	shalt  }
0x52: {  	_ =	shalt  }
0x53: {  	_ =	shalt  }
0x54: {  	_ =	shalt  }
0x55: {  	_ =	shalt  }
0x56: {  	_ =	shalt  }
0x57: {  	_ =	shalt  }
0x58: {  	_ =	shalt  }
0x59: {  	_ =	shalt  }
0x5a: {  	_ =	shalt  }
0x5b: {  	_ =	shalt  }
0x5c: {  	_ =	shalt  }
0x5d: {  	_ =	shalt  }
0x5e: {  	_ =	shalt  }
0x5f: {  	_ =	shalt  }
0x60: {  	_ =	shalt  }
0x61: {  	_ =	shalt  }
0x62: {  	_ =	shalt  }
0x63: {  	_ =	shalt  }
0x64: {  	_ =	shalt  }
0x65: {  	_ =	shalt  }
0x66: {  	_ =	shalt  }
0x67: {  	_ =	shalt  }
0x68: {  	_ =	shalt  }
0x69: {  	_ =	shalt  }
0x6a: {  	_ =	shalt  }
0x6b: {  	_ =	shalt  }
0x6c: {  	_ =	shalt  }
0x6d: {  	_ =	shalt  }
0x6e: {  	_ =	shalt  }
0x6f: {  	_ =	shalt  }
0x70: {  	_ =	shalt  }
0x71: {  	_ =	shalt  }
0x72: {  	_ =	shalt  }
0x73: {  	_ =	shalt  }
0x74: {  	_ =	shalt  }
0x75: {  	_ =	shalt  }
0x76: {  	_ =	shalt  }
0x77: {  	_ =	shalt  }
0x78: {  	_ =	shalt  }
0x79: {  	_ =	shalt  }
0x7a: {  	_ =	shalt  }
0x7b: {  	_ =	shalt  }
0x7c: {  	_ =	shalt  }
0x7d: {  	_ =	shalt  }
0x7e: {  	_ =	shalt  }
0x7f: {  	_ =	shalt  }
0x80: {  	_ =	shalt  }
0x81: {  	_ =	shalt  }
0x82: {  	_ =	shalt  }
0x83: {  	_ =	shalt  }
0x84: {  	_ =	shalt  }
0x85: {  	_ =	shalt  }
0x86: {  	_ =	shalt  }
0x87: {  	_ =	shalt  }
.Lfunc_end0:
.L_simem_size_0:
called_computation_lowered:
.L_overlay_start_0:
0x88: {  	s2 =	sld [smem:$0x3FD9]  }
0x89: {  	s3 =	sld [smem:$0x3FFE];
	_ =	sdelay $0x1  }
0x8a: {  	s1 =	srdreg.scid  }
0x8b: {  	s0 =	sand.u32 $0x1, s1  }
0x8c: {  	s17 =	sshll.u32 s0, $0xA;
	s2 =	sadd.s32 s3, s2  }
0x8d: {  	s2 =	sadd.s32 s2, s17  }
0x8e: {  	[smem:$0x3FBA] =	sst s2  }
0x8f: {  	_ = 	snop  }
0x90: {  	s2 =	sld [smem:$0x3FD0];
	(tm) =	ssettm $0x1  }
0x91: {  	s18 =	sld [smem:$0x3FFB];
	_ =	sdelay $0x3  }
0x92: {  	_ =	strace s18  }
0x93: {  	s3 =	sld [smem:$0x3FFC];
	_ =	sdelay $0x3  }
0x94: {  	_ =	strace s3  }
0x95: {  	s3 =	sld [smem:$0x3FFD];
	_ =	sdelay $0x3  }
0x96: {  	_ =	strace s3  }
0x97: {  	_ =	strace $0x8FFFFFFF  }
0x98: {  	s19 =	sld [smem:$0x3FDB];
	_ =	sdelay $0x1  }
0x99: {  	s4 =	simm.s32 $_scs_section_size  }
0x9a: {  	s5 =	simm.s32 $_size__tile_overlayer_lowered;
	s6 =	simm.s32 $_tile_overlayer_lowered  }
0x9b: {  	s22 =	simm.s32 $0x1BFF;
	s21 =	sshll.u32 s6, $0x1;
	s3 =	sadd.s32 s4, s19  }
0x9c: {  	s7 =	simm.s32 $0x0;
	s20 =	sshll.u32 s5, $0x1;
	s5 =	sadd.s32 s21, s3  }
0x9d: {  	[timem:s7], [sflag:s22] =	dma.local [hbm:s5], s20  }
0x9e: {  	_ =	swait.ge [sflag:s22], s20  }
0x9f: {  	s4 =	ssub.s32 $0x0, s20;
	[sflag:s22] =	ssyncset.done $0x0  }
0xa0: {  	[sflag:s22] =	ssyncadd.s32 s4;
	_ =	sdelay $0x1  }
0xa1: {  	s23 =	simm.s32 $0x1B8B  }
0xa2: {  	_ =	swait.ge [sflag:s23], $0x1  }
0xa3: {  	[sflag:s23] =	ssyncset.done $0x0  }
0xa4: {  	s25 =	simm.s32 $0x1B8E;
	s24 =	sld [smem:$0x3FFE];
	[sflag:s23] =	ssyncadd.s32 $0xFFFFFFFF  }
0xa5: {  	s26 =	simm.s32 $execute0_lowered;
	[smem:$0x3FD2] =	sst s25  }
0xa6: {  	s5 =	sshll.u32 s26, $0x1;
	_ =	strace $0x80000046;
	[dreg:$0x1] =	wrdreg $0xFFFFFFFF  }
0xa7: {  	s28 =	simm.s32 $_size_execute0_lowered;
	s3 =	sadd.s32 s3, s5;
	[dreg:$0x0] =	wrdreg $0x0  }
0xa8: {  	s5 =	sshll.u32 s28, $0x1;
	[dreg:$0x2] =	wrdreg s3  }
0xa9: {  	[dreg:$0x3] =	wrdreg s5  }
0xaa: {  	[dreg:$0x4] =	wrdreg $0xC0  }
0xab: {  	_ =	task [dreg:s7], $0x5FFFF  }
0xac: {  	[dreg:$0x1] =	wrdreg $0xFFFFFFFF  }
0xad: {  	[dreg:$0x0] =	wrdreg $0x60  }
0xae: {  	[dreg:$0x2] =	wrdreg s24  }
0xaf: {  	[dreg:$0x3] =	wrdreg s2  }
0xb0: {  	[dreg:$0x4] =	wrdreg $0x70C00  }
0xb1: {  	[dreg:$0x5] =	wrdreg $0x9  }
0xb2: {  	_ =	task.clear_ibuf [dreg:s7], $0x6FFFF;
	_ =	strace $0x90000046  }
0xb3: {  	s29 =	simm.s32 $0x9;
	_ =	strace $0x80000048  }
0xb4: {  	_ =	swait.ge [sflag:s29], $0x1  }
0xb5: {  	[sflag:s29] =	ssyncadd.s32 $0xFFFFFFFF  }
0xb6: {  	_ =	strace $0x90000048  }
0xb7: {  	_ =	sfence  }
0xb8: {  	s30 =	sld [smem:$0x0];
	_ =	sdelay $0x2  }
0xb9: {  	s31 =	sshll.u32 s1, $0xD;
	s1 =	sshrl.u32 s1, $0x2  }
0xba: {  	s3 =	sand.u32 $0x4000, s31;
	s1 =	sadd.s32 s1, s30  }
0xbb: {  	s0 =	sor.u32 s3, s0;
	s1 =	sshll.u32 s1, $0x11  }
0xbc: {  	s0 =	sor.u32 s1, s0  }
0xbd: {  	s0 =	sadd.s32 $0x8F2B, s0  }
0xbe: {  	[sflag:s0] =	ssyncadd.remote.s32 $0x1  }
0xbf: {  	_ =	sfence.sel $0xFFFF  }
0xc0: {  	[dreg:$0x0] =	wrdreg $0xFFFFFFFF;
	(pc) =	sbr.abs _section_cstart, $3  }
0xc1: {  	[dreg:$0x1] =	wrdreg $0xFFFFFFFF  }
0xc2: {  	_ =	task.clear_ibuf [dreg:s7], $0x2FFFF;
	_ =	strace $0x9FFFFFFF  }
0xc3: {  	(tm) =	ssettm $0x7FFFFFFF  }
tec
execute0_lowered:
.L_overlay_start_1:
0x0: {  	(tag) =	ssettag $0x1  }
0x1: {  	s5 =	rddreg [dreg:$0x0]  }
0x2: {  	s2 =	rddreg [dreg:$0x1]  }
0x3: {  	s3 =	rddreg [dreg:$0x2];
	s4 =	srdreg.scid  }
0x4: {  	s1 =	stileid.u32;
	s0 =	rddreg [dreg:$0x3];
	s11 =	simm.s32 $0x80  }
0x5: {  	s12 =	simm.s32 $0x6400;
	s13 =	simm.s32 $0x0;
	s6 =	sand.u32 $0x1, s4  }
0x6: {  	s7 =	smul.u32 $0xC40, s1;
	s4 =	simm.s32 $0x0;
	s8 =	sshll.u32 s1, $0x1  }
0x7: {  	s9 =	smul.u32 $0xFA00, s6;
	s8 =	sor.u32 s6, s8;
	s6 =	ssub.s32 $0x2, s6  }
0x8: {  	[smem:$0x7FF] =	sst s4;
	s8 =	smul.u32 $0xC80, s8;
	s10 =	sshrl.u32 s6, $0x1  }
0x9: {  	_ =	strace $0x80000047;
	s9 =	sadd.s32 s7, s9;
	s10 =	ssub.s32 s6, s10  }
0xa: {  	s6 =	sadd.s32 s7, s3;
	s9 =	sshrl.u32 s9, $0x3;
	s8 =	sadd.s32 s8, s5  }
0xb: {  	s9 =	sadd.s32 s9, s5;
	s5 =	sadd.s32 $0x1800, s8;
	s8 =	smax.u32 s10, $0x1  }
0xc: {  	v0 =	vimm.f32 $1.000000000e+00;
	s10 =	simm.s32 $0x6480;
	s7 =	sadd.s32 $0x1A800, s9;
	s9 =	simm.s32 $0x1  }
.LBB2_1:
0xd: {  	[tilespmem:s4], [sflag:$0x1] =	stream.linear.gather [hbm4b:s5+s4], $0x6400, $0x38;
	[tilespmem:$0x7D00] =	vst v63  }
0xe: {  	_ =	swait.ge [sflag:s9], $0x6400  }
0xf: {  	[sflag:s9] =	ssyncset.done $0x0  }
0x10: {  	[sflag:s9] =	ssyncadd.s32 $0xFFFF9C00  }
0x11: {  	[tilespmem:$0x6400] =	vst v0  }
0x12: {  	[tilespmem:$0x6410] =	vst v0  }
0x13: {  	[tilespmem:$0x6420] =	vst v0  }
0x14: {  	[tilespmem:$0x6430] =	vst v0  }
0x15: {  	[tilespmem:$0x6440] =	vst v0  }
0x16: {  	[tilespmem:$0x6450] =	vst v0  }
0x17: {  	[tilespmem:$0x6460] =	vst v0  }
0x18: {  	[tilespmem:$0x6470] =	vst v0  }
0x19: {  	[tilespmem:s10], [sflag:$0x1] =	stream.linear.gather [hbm4b:s2+s4], $0xC40, $0x38;
	[tilespmem:$0x7D00] =	vst v63  }
0x1a: {  	_ =	swait.ge [sflag:s9], $0xC40  }
0x1b: {  	[sflag:s9] =	ssyncset.done $0x0  }
0x1c: {  	[sflag:s9] =	ssyncadd.s32 $0xFFFFF3C0  }
0x1d: {  	[spmem:s6] =	stream.linear.scatter [tilespmem:s10], [sflag:$0x1], $0xC40, $0x38;
	[tilespmem:$0x7D00] =	vst v63  }
0x1e: {  	_ =	swait.ge [sflag:s9], $0xC40  }
0x1f: {  	[sflag:s9] =	ssyncset.done $0x0  }
0x20: {  	[sflag:s9] =	ssyncadd.s32 $0xFFFFF3C0  }
0x21: {  	s14 =	simm.s32 $0x0;
	[bflag:$0x0] =	sbarrier.arrive $0xFFFF  }
0x22: {  	[spmem:s3] =	stream.indirect.scatter.add.f32 [tilespmem:s12], [sflag:$0x1], $0x1, s14, s11, $0xb8;
	[tilespmem:$0x7D00] =	vst v63  }
0x23: {  	_ =	swait.ge [sflag:s9], $0x80  }
0x24: {  	s14 =	simm.s32 $0x200;
	[sflag:s9] =	ssyncset.done $0x0  }
.LBB2_2:
0x25: {  	s15 =	sshra.s32 s14, $0x2;
	[sflag:s9] =	ssyncadd.s32 $0xFFFFFF80;
	p0 =	sne.s32 s14, $0x18E00  }
0x26: {  	[spmem:s3] =	stream.indirect.scatter.add.f32 [tilespmem:s12], [sflag:$0x1], $0x1, s15, s11, $0xb8;
	[tilespmem:$0x7D00] =	vst v63  }
.Ltmp0:
0x27: {  	_ = 	snop;
	(pc) =	sbr.rel @p0 .LBB2_2-.Ltmp0, $4  }
0x28: {  	_ = 	snop  }
0x29: {  	s14 =	sadd.s32 $0x200, s14  }
0x2a: {  	_ =	swait.ge [sflag:s9], $0x80  }
0x2b: {  	[sflag:s9] =	ssyncset.done $0x0  }
0x2c: {  	[sflag:s9] =	ssyncadd.s32 $0xFFFFFF80  }
0x2d: {  	[bflag:$0x0] =	sbarrier.arrive $0xFFFF  }
0x2e: {  	[tilespmem:s10], [sflag:$0x1] =	stream.linear.gather [spmem:s6], $0xC40, $0x38;
	[tilespmem:$0x7D00] =	vst v63  }
0x2f: {  	s13 =	sadd.s32 $0x1, s13;
	_ =	swait.ge [sflag:s9], $0xC40  }
0x30: {  	p0 =	sne.s32 s13, s8;
	[sflag:s9] =	ssyncset.done $0x0  }
.Ltmp1:
0x31: {  	[sflag:s9] =	ssyncadd.s32 $0xFFFFF3C0;
	(pc) =	sbr.rel @p0 .LBB2_1-.Ltmp1, $4  }
0x32: {  	[hbm4b:s7+s4] =	stream.linear.scatter [tilespmem:s10], [sflag:$0x1], $0xC40, $0x38;
	[tilespmem:$0x7D00] =	vst v63  }
0x33: {  	_ =	swait.ge [sflag:s9], $0xC40  }
0x34: {  	[sflag:s9] =	ssyncset.done $0x0  }
0x35: {  	[sflag:s9] =	ssyncadd.s32 $0xFFFFF3C0  }
0x36: {  	_ =	sfence.sel $0x180000  }
0x37: {  	[bflag:$0x0] =	sbarrier.arrive $0xFFFF  }
0x38: {  	p0 =	sne.s32 s1, $0x0;
	_ =	strace $0x90000047  }
0x39: {  	s0 =	sadd.s32 @!p0 $0x100000, s0;
	[bflag:$0x2] =	sbarrier.arrive $0xFFFF  }
0x3a: {  	[sflag:s0] =	ssyncadd.tile.s32 @!p0 $0x1;
	_ =	shalt  }
.Lfunc_end2:
_tile_overlayer_lowered:
.L_overlay_start_2:
0x3b: {  	(tag) =	ssettag $0x2  }
0x3c: {  	s0 =	rddreg [dreg:$0x0];
	s2 =	stileid.u32  }
0x3d: {  	s1 =	rddreg [dreg:$0x1];
	p0 =	sne.s32 s2, $0x0  }
0x3e: {  	s3 =	rddreg [dreg:$0x2];
	[bflag:$0x3] =	sbarrier.arrive $0xFFFF;
	s2 =	simm.s32 @!p0 $0x1C01  }
0x3f: {  	[timem:s3], [sflag:s2] =	dma.local @!p0 [hbm:s0], s1  }
0x40: {  	s0 =	simm.s32 @!p0 $0x1  }
0x41: {  	_ =	swait.ge @!p0 [sflag:s0], s1  }
0x42: {  	s1 =	ssub.s32 @!p0 $0x0, s1;
	[sflag:s0] =	ssyncset.done @!p0 $0x0  }
0x43: {  	[sflag:s0] =	ssyncadd.s32 @!p0 s1  }
0x44: {  	[bflag:$0x3] =	sbarrier.arrive $0xFFFF  }
0x45: {  	_ =	shalt  }

// kernel: kernel.9.cloned.1.call-start
scs
__scs_entry_jumppad:
0x0: {  	(pc) =	sbr.rel $0x88, $3  }
0x1: {  	(tag) =	ssettag $0x0;
	lr =	simm.s32 $0x1  }
0x2: {  	[smem:$0x3F93] =	sst lr;
	_ =	strace $0xD0000000  }
0x3: {  	_ = 	snop  }
0x4: {  	_ = 	snop  }
0x5: {  	_ = 	snop  }
0x6: {  	_ = 	snop  }
0x7: {  	_ = 	snop  }
__scs_overlays_trampoline_lowered:
0x8: {  	[smem:$0x3FA2] =	sst s0  }
0x9: {  	[smem:$0x3FA3] =	sst s1  }
0xa: {  	[smem:$0x3FA4] =	sst s2  }
0xb: {  	[smem:$0x3FA5] =	sst s3  }
0xc: {  	[smem:$0x3FA6] =	sst s4  }
0xd: {  	[smem:$0x3FA7] =	sst s5  }
0xe: {  	[smem:$0x3FA8] =	sst s6  }
0xf: {  	[smem:$0x3FA9] =	sst s7  }
0x10: {  	[smem:$0x3FAA] =	sst s8  }
0x11: {  	[smem:$0x3FAB] =	sst s9;
	s0 =	simm.s32 @!p0 $0x0  }
0x12: {  	s1 =	sld [smem:$0x3F91];
	s0 =	simm.s32 @p0 $0x1  }
0x13: {  	[smem:$0x3FAC] =	sst s0;
	s0 =	simm.s32 @!p1 $0x0  }
0x14: {  	s2 =	sld [smem:$0x3F90];
	s0 =	simm.s32 @p1 $0x1  }
0x15: {  	[smem:$0x3FAD] =	sst s0;
	s0 =	simm.s32 @!p2 $0x0  }
0x16: {  	s3 =	sld [smem:$0x3FDB];
	s0 =	simm.s32 @p2 $0x1  }
0x17: {  	s4 =	simm.s32 $0x1BF5;
	[smem:$0x3FAF] =	sst s0  }
0x18: {  	s0 =	sld [smem:$0x3F92];
	_ =	swait.ge [sflag:s4], $0x0  }
0x19: {  	s7 =	sld [smem:$0x3F93]  }
0x1a: {  	s8 =	sadd.s32 $0xFFFFE003, lr  }
0x1b: {  	s9 =	sadd.s32 $0xFFFFFEF7, lr;
	s5 =	simm.s32 $0xFFFFFFFF;
	p2 =	slt.u32 s8, $0xFFFFF086  }
0x1c: {  	p1 =	slt.u32 s9, $0xF7A;
	s5 =	simm.s32 @!p2 $0x0  }
0x1d: {  	s5 =	simm.s32 @p1 $0x1;
	p0 =	seq.s32 s7, s2  }
0x1e: {  	s7 =	smul.u32 @!p0 $0xF7A, s2;
	p2 =	seq.s32 @!p0 s5, $0x0  }
0x1f: {  	s9 =	smul.u32 $0xF7A, s1;
	s8 =	simm.s32 @!p0 $0x1BF5;
	p2 =	por !p2, p0  }
0x20: {  	[sflag:s8] =	ssyncset.s32 @!p0 $0xFFFFF086;
	s6 =	sadd.s32 @!p0 s3, s7;
	s7 =	simm.s32 @!p0 $0x108  }
0x21: {  	s3 =	sadd.s32 s3, s9;
	s6 =	sadd.s32 @!p0 $0x88, s6;
	s7 =	simm.s32 @p2 $0x1082  }
0x22: {  	[simem:s7], [sflag:s8] =	dma.local @!p0 [hbm:s6], $0xF7A  }
0x23: {  	s9 =	sor.u32 $0xD0000000, s2;
	s6 =	simm.s32 $0x108;
	_ =	swait.ge @!p0 [sflag:s8], $0x0  }
0x24: {  	s3 =	sadd.s32 $0x88, s3;
	s6 =	simm.s32 @!p1 $0x1082;
	[sflag:s4] =	ssyncset.s32 $0xFFFFF086  }
0x25: {  	[simem:s6], [sflag:s4] =	dma.local [hbm:s3], $0xF7A  }
0x26: {  	[smem:$0x3F93] =	sst s1;
	(tag) =	ssettag s2;
	_ =	strace s9  }
0x27: {  	s1 =	sld [smem:$0x3FA3]  }
0x28: {  	s2 =	sld [smem:$0x3FA4]  }
0x29: {  	s4 =	sld [smem:$0x3FA6]  }
0x2a: {  	p0 =	seq.s32 s5, $0x0;
	s5 =	sld [smem:$0x3FA7]  }
0x2b: {  	s6 =	sld [smem:$0x3FA8]  }
0x2c: {  	s7 =	sld [smem:$0x3FA9]  }
0x2d: {  	s3 =	simm.s32 $0x108;
	s8 =	sld [smem:$0x3FAA]  }
0x2e: {  	s3 =	simm.s32 @!p0 $0x1082;
	s9 =	sld [smem:$0x3FAB]  }
0x2f: {  	lr =	sadd.s32 s0, s3;
	s0 =	sld [smem:$0x3FA2]  }
0x30: {  	s3 =	sld [smem:$0x3FA5]  }
0x31: {  	[smem:$0x3FAE] =	sst s10  }
0x32: {  	s10 =	sld [smem:$0x3FAC];
	_ =	sdelay $0x3  }
0x33: {  	p0 =	seq.s32 s10, $0x1;
	s10 =	sld [smem:$0x3FAE];
	_ =	sdelay $0x3  }
0x34: {  	[smem:$0x3FAE] =	sst s10  }
0x35: {  	s10 =	sld [smem:$0x3FAD];
	_ =	sdelay $0x3  }
0x36: {  	p1 =	seq.s32 s10, $0x1;
	s10 =	sld [smem:$0x3FAE];
	_ =	sdelay $0x3  }
0x37: {  	[smem:$0x3FAE] =	sst s10  }
0x38: {  	s10 =	sld [smem:$0x3FAF]  }
0x39: {  	_ = 	snop;
	(pc) =	sbr.ind lr, $3  }
0x3a: {  	_ = 	snop  }
0x3b: {  	_ = 	snop  }
0x3c: {  	p2 =	seq.s32 s10, $0x1;
	s10 =	sld [smem:$0x3FAE]  }
0x3d: {  	_ =	shalt  }
0x3e: {  	_ =	shalt  }
0x3f: {  	_ =	shalt  }
0x40: {  	_ =	shalt  }
0x41: {  	_ =	shalt  }
0x42: {  	_ =	shalt  }
0x43: {  	_ =	shalt  }
0x44: {  	_ =	shalt  }
0x45: {  	_ =	shalt  }
0x46: {  	_ =	shalt  }
0x47: {  	_ =	shalt  }
0x48: {  	_ =	shalt  }
0x49: {  	_ =	shalt  }
0x4a: {  	_ =	shalt  }
0x4b: {  	_ =	shalt  }
0x4c: {  	_ =	shalt  }
0x4d: {  	_ =	shalt  }
0x4e: {  	_ =	shalt  }
0x4f: {  	_ =	shalt  }
0x50: {  	_ =	shalt  }
0x51: {  	_ =	shalt  }
0x52: {  	_ =	shalt  }
0x53: {  	_ =	shalt  }
0x54: {  	_ =	shalt  }
0x55: {  	_ =	shalt  }
0x56: {  	_ =	shalt  }
0x57: {  	_ =	shalt  }
0x58: {  	_ =	shalt  }
0x59: {  	_ =	shalt  }
0x5a: {  	_ =	shalt  }
0x5b: {  	_ =	shalt  }
0x5c: {  	_ =	shalt  }
0x5d: {  	_ =	shalt  }
0x5e: {  	_ =	shalt  }
0x5f: {  	_ =	shalt  }
0x60: {  	_ =	shalt  }
0x61: {  	_ =	shalt  }
0x62: {  	_ =	shalt  }
0x63: {  	_ =	shalt  }
0x64: {  	_ =	shalt  }
0x65: {  	_ =	shalt  }
0x66: {  	_ =	shalt  }
0x67: {  	_ =	shalt  }
0x68: {  	_ =	shalt  }
0x69: {  	_ =	shalt  }
0x6a: {  	_ =	shalt  }
0x6b: {  	_ =	shalt  }
0x6c: {  	_ =	shalt  }
0x6d: {  	_ =	shalt  }
0x6e: {  	_ =	shalt  }
0x6f: {  	_ =	shalt  }
0x70: {  	_ =	shalt  }
0x71: {  	_ =	shalt  }
0x72: {  	_ =	shalt  }
0x73: {  	_ =	shalt  }
0x74: {  	_ =	shalt  }
0x75: {  	_ =	shalt  }
0x76: {  	_ =	shalt  }
0x77: {  	_ =	shalt  }
0x78: {  	_ =	shalt  }
0x79: {  	_ =	shalt  }
0x7a: {  	_ =	shalt  }
0x7b: {  	_ =	shalt  }
0x7c: {  	_ =	shalt  }
0x7d: {  	_ =	shalt  }
0x7e: {  	_ =	shalt  }
0x7f: {  	_ =	shalt  }
0x80: {  	_ =	shalt  }
0x81: {  	_ =	shalt  }
0x82: {  	_ =	shalt  }
0x83: {  	_ =	shalt  }
0x84: {  	_ =	shalt  }
0x85: {  	_ =	shalt  }
0x86: {  	_ =	shalt  }
0x87: {  	_ =	shalt  }
.Lfunc_end0:
.L_simem_size_0:
called_computation.1_lowered:
.L_overlay_start_0:
0x88: {  	s2 =	sld [smem:$0x3FD9]  }
0x89: {  	s3 =	sld [smem:$0x3FFE];
	_ =	sdelay $0x1  }
0x8a: {  	s1 =	srdreg.scid  }
0x8b: {  	s0 =	sand.u32 $0x1, s1  }
0x8c: {  	s17 =	sshll.u32 s0, $0xA;
	s2 =	sadd.s32 s3, s2  }
0x8d: {  	s2 =	sadd.s32 s2, s17  }
0x8e: {  	[smem:$0x3FBA] =	sst s2  }
0x8f: {  	_ = 	snop  }
0x90: {  	s2 =	sld [smem:$0x3FD0];
	(tm) =	ssettm $0x1  }
0x91: {  	s18 =	sld [smem:$0x3FFB];
	_ =	sdelay $0x3  }
0x92: {  	_ =	strace s18  }
0x93: {  	s3 =	sld [smem:$0x3FFC];
	_ =	sdelay $0x3  }
0x94: {  	_ =	strace s3  }
0x95: {  	s3 =	sld [smem:$0x3FFD];
	_ =	sdelay $0x3  }
0x96: {  	_ =	strace s3  }
0x97: {  	_ =	strace $0x8FFFFFFF  }
0x98: {  	s19 =	sld [smem:$0x3FDB];
	_ =	sdelay $0x1  }
0x99: {  	s4 =	simm.s32 $_scs_section_size  }
0x9a: {  	s5 =	simm.s32 $_size__tile_overlayer_lowered;
	s6 =	simm.s32 $_tile_overlayer_lowered  }
0x9b: {  	s22 =	simm.s32 $0x1BFF;
	s21 =	sshll.u32 s6, $0x1;
	s3 =	sadd.s32 s4, s19  }
0x9c: {  	s7 =	simm.s32 $0x0;
	s20 =	sshll.u32 s5, $0x1;
	s5 =	sadd.s32 s21, s3  }
0x9d: {  	[timem:s7], [sflag:s22] =	dma.local [hbm:s5], s20  }
0x9e: {  	_ =	swait.ge [sflag:s22], s20  }
0x9f: {  	s4 =	ssub.s32 $0x0, s20;
	[sflag:s22] =	ssyncset.done $0x0  }
0xa0: {  	[sflag:s22] =	ssyncadd.s32 s4;
	_ =	sdelay $0x1  }
0xa1: {  	s23 =	simm.s32 $0x1B8B  }
0xa2: {  	_ =	swait.ge [sflag:s23], $0x1  }
0xa3: {  	[sflag:s23] =	ssyncset.done $0x0  }
0xa4: {  	s25 =	simm.s32 $0x1B8E;
	s24 =	sld [smem:$0x3FFE];
	[sflag:s23] =	ssyncadd.s32 $0xFFFFFFFF  }
0xa5: {  	s26 =	simm.s32 $execute0_lowered;
	[smem:$0x3FD2] =	sst s25  }
0xa6: {  	s5 =	sshll.u32 s26, $0x1;
	_ =	strace $0x80000049;
	[dreg:$0x1] =	wrdreg $0xFFFFFFFF  }
0xa7: {  	s28 =	simm.s32 $_size_execute0_lowered;
	s3 =	sadd.s32 s3, s5;
	[dreg:$0x0] =	wrdreg $0x0  }
0xa8: {  	s5 =	sshll.u32 s28, $0x1;
	[dreg:$0x2] =	wrdreg s3  }
0xa9: {  	[dreg:$0x3] =	wrdreg s5  }
0xaa: {  	[dreg:$0x4] =	wrdreg $0xC0  }
0xab: {  	_ =	task [dreg:s7], $0x5FFFF  }
0xac: {  	[dreg:$0x1] =	wrdreg $0xFFFFFFFF  }
0xad: {  	[dreg:$0x0] =	wrdreg $0x60  }
0xae: {  	[dreg:$0x2] =	wrdreg s24  }
0xaf: {  	[dreg:$0x3] =	wrdreg s2  }
0xb0: {  	[dreg:$0x4] =	wrdreg $0x120800  }
0xb1: {  	[dreg:$0x5] =	wrdreg $0x9  }
0xb2: {  	_ =	task.clear_ibuf [dreg:s7], $0x6FFFF;
	_ =	strace $0x90000049  }
0xb3: {  	s29 =	simm.s32 $0x9;
	_ =	strace $0x8000004B  }
0xb4: {  	_ =	swait.ge [sflag:s29], $0x1  }
0xb5: {  	[sflag:s29] =	ssyncadd.s32 $0xFFFFFFFF  }
0xb6: {  	_ =	strace $0x9000004B  }
0xb7: {  	_ =	sfence  }
0xb8: {  	s30 =	sld [smem:$0x0];
	_ =	sdelay $0x2  }
0xb9: {  	s31 =	sshll.u32 s1, $0xD;
	s1 =	sshrl.u32 s1, $0x2  }
0xba: {  	s3 =	sand.u32 $0x4000, s31;
	s1 =	sadd.s32 s1, s30  }
0xbb: {  	s0 =	sor.u32 s3, s0;
	s1 =	sshll.u32 s1, $0x11  }
0xbc: {  	s0 =	sor.u32 s1, s0  }
0xbd: {  	s0 =	sadd.s32 $0x8F2B, s0  }
0xbe: {  	[sflag:s0] =	ssyncadd.remote.s32 $0x1  }
0xbf: {  	_ =	sfence.sel $0xFFFF  }
0xc0: {  	[dreg:$0x0] =	wrdreg $0xFFFFFFFF;
	(pc) =	sbr.abs _section_cstart, $3  }
0xc1: {  	[dreg:$0x1] =	wrdreg $0xFFFFFFFF  }
0xc2: {  	_ =	task.clear_ibuf [dreg:s7], $0x2FFFF;
	_ =	strace $0x9FFFFFFF  }
0xc3: {  	(tm) =	ssettm $0x7FFFFFFF  }
tec
execute0_lowered:
.L_overlay_start_1:
0x0: {  	(tag) =	ssettag $0x1  }
0x1: {  	s0 =	srdreg.scid;
	s2 =	rddreg [dreg:$0x0]  }
0x2: {  	s6 =	stileid.u32;
	s3 =	rddreg [dreg:$0x2]  }
0x3: {  	s7 =	simm.s32 $0x0;
	s29 =	simm.s32 $0x80;
	s30 =	simm.s32 $0xC800  }
0x4: {  	s31 =	simm.s32 $0xD000;
	s8 =	simm.s32 $0x10000;
	s9 =	simm.s32 $0xA  }
0x5: {  	s0 =	sand.u32 $0x1, s0;
	s1 =	sshll.u32 s6, $0x1;
	s4 =	smul.u32 $0xC40, s6  }
0x6: {  	[smem:$0x7FF] =	sst s7;
	s6 =	smul.u32 $0x31000, s6;
	s7 =	simm.s32 $0x0  }
0x7: {  	s1 =	sor.u32 s0, s1;
	s5 =	smul.u32 $0xFA00, s0;
	_ =	strace $0x8000004A  }
0x8: {  	s0 =	ssub.s32 $0x2, s0;
	s1 =	smul.u32 $0xC80, s1;
	s6 =	sshrl.u32 s6, $0x2  }
0x9: {  	s21 =	sshrl.u32 s0, $0x1;
	s4 =	sadd.s32 s4, s5;
	s11 =	sadd.s32 s6, s3  }
0xa: {  	s5 =	sadd.s32 $0x1A800, s2;
	s12 =	sadd.s32 $0x1880, s11;
	[dreg:$0x5] =	wrdreg s11  }
0xb: {  	s0 =	ssub.s32 s0, s21;
	s13 =	sadd.s32 $0x4980, s11;
	[dreg:$0x7] =	wrdreg s12  }
0xc: {  	s6 =	simm.s32 $0xF800;
	s14 =	sadd.s32 $0x6200, s11;
	[dreg:$0x9] =	wrdreg s13  }
0xd: {  	s21 =	simm.s32 $0x6;
	s15 =	sadd.s32 $0x7A80, s11;
	[dreg:$0xa] =	wrdreg s14  }
0xe: {  	s1 =	sadd.s32 s1, s2;
	s16 =	sadd.s32 $0x9300, s11;
	[dreg:$0xb] =	wrdreg s15  }
0xf: {  	s4 =	sshll.u32 s4, $0x1;
	s17 =	sadd.s32 $0xAB80, s11;
	[dreg:$0xc] =	wrdreg s16  }
0x10: {  	s28 =	sadd.s32 $0x3100, s11;
	s0 =	smax.u32 s0, $0x1;
	[dreg:$0xd] =	wrdreg s17  }
0x11: {  	s11 =	simm.s32 $0xC;
	s2 =	sadd.s32 s4, s2;
	[dreg:$0x16] =	wrdreg s0  }
0x12: {  	s10 =	sadd.s32 $0x3EF200, s1;
	s1 =	sadd.s32 $0x1800, s1;
	[dreg:$0x8] =	wrdreg s28  }
0x13: {  	s0 =	simm.s32 $0xD800;
	s16 =	simm.s32 $0x1;
	[dreg:$0x4] =	wrdreg s10  }
0x14: {  	s17 =	simm.s32 $0x2;
	[dreg:$0x6] =	wrdreg s1;
	s18 =	sadd.s32 $0x5FC200, s2  }
0x15: {  	s12 =	simm.s32 $0xD;
	s19 =	sadd.s32 $0x5FC510, s2;
	[dreg:$0xe] =	wrdreg s18  }
0x16: {  	s13 =	simm.s32 $0xE;
	s20 =	sadd.s32 $0x5FC820, s2;
	[dreg:$0xf] =	wrdreg s19  }
0x17: {  	s14 =	simm.s32 $0xF;
	s22 =	sadd.s32 $0x5FCB30, s2;
	[dreg:$0x10] =	wrdreg s20  }
0x18: {  	s15 =	simm.s32 $0x10;
	s23 =	sadd.s32 $0x5FCE40, s2;
	[dreg:$0x11] =	wrdreg s22  }
0x19: {  	s24 =	sadd.s32 $0x5FD150, s2;
	s25 =	sadd.s32 $0x5FD460, s2;
	[dreg:$0x12] =	wrdreg s23  }
0x1a: {  	s26 =	sadd.s32 $0x5FD770, s2;
	s2 =	simm.s32 $0xE800;
	[dreg:$0x13] =	wrdreg s24  }
0x1b: {  	s1 =	simm.s32 $0xF000;
	s10 =	simm.s32 $0xB;
	[dreg:$0x14] =	wrdreg s25  }
0x1c: {  	[dreg:$0x15] =	wrdreg s26;
	s25 =	simm.s32 $0x11;
	s26 =	simm.s32 $0xE000  }
0x1d: {  	s18 =	simm.s32 $0x3;
	s19 =	simm.s32 $0x4;
	s20 =	simm.s32 $0x5  }
0x1e: {  	s22 =	simm.s32 $0x7;
	s23 =	simm.s32 $0x8;
	s24 =	simm.s32 $0x9  }
.LBB2_1:
0x1f: {  	[dreg:$0x17] =	wrdreg s7  }
0x20: {  	s4 =	rddreg [dreg:$0x4];
	s28 =	simm.s32 $0x0  }
0x21: {  	[tilespmem:s28], [sflag:$0x11] =	stream.linear.gather [hbm4b:s4+s28], $0x6400, $0x38;
	[tilespmem:$0x1E480] =	vst v63  }
0x22: {  	_ =	swait.ge [sflag:s25], $0x6400  }
0x23: {  	s7 =	simm.s32 $0x6400;
	[sflag:s25] =	ssyncset.done $0x0  }
0x24: {  	s28 =	simm.s32 $0x0;
	s4 =	rddreg [dreg:$0x6];
	[sflag:s25] =	ssyncadd.s32 $0xFFFF9C00  }
0x25: {  	[tilespmem:s7], [sflag:$0x11] =	stream.linear.gather [hbm4b:s4+s28], $0x6400, $0x38;
	[tilespmem:$0x1E480] =	vst v63  }
0x26: {  	_ =	swait.ge [sflag:s25], $0x6400  }
0x27: {  	[sflag:s25] =	ssyncset.done $0x0  }
0x28: {  	[sflag:s25] =	ssyncadd.s32 $0xFFFF9C00  }
0x29: {  	s7 =	simm.s32 $0x0;
	s28 =	simm.s32 $0x10800;
	s4 =	rddreg [dreg:$0x1]  }
0x2a: {  	[tilespmem:s28], [sflag:$0x11] =	stream.linear.gather [hbm4b:s4+s7], $0x1880, $0x38;
	[tilespmem:$0x1E480] =	vst v63  }
0x2b: {  	_ =	swait.ge [sflag:s25], $0x1880  }
0x2c: {  	[sflag:s25] =	ssyncset.done $0x0  }
0x2d: {  	s4 =	rddreg [dreg:$0x5];
	[sflag:s25] =	ssyncadd.s32 $0xFFFFE780  }
0x2e: {  	[spmem:s4] =	stream.linear.scatter [tilespmem:s28], [sflag:$0x11], $0x1880, $0x38;
	[tilespmem:$0x1E480] =	vst v63  }
0x2f: {  	_ =	swait.ge [sflag:s25], $0x1880  }
0x30: {  	[sflag:s25] =	ssyncset.done $0x0  }
0x31: {  	s4 =	rddreg [dreg:$0x7];
	[sflag:s25] =	ssyncadd.s32 $0xFFFFE780  }
0x32: {  	[spmem:s4] =	stream.linear.scatter [tilespmem:s28], [sflag:$0x11], $0x1880, $0x38;
	[tilespmem:$0x1E480] =	vst v63  }
0x33: {  	_ =	swait.ge [sflag:s25], $0x1880  }
0x34: {  	[sflag:s25] =	ssyncset.done $0x0  }
0x35: {  	s4 =	rddreg [dreg:$0x8];
	[sflag:s25] =	ssyncadd.s32 $0xFFFFE780  }
0x36: {  	[spmem:s4] =	stream.linear.scatter [tilespmem:s28], [sflag:$0x11], $0x1880, $0x38;
	[tilespmem:$0x1E480] =	vst v63  }
0x37: {  	_ =	swait.ge [sflag:s25], $0x1880  }
0x38: {  	[sflag:s25] =	ssyncset.done $0x0  }
0x39: {  	s4 =	rddreg [dreg:$0x9];
	[sflag:s25] =	ssyncadd.s32 $0xFFFFE780  }
0x3a: {  	[spmem:s4] =	stream.linear.scatter [tilespmem:s28], [sflag:$0x11], $0x1880, $0x38;
	[tilespmem:$0x1E480] =	vst v63  }
0x3b: {  	_ =	swait.ge [sflag:s25], $0x1880  }
0x3c: {  	[sflag:s25] =	ssyncset.done $0x0  }
0x3d: {  	s4 =	rddreg [dreg:$0xa];
	[sflag:s25] =	ssyncadd.s32 $0xFFFFE780  }
0x3e: {  	[spmem:s4] =	stream.linear.scatter [tilespmem:s28], [sflag:$0x11], $0x1880, $0x38;
	[tilespmem:$0x1E480] =	vst v63  }
0x3f: {  	_ =	swait.ge [sflag:s25], $0x1880  }
0x40: {  	[sflag:s25] =	ssyncset.done $0x0  }
0x41: {  	s4 =	rddreg [dreg:$0xb];
	[sflag:s25] =	ssyncadd.s32 $0xFFFFE780  }
0x42: {  	[spmem:s4] =	stream.linear.scatter [tilespmem:s28], [sflag:$0x11], $0x1880, $0x38;
	[tilespmem:$0x1E480] =	vst v63  }
0x43: {  	_ =	swait.ge [sflag:s25], $0x1880  }
0x44: {  	[sflag:s25] =	ssyncset.done $0x0  }
0x45: {  	s4 =	rddreg [dreg:$0xc];
	[sflag:s25] =	ssyncadd.s32 $0xFFFFE780  }
0x46: {  	[spmem:s4] =	stream.linear.scatter [tilespmem:s28], [sflag:$0x11], $0x1880, $0x38;
	[tilespmem:$0x1E480] =	vst v63  }
0x47: {  	_ =	swait.ge [sflag:s25], $0x1880  }
0x48: {  	[sflag:s25] =	ssyncset.done $0x0  }
0x49: {  	s28 =	simm.s32 $0x10800;
	s4 =	rddreg [dreg:$0xd];
	[sflag:s25] =	ssyncadd.s32 $0xFFFFE780  }
0x4a: {  	[spmem:s4] =	stream.linear.scatter [tilespmem:s28], [sflag:$0x11], $0x1880, $0x38;
	[tilespmem:$0x1E480] =	vst v63  }
0x4b: {  	_ =	swait.ge [sflag:s25], $0x1880  }
0x4c: {  	[sflag:s25] =	ssyncset.done $0x0  }
0x4d: {  	[sflag:s25] =	ssyncadd.s32 $0xFFFFE780  }
0x4e: {  	[bflag:$0x0] =	sbarrier.arrive $0xFFFF  }
0x4f: {  	[tilespmem:s30], [sflag:$0x1] =	stream.indirect.gather [hbm4b:s5+s29], $0x10, s7, s29, $0xb8;
	[tilespmem:$0x1E480] =	vst v63  }
0x50: {  	_ = 	snop  }
0x51: {  	[tilespmem:s31], [sflag:$0x2] =	stream.indirect.gather [hbm4b:s5+s29], $0x10, s29, s29, $0xb8;
	[tilespmem:$0x1E480] =	vst v63  }
0x52: {  	s28 =	simm.s32 $0x100  }
0x53: {  	[tilespmem:s0], [sflag:$0x3] =	stream.indirect.gather [hbm4b:s5+s29], $0x10, s28, s29, $0xb8;
	[tilespmem:$0x1E480] =	vst v63  }
0x54: {  	s7 =	simm.s32 $0x180  }
0x55: {  	[tilespmem:s26], [sflag:$0x4] =	stream.indirect.gather [hbm4b:s5+s29], $0x10, s7, s29, $0xb8;
	[tilespmem:$0x1E480] =	vst v63  }
0x56: {  	s28 =	simm.s32 $0x200  }
0x57: {  	[tilespmem:s2], [sflag:$0x5] =	stream.indirect.gather [hbm4b:s5+s29], $0x10, s28, s29, $0xb8;
	[tilespmem:$0x1E480] =	vst v63  }
0x58: {  	s7 =	simm.s32 $0x280  }
0x59: {  	[tilespmem:s1], [sflag:$0x6] =	stream.indirect.gather [hbm4b:s5+s29], $0x10, s7, s29, $0xb8;
	[tilespmem:$0x1E480] =	vst v63  }
0x5a: {  	s28 =	simm.s32 $0x300  }
0x5b: {  	[tilespmem:s6], [sflag:$0x7] =	stream.indirect.gather [hbm4b:s5+s29], $0x10, s28, s29, $0xb8;
	[tilespmem:$0x1E480] =	vst v63  }
0x5c: {  	s7 =	simm.s32 $0x380  }
0x5d: {  	[tilespmem:s8], [sflag:$0x8] =	stream.indirect.gather [hbm4b:s5+s29], $0x10, s7, s29, $0xb8;
	[tilespmem:$0x1E480] =	vst v63  }
0x5e: {  	_ =	swait.ge [sflag:s16], $0x800  }
0x5f: {  	[sflag:s16] =	ssyncset.done $0x0  }
0x60: {  	s28 =	simm.s32 $0x6400;
	[sflag:s16] =	ssyncadd.s32 $0xFFFFF800  }
0x61: {  	[spmem:s3] =	stream.indirect.scatter.add.f32 [tilespmem:s30], [sflag:$0x9], $0x10, s28, s29, $0xb8;
	[tilespmem:$0x1E480] =	vst v63  }
0x62: {  	_ =	swait.ge [sflag:s17], $0x800  }
0x63: {  	[sflag:s17] =	ssyncset.done $0x0  }
0x64: {  	s7 =	simm.s32 $0x6480;
	[sflag:s17] =	ssyncadd.s32 $0xFFFFF800  }
0x65: {  	[spmem:s3] =	stream.indirect.scatter.add.f32 [tilespmem:s31], [sflag:$0xA], $0x10, s7, s29, $0xb8;
	[tilespmem:$0x1E480] =	vst v63  }
0x66: {  	_ =	swait.ge [sflag:s18], $0x800  }
0x67: {  	[sflag:s18] =	ssyncset.done $0x0  }
0x68: {  	s28 =	simm.s32 $0x6500;
	[sflag:s18] =	ssyncadd.s32 $0xFFFFF800  }
0x69: {  	[spmem:s3] =	stream.indirect.scatter.add.f32 [tilespmem:s0], [sflag:$0xB], $0x10, s28, s29, $0xb8;
	[tilespmem:$0x1E480] =	vst v63  }
0x6a: {  	_ =	swait.ge [sflag:s19], $0x800  }
0x6b: {  	[sflag:s19] =	ssyncset.done $0x0  }
0x6c: {  	s7 =	simm.s32 $0x6580;
	[sflag:s19] =	ssyncadd.s32 $0xFFFFF800  }
0x6d: {  	[spmem:s3] =	stream.indirect.scatter.add.f32 [tilespmem:s26], [sflag:$0xC], $0x10, s7, s29, $0xb8;
	[tilespmem:$0x1E480] =	vst v63  }
0x6e: {  	_ =	swait.ge [sflag:s20], $0x800  }
0x6f: {  	[sflag:s20] =	ssyncset.done $0x0  }
0x70: {  	s28 =	simm.s32 $0x6600;
	[sflag:s20] =	ssyncadd.s32 $0xFFFFF800  }
0x71: {  	[spmem:s3] =	stream.indirect.scatter.add.f32 [tilespmem:s2], [sflag:$0xD], $0x10, s28, s29, $0xb8;
	[tilespmem:$0x1E480] =	vst v63  }
0x72: {  	_ =	swait.ge [sflag:s21], $0x800  }
0x73: {  	[sflag:s21] =	ssyncset.done $0x0  }
0x74: {  	s7 =	simm.s32 $0x6680;
	[sflag:s21] =	ssyncadd.s32 $0xFFFFF800  }
0x75: {  	[spmem:s3] =	stream.indirect.scatter.add.f32 [tilespmem:s1], [sflag:$0xE], $0x10, s7, s29, $0xb8;
	[tilespmem:$0x1E480] =	vst v63  }
0x76: {  	_ =	swait.ge [sflag:s22], $0x800  }
0x77: {  	[sflag:s22] =	ssyncset.done $0x0  }
0x78: {  	s28 =	simm.s32 $0x6700;
	[sflag:s22] =	ssyncadd.s32 $0xFFFFF800  }
0x79: {  	[spmem:s3] =	stream.indirect.scatter.add.f32 [tilespmem:s6], [sflag:$0xF], $0x10, s28, s29, $0xb8;
	[tilespmem:$0x1E480] =	vst v63  }
0x7a: {  	_ =	swait.ge [sflag:s23], $0x800  }
0x7b: {  	[sflag:s23] =	ssyncset.done $0x0  }
0x7c: {  	s7 =	simm.s32 $0x6780;
	[sflag:s23] =	ssyncadd.s32 $0xFFFFF800  }
0x7d: {  	[spmem:s3] =	stream.indirect.scatter.add.f32 [tilespmem:s8], [sflag:$0x10], $0x10, s7, s29, $0xb8;
	[tilespmem:$0x1E480] =	vst v63  }
0x7e: {  	_ =	swait.ge [sflag:s24], $0x800  }
0x7f: {  	[sflag:s24] =	ssyncset.done $0x0  }
0x80: {  	s28 =	simm.s32 $0x400;
	[sflag:s24] =	ssyncadd.s32 $0xFFFFF800  }
0x81: {  	[tilespmem:s30], [sflag:$0x1] =	stream.indirect.gather [hbm4b:s5+s29], $0x10, s28, s29, $0xb8;
	[tilespmem:$0x1E480] =	vst v63  }
0x82: {  	_ =	swait.ge [sflag:s9], $0x800  }
0x83: {  	[sflag:s9] =	ssyncset.done $0x0  }
0x84: {  	s7 =	simm.s32 $0x480;
	[sflag:s9] =	ssyncadd.s32 $0xFFFFF800  }
0x85: {  	[tilespmem:s31], [sflag:$0x2] =	stream.indirect.gather [hbm4b:s5+s29], $0x10, s7, s29, $0xb8;
	[tilespmem:$0x1E480] =	vst v63  }
0x86: {  	_ =	swait.ge [sflag:s10], $0x800  }
0x87: {  	[sflag:s10] =	ssyncset.done $0x0  }
0x88: {  	s28 =	simm.s32 $0x500;
	[sflag:s10] =	ssyncadd.s32 $0xFFFFF800  }
0x89: {  	[tilespmem:s0], [sflag:$0x3] =	stream.indirect.gather [hbm4b:s5+s29], $0x10, s28, s29, $0xb8;
	[tilespmem:$0x1E480] =	vst v63  }
0x8a: {  	_ =	swait.ge [sflag:s11], $0x800  }
0x8b: {  	[sflag:s11] =	ssyncset.done $0x0  }
0x8c: {  	s7 =	simm.s32 $0x580;
	[sflag:s11] =	ssyncadd.s32 $0xFFFFF800  }
0x8d: {  	[tilespmem:s26], [sflag:$0x4] =	stream.indirect.gather [hbm4b:s5+s29], $0x10, s7, s29, $0xb8;
	[tilespmem:$0x1E480] =	vst v63  }
0x8e: {  	_ =	swait.ge [sflag:s12], $0x800  }
0x8f: {  	[sflag:s12] =	ssyncset.done $0x0  }
0x90: {  	s28 =	simm.s32 $0x600;
	[sflag:s12] =	ssyncadd.s32 $0xFFFFF800  }
0x91: {  	[tilespmem:s2], [sflag:$0x5] =	stream.indirect.gather [hbm4b:s5+s29], $0x10, s28, s29, $0xb8;
	[tilespmem:$0x1E480] =	vst v63  }
0x92: {  	_ =	swait.ge [sflag:s13], $0x800  }
0x93: {  	[sflag:s13] =	ssyncset.done $0x0  }
0x94: {  	s7 =	simm.s32 $0x680;
	[sflag:s13] =	ssyncadd.s32 $0xFFFFF800  }
0x95: {  	[tilespmem:s1], [sflag:$0x6] =	stream.indirect.gather [hbm4b:s5+s29], $0x10, s7, s29, $0xb8;
	[tilespmem:$0x1E480] =	vst v63  }
0x96: {  	_ =	swait.ge [sflag:s14], $0x800  }
0x97: {  	[sflag:s14] =	ssyncset.done $0x0  }
0x98: {  	s28 =	simm.s32 $0x700;
	[sflag:s14] =	ssyncadd.s32 $0xFFFFF800  }
0x99: {  	[tilespmem:s6], [sflag:$0x7] =	stream.indirect.gather [hbm4b:s5+s29], $0x10, s28, s29, $0xb8;
	[tilespmem:$0x1E480] =	vst v63  }
0x9a: {  	_ =	swait.ge [sflag:s15], $0x800  }
0x9b: {  	[sflag:s15] =	ssyncset.done $0x0  }
0x9c: {  	s4 =	simm.s32 $0x1000;
	s7 =	simm.s32 $0x780;
	[sflag:s15] =	ssyncadd.s32 $0xFFFFF800  }
.LBB2_2:
0x9d: {  	[tilespmem:s8], [sflag:$0x8] =	stream.indirect.gather [hbm4b:s5+s29], $0x10, s7, s29, $0xb8;
	[tilespmem:$0x1E480] =	vst v63  }
0x9e: {  	s7 =	smov.u32 s4  }
0x9f: {  	p0 =	sne.s32 s4, $0x17000;
	s4 =	sadd.s32 $0x1000, s4;
	_ =	swait.ge [sflag:s16], $0x800  }
0xa0: {  	s7 =	sshra.s32 s7, $0x2;
	[sflag:s16] =	ssyncset.done $0x0  }
0xa1: {  	s28 =	sadd.s32 $0x6400, s7;
	[sflag:s16] =	ssyncadd.s32 $0xFFFFF800  }
0xa2: {  	[spmem:s3] =	stream.indirect.scatter.add.f32 [tilespmem:s30], [sflag:$0x9], $0x10, s28, s29, $0xb8;
	[tilespmem:$0x1E480] =	vst v63  }
0xa3: {  	_ =	swait.ge [sflag:s17], $0x800  }
0xa4: {  	[sflag:s17] =	ssyncset.done $0x0  }
0xa5: {  	s28 =	sadd.s32 $0x6480, s7;
	[sflag:s17] =	ssyncadd.s32 $0xFFFFF800  }
0xa6: {  	[spmem:s3] =	stream.indirect.scatter.add.f32 [tilespmem:s31], [sflag:$0xA], $0x10, s28, s29, $0xb8;
	[tilespmem:$0x1E480] =	vst v63  }
0xa7: {  	_ =	swait.ge [sflag:s18], $0x800  }
0xa8: {  	[sflag:s18] =	ssyncset.done $0x0  }
0xa9: {  	s28 =	sadd.s32 $0x6500, s7;
	[sflag:s18] =	ssyncadd.s32 $0xFFFFF800  }
0xaa: {  	[spmem:s3] =	stream.indirect.scatter.add.f32 [tilespmem:s0], [sflag:$0xB], $0x10, s28, s29, $0xb8;
	[tilespmem:$0x1E480] =	vst v63  }
0xab: {  	_ =	swait.ge [sflag:s19], $0x800  }
0xac: {  	[sflag:s19] =	ssyncset.done $0x0  }
0xad: {  	s28 =	sadd.s32 $0x6580, s7;
	[sflag:s19] =	ssyncadd.s32 $0xFFFFF800  }
0xae: {  	[spmem:s3] =	stream.indirect.scatter.add.f32 [tilespmem:s26], [sflag:$0xC], $0x10, s28, s29, $0xb8;
	[tilespmem:$0x1E480] =	vst v63  }
0xaf: {  	_ =	swait.ge [sflag:s20], $0x800  }
0xb0: {  	[sflag:s20] =	ssyncset.done $0x0  }
0xb1: {  	s28 =	sadd.s32 $0x6600, s7;
	[sflag:s20] =	ssyncadd.s32 $0xFFFFF800  }
0xb2: {  	[spmem:s3] =	stream.indirect.scatter.add.f32 [tilespmem:s2], [sflag:$0xD], $0x10, s28, s29, $0xb8;
	[tilespmem:$0x1E480] =	vst v63  }
0xb3: {  	_ =	swait.ge [sflag:s21], $0x800  }
0xb4: {  	[sflag:s21] =	ssyncset.done $0x0  }
0xb5: {  	s28 =	sadd.s32 $0x6680, s7;
	[sflag:s21] =	ssyncadd.s32 $0xFFFFF800  }
0xb6: {  	[spmem:s3] =	stream.indirect.scatter.add.f32 [tilespmem:s1], [sflag:$0xE], $0x10, s28, s29, $0xb8;
	[tilespmem:$0x1E480] =	vst v63  }
0xb7: {  	_ =	swait.ge [sflag:s22], $0x800  }
0xb8: {  	[sflag:s22] =	ssyncset.done $0x0  }
0xb9: {  	s28 =	sadd.s32 $0x6700, s7;
	[sflag:s22] =	ssyncadd.s32 $0xFFFFF800  }
0xba: {  	[spmem:s3] =	stream.indirect.scatter.add.f32 [tilespmem:s6], [sflag:$0xF], $0x10, s28, s29, $0xb8;
	[tilespmem:$0x1E480] =	vst v63  }
0xbb: {  	_ =	swait.ge [sflag:s23], $0x800  }
0xbc: {  	[sflag:s23] =	ssyncset.done $0x0  }
0xbd: {  	s28 =	sadd.s32 $0x6780, s7;
	[sflag:s23] =	ssyncadd.s32 $0xFFFFF800  }
0xbe: {  	[spmem:s3] =	stream.indirect.scatter.add.f32 [tilespmem:s8], [sflag:$0x10], $0x10, s28, s29, $0xb8;
	[tilespmem:$0x1E480] =	vst v63  }
0xbf: {  	_ =	swait.ge [sflag:s24], $0x800  }
0xc0: {  	[sflag:s24] =	ssyncset.done $0x0  }
0xc1: {  	s28 =	sadd.s32 $0x400, s7;
	[sflag:s24] =	ssyncadd.s32 $0xFFFFF800  }
0xc2: {  	[tilespmem:s30], [sflag:$0x1] =	stream.indirect.gather [hbm4b:s5+s29], $0x10, s28, s29, $0xb8;
	[tilespmem:$0x1E480] =	vst v63  }
0xc3: {  	_ =	swait.ge [sflag:s9], $0x800  }
0xc4: {  	[sflag:s9] =	ssyncset.done $0x0  }
0xc5: {  	s28 =	sadd.s32 $0x480, s7;
	[sflag:s9] =	ssyncadd.s32 $0xFFFFF800  }
0xc6: {  	[tilespmem:s31], [sflag:$0x2] =	stream.indirect.gather [hbm4b:s5+s29], $0x10, s28, s29, $0xb8;
	[tilespmem:$0x1E480] =	vst v63  }
0xc7: {  	_ =	swait.ge [sflag:s10], $0x800  }
0xc8: {  	[sflag:s10] =	ssyncset.done $0x0  }
0xc9: {  	s28 =	sadd.s32 $0x500, s7;
	[sflag:s10] =	ssyncadd.s32 $0xFFFFF800  }
0xca: {  	[tilespmem:s0], [sflag:$0x3] =	stream.indirect.gather [hbm4b:s5+s29], $0x10, s28, s29, $0xb8;
	[tilespmem:$0x1E480] =	vst v63  }
0xcb: {  	_ =	swait.ge [sflag:s11], $0x800  }
0xcc: {  	[sflag:s11] =	ssyncset.done $0x0  }
0xcd: {  	s28 =	sadd.s32 $0x580, s7;
	[sflag:s11] =	ssyncadd.s32 $0xFFFFF800  }
0xce: {  	[tilespmem:s26], [sflag:$0x4] =	stream.indirect.gather [hbm4b:s5+s29], $0x10, s28, s29, $0xb8;
	[tilespmem:$0x1E480] =	vst v63  }
0xcf: {  	_ =	swait.ge [sflag:s12], $0x800  }
0xd0: {  	[sflag:s12] =	ssyncset.done $0x0  }
0xd1: {  	s28 =	sadd.s32 $0x600, s7;
	[sflag:s12] =	ssyncadd.s32 $0xFFFFF800  }
0xd2: {  	[tilespmem:s2], [sflag:$0x5] =	stream.indirect.gather [hbm4b:s5+s29], $0x10, s28, s29, $0xb8;
	[tilespmem:$0x1E480] =	vst v63  }
0xd3: {  	_ =	swait.ge [sflag:s13], $0x800  }
0xd4: {  	[sflag:s13] =	ssyncset.done $0x0  }
0xd5: {  	s28 =	sadd.s32 $0x680, s7;
	[sflag:s13] =	ssyncadd.s32 $0xFFFFF800  }
0xd6: {  	[tilespmem:s1], [sflag:$0x6] =	stream.indirect.gather [hbm4b:s5+s29], $0x10, s28, s29, $0xb8;
	[tilespmem:$0x1E480] =	vst v63  }
0xd7: {  	_ =	swait.ge [sflag:s14], $0x800  }
0xd8: {  	[sflag:s14] =	ssyncset.done $0x0  }
.Ltmp0:
0xd9: {  	s28 =	sadd.s32 $0x700, s7;
	[sflag:s14] =	ssyncadd.s32 $0xFFFFF800;
	(pc) =	sbr.rel @p0 .LBB2_2-.Ltmp0, $4  }
0xda: {  	[tilespmem:s6], [sflag:$0x7] =	stream.indirect.gather [hbm4b:s5+s29], $0x10, s28, s29, $0xb8;
	[tilespmem:$0x1E480] =	vst v63  }
0xdb: {  	_ =	swait.ge [sflag:s15], $0x800  }
0xdc: {  	[sflag:s15] =	ssyncset.done $0x0  }
0xdd: {  	s7 =	sadd.s32 $0x780, s7;
	[sflag:s15] =	ssyncadd.s32 $0xFFFFF800  }
0xde: {  	[tilespmem:s8], [sflag:$0x8] =	stream.indirect.gather [hbm4b:s5+s29], $0x10, s7, s29, $0xb8;
	[tilespmem:$0x1E480] =	vst v63  }
0xdf: {  	_ =	swait.ge [sflag:s16], $0x800  }
0xe0: {  	[sflag:s16] =	ssyncset.done $0x0  }
0xe1: {  	s4 =	simm.s32 $0xC400;
	[sflag:s16] =	ssyncadd.s32 $0xFFFFF800  }
0xe2: {  	[spmem:s3] =	stream.indirect.scatter.add.f32 [tilespmem:s30], [sflag:$0x9], $0x10, s4, s29, $0xb8;
	[tilespmem:$0x1E480] =	vst v63  }
0xe3: {  	_ =	swait.ge [sflag:s17], $0x800  }
0xe4: {  	[sflag:s17] =	ssyncset.done $0x0  }
0xe5: {  	s7 =	simm.s32 $0xC480;
	[sflag:s17] =	ssyncadd.s32 $0xFFFFF800  }
0xe6: {  	[spmem:s3] =	stream.indirect.scatter.add.f32 [tilespmem:s31], [sflag:$0xA], $0x10, s7, s29, $0xb8;
	[tilespmem:$0x1E480] =	vst v63  }
0xe7: {  	_ =	swait.ge [sflag:s18], $0x800  }
0xe8: {  	[sflag:s18] =	ssyncset.done $0x0  }
0xe9: {  	s28 =	simm.s32 $0xC500;
	[sflag:s18] =	ssyncadd.s32 $0xFFFFF800  }
0xea: {  	[spmem:s3] =	stream.indirect.scatter.add.f32 [tilespmem:s0], [sflag:$0xB], $0x10, s28, s29, $0xb8;
	[tilespmem:$0x1E480] =	vst v63  }
0xeb: {  	_ =	swait.ge [sflag:s19], $0x800  }
0xec: {  	[sflag:s19] =	ssyncset.done $0x0  }
0xed: {  	s7 =	simm.s32 $0xC580;
	[sflag:s19] =	ssyncadd.s32 $0xFFFFF800  }
0xee: {  	[spmem:s3] =	stream.indirect.scatter.add.f32 [tilespmem:s26], [sflag:$0xC], $0x10, s7, s29, $0xb8;
	[tilespmem:$0x1E480] =	vst v63  }
0xef: {  	_ =	swait.ge [sflag:s20], $0x800  }
0xf0: {  	[sflag:s20] =	ssyncset.done $0x0  }
0xf1: {  	s28 =	simm.s32 $0xC600;
	[sflag:s20] =	ssyncadd.s32 $0xFFFFF800  }
0xf2: {  	[spmem:s3] =	stream.indirect.scatter.add.f32 [tilespmem:s2], [sflag:$0xD], $0x10, s28, s29, $0xb8;
	[tilespmem:$0x1E480] =	vst v63  }
0xf3: {  	_ =	swait.ge [sflag:s21], $0x800  }
0xf4: {  	[sflag:s21] =	ssyncset.done $0x0  }
0xf5: {  	s7 =	simm.s32 $0xC680;
	[sflag:s21] =	ssyncadd.s32 $0xFFFFF800  }
0xf6: {  	[spmem:s3] =	stream.indirect.scatter.add.f32 [tilespmem:s1], [sflag:$0xE], $0x10, s7, s29, $0xb8;
	[tilespmem:$0x1E480] =	vst v63  }
0xf7: {  	_ =	swait.ge [sflag:s22], $0x800  }
0xf8: {  	[sflag:s22] =	ssyncset.done $0x0  }
0xf9: {  	s28 =	simm.s32 $0xC700;
	[sflag:s22] =	ssyncadd.s32 $0xFFFFF800  }
0xfa: {  	[spmem:s3] =	stream.indirect.scatter.add.f32 [tilespmem:s6], [sflag:$0xF], $0x10, s28, s29, $0xb8;
	[tilespmem:$0x1E480] =	vst v63  }
0xfb: {  	_ =	swait.ge [sflag:s23], $0x800  }
0xfc: {  	[sflag:s23] =	ssyncset.done $0x0  }
0xfd: {  	s7 =	simm.s32 $0xC780;
	[sflag:s23] =	ssyncadd.s32 $0xFFFFF800  }
0xfe: {  	[spmem:s3] =	stream.indirect.scatter.add.f32 [tilespmem:s8], [sflag:$0x10], $0x10, s7, s29, $0xb8;
	[tilespmem:$0x1E480] =	vst v63  }
0xff: {  	_ =	swait.ge [sflag:s24], $0x800  }
0x100: {  	[sflag:s24] =	ssyncset.done $0x0  }
0x101: {  	[sflag:s24] =	ssyncadd.s32 $0xFFFFF800  }
0x102: {  	_ =	swait.ge [sflag:s9], $0x800  }
0x103: {  	[sflag:s9] =	ssyncset.done $0x0  }
0x104: {  	[sflag:s9] =	ssyncadd.s32 $0xFFFFF800  }
0x105: {  	_ =	swait.ge [sflag:s10], $0x800  }
0x106: {  	[sflag:s10] =	ssyncset.done $0x0  }
0x107: {  	[sflag:s10] =	ssyncadd.s32 $0xFFFFF800  }
0x108: {  	_ =	swait.ge [sflag:s11], $0x800  }
0x109: {  	[sflag:s11] =	ssyncset.done $0x0  }
0x10a: {  	[sflag:s11] =	ssyncadd.s32 $0xFFFFF800  }
0x10b: {  	_ =	swait.ge [sflag:s12], $0x800  }
0x10c: {  	[sflag:s12] =	ssyncset.done $0x0  }
0x10d: {  	[sflag:s12] =	ssyncadd.s32 $0xFFFFF800  }
0x10e: {  	_ =	swait.ge [sflag:s13], $0x800  }
0x10f: {  	[sflag:s13] =	ssyncset.done $0x0  }
0x110: {  	[sflag:s13] =	ssyncadd.s32 $0xFFFFF800  }
0x111: {  	_ =	swait.ge [sflag:s14], $0x800  }
0x112: {  	[sflag:s14] =	ssyncset.done $0x0  }
0x113: {  	[sflag:s14] =	ssyncadd.s32 $0xFFFFF800  }
0x114: {  	_ =	swait.ge [sflag:s15], $0x800  }
0x115: {  	[sflag:s15] =	ssyncset.done $0x0  }
0x116: {  	[sflag:s15] =	ssyncadd.s32 $0xFFFFF800  }
0x117: {  	[bflag:$0x0] =	sbarrier.arrive $0xFFFF  }
0x118: {  	s7 =	simm.s32 $0x10800;
	s28 =	rddreg [dreg:$0x5]  }
0x119: {  	[tilespmem:s7], [sflag:$0x11] =	stream.linear.gather [spmem:s28], $0x1880, $0x38;
	[tilespmem:$0x1E480] =	vst v63  }
0x11a: {  	_ =	swait.ge [sflag:s25], $0x1880  }
0x11b: {  	[sflag:s25] =	ssyncset.done $0x0  }
0x11c: {  	s28 =	simm.s32 $0x0;
	s4 =	rddreg [dreg:$0xe];
	[sflag:s25] =	ssyncadd.s32 $0xFFFFE780  }
0x11d: {  	[hbm4b:s4+s28] =	stream.linear.scatter [tilespmem:s7], [sflag:$0x11], $0x1880, $0x38;
	[tilespmem:$0x1E480] =	vst v63  }
0x11e: {  	_ =	swait.ge [sflag:s25], $0x1880  }
0x11f: {  	[sflag:s25] =	ssyncset.done $0x0  }
0x120: {  	s28 =	rddreg [dreg:$0x7];
	[sflag:s25] =	ssyncadd.s32 $0xFFFFE780  }
0x121: {  	[tilespmem:s7], [sflag:$0x11] =	stream.linear.gather [spmem:s28], $0x1880, $0x38;
	[tilespmem:$0x1E480] =	vst v63  }
0x122: {  	_ =	swait.ge [sflag:s25], $0x1880  }
0x123: {  	[sflag:s25] =	ssyncset.done $0x0  }
0x124: {  	s4 =	simm.s32 $0x0;
	s28 =	rddreg [dreg:$0xf];
	[sflag:s25] =	ssyncadd.s32 $0xFFFFE780  }
0x125: {  	[hbm4b:s28+s4] =	stream.linear.scatter [tilespmem:s7], [sflag:$0x11], $0x1880, $0x38;
	[tilespmem:$0x1E480] =	vst v63  }
0x126: {  	_ =	swait.ge [sflag:s25], $0x1880  }
0x127: {  	[sflag:s25] =	ssyncset.done $0x0  }
0x128: {  	s28 =	rddreg [dreg:$0x8];
	[sflag:s25] =	ssyncadd.s32 $0xFFFFE780  }
0x129: {  	[tilespmem:s7], [sflag:$0x11] =	stream.linear.gather [spmem:s28], $0x1880, $0x38;
	[tilespmem:$0x1E480] =	vst v63  }
0x12a: {  	_ =	swait.ge [sflag:s25], $0x1880  }
0x12b: {  	[sflag:s25] =	ssyncset.done $0x0  }
0x12c: {  	s28 =	simm.s32 $0x0;
	s4 =	rddreg [dreg:$0x10];
	[sflag:s25] =	ssyncadd.s32 $0xFFFFE780  }
0x12d: {  	[hbm4b:s4+s28] =	stream.linear.scatter [tilespmem:s7], [sflag:$0x11], $0x1880, $0x38;
	[tilespmem:$0x1E480] =	vst v63  }
0x12e: {  	_ =	swait.ge [sflag:s25], $0x1880  }
0x12f: {  	[sflag:s25] =	ssyncset.done $0x0  }
0x130: {  	s4 =	rddreg [dreg:$0x9];
	[sflag:s25] =	ssyncadd.s32 $0xFFFFE780  }
0x131: {  	[tilespmem:s7], [sflag:$0x11] =	stream.linear.gather [spmem:s4], $0x1880, $0x38;
	[tilespmem:$0x1E480] =	vst v63  }
0x132: {  	_ =	swait.ge [sflag:s25], $0x1880  }
0x133: {  	[sflag:s25] =	ssyncset.done $0x0  }
0x134: {  	s4 =	rddreg [dreg:$0x11];
	[sflag:s25] =	ssyncadd.s32 $0xFFFFE780  }
0x135: {  	[hbm4b:s4+s28] =	stream.linear.scatter [tilespmem:s7], [sflag:$0x11], $0x1880, $0x38;
	[tilespmem:$0x1E480] =	vst v63  }
0x136: {  	_ =	swait.ge [sflag:s25], $0x1880  }
0x137: {  	[sflag:s25] =	ssyncset.done $0x0  }
0x138: {  	s4 =	rddreg [dreg:$0xa];
	[sflag:s25] =	ssyncadd.s32 $0xFFFFE780  }
0x139: {  	[tilespmem:s7], [sflag:$0x11] =	stream.linear.gather [spmem:s4], $0x1880, $0x38;
	[tilespmem:$0x1E480] =	vst v63  }
0x13a: {  	_ =	swait.ge [sflag:s25], $0x1880  }
0x13b: {  	[sflag:s25] =	ssyncset.done $0x0  }
0x13c: {  	s4 =	rddreg [dreg:$0x12];
	[sflag:s25] =	ssyncadd.s32 $0xFFFFE780  }
0x13d: {  	[hbm4b:s4+s28] =	stream.linear.scatter [tilespmem:s7], [sflag:$0x11], $0x1880, $0x38;
	[tilespmem:$0x1E480] =	vst v63  }
0x13e: {  	_ =	swait.ge [sflag:s25], $0x1880  }
0x13f: {  	[sflag:s25] =	ssyncset.done $0x0  }
0x140: {  	s4 =	rddreg [dreg:$0xb];
	[sflag:s25] =	ssyncadd.s32 $0xFFFFE780  }
0x141: {  	[tilespmem:s7], [sflag:$0x11] =	stream.linear.gather [spmem:s4], $0x1880, $0x38;
	[tilespmem:$0x1E480] =	vst v63  }
0x142: {  	_ =	swait.ge [sflag:s25], $0x1880  }
0x143: {  	[sflag:s25] =	ssyncset.done $0x0  }
0x144: {  	s4 =	rddreg [dreg:$0x13];
	[sflag:s25] =	ssyncadd.s32 $0xFFFFE780  }
0x145: {  	[hbm4b:s4+s28] =	stream.linear.scatter [tilespmem:s7], [sflag:$0x11], $0x1880, $0x38;
	[tilespmem:$0x1E480] =	vst v63  }
0x146: {  	_ =	swait.ge [sflag:s25], $0x1880  }
0x147: {  	[sflag:s25] =	ssyncset.done $0x0  }
0x148: {  	s4 =	rddreg [dreg:$0xc];
	[sflag:s25] =	ssyncadd.s32 $0xFFFFE780  }
0x149: {  	[tilespmem:s7], [sflag:$0x11] =	stream.linear.gather [spmem:s4], $0x1880, $0x38;
	[tilespmem:$0x1E480] =	vst v63  }
0x14a: {  	_ =	swait.ge [sflag:s25], $0x1880  }
0x14b: {  	[sflag:s25] =	ssyncset.done $0x0  }
0x14c: {  	s4 =	rddreg [dreg:$0x14];
	[sflag:s25] =	ssyncadd.s32 $0xFFFFE780  }
0x14d: {  	[hbm4b:s4+s28] =	stream.linear.scatter [tilespmem:s7], [sflag:$0x11], $0x1880, $0x38;
	[tilespmem:$0x1E480] =	vst v63  }
0x14e: {  	_ =	swait.ge [sflag:s25], $0x1880  }
0x14f: {  	[sflag:s25] =	ssyncset.done $0x0  }
0x150: {  	s4 =	rddreg [dreg:$0xd];
	[sflag:s25] =	ssyncadd.s32 $0xFFFFE780  }
0x151: {  	[tilespmem:s7], [sflag:$0x11] =	stream.linear.gather [spmem:s4], $0x1880, $0x38;
	[tilespmem:$0x1E480] =	vst v63  }
0x152: {  	_ =	swait.ge [sflag:s25], $0x1880  }
0x153: {  	[sflag:s25] =	ssyncset.done $0x0  }
0x154: {  	s28 =	simm.s32 $0x0;
	s4 =	rddreg [dreg:$0x15];
	[sflag:s25] =	ssyncadd.s32 $0xFFFFE780  }
0x155: {  	[hbm4b:s4+s28] =	stream.linear.scatter [tilespmem:s7], [sflag:$0x11], $0x1880, $0x38;
	[tilespmem:$0x1E480] =	vst v63  }
0x156: {  	_ =	swait.ge [sflag:s25], $0x1880  }
0x157: {  	s4 =	rddreg [dreg:$0x17]  }
0x158: {  	s28 =	rddreg [dreg:$0x16];
	s7 =	sadd.s32 $0x1, s4  }
0x159: {  	p0 =	sne.s32 s7, s28  }
.Ltmp1:
0x15a: {  	_ = 	snop;
	(pc) =	sbr.rel @p0 .LBB2_1-.Ltmp1, $3  }
0x15b: {  	_ =	sdelay $0x1  }
0x15c: {  	[sflag:s25] =	ssyncset.done $0x0  }
0x15d: {  	[sflag:s25] =	ssyncadd.s32 $0xFFFFE780  }
0x15e: {  	_ =	sfence.sel $0x180000  }
0x15f: {  	[bflag:$0x0] =	sbarrier.arrive $0xFFFF  }
0x160: {  	_ =	strace $0x9000004A  }
0x161: {  	s0 =	stileid.u32;
	[bflag:$0x2] =	sbarrier.arrive $0xFFFF  }
0x162: {  	p0 =	sne.s32 s0, $0x0;
	s0 =	rddreg [dreg:$0x3]  }
0x163: {  	s0 =	sadd.s32 @!p0 $0x100000, s0  }
0x164: {  	[sflag:s0] =	ssyncadd.tile.s32 @!p0 $0x1;
	_ =	shalt  }
.Lfunc_end2:
_tile_overlayer_lowered:
.L_overlay_start_2:
0x165: {  	(tag) =	ssettag $0x2  }
0x166: {  	s0 =	rddreg [dreg:$0x0];
	s2 =	stileid.u32  }
0x167: {  	s1 =	rddreg [dreg:$0x1];
	p0 =	sne.s32 s2, $0x0  }
0x168: {  	s3 =	rddreg [dreg:$0x2];
	[bflag:$0x3] =	sbarrier.arrive $0xFFFF;
	s2 =	simm.s32 @!p0 $0x1C11  }
0x169: {  	[timem:s3], [sflag:s2] =	dma.local @!p0 [hbm:s0], s1  }
0x16a: {  	s0 =	simm.s32 @!p0 $0x11  }
0x16b: {  	_ =	swait.ge @!p0 [sflag:s0], s1  }
0x16c: {  	s1 =	ssub.s32 @!p0 $0x0, s1;
	[sflag:s0] =	ssyncset.done @!p0 $0x0  }
0x16d: {  	[sflag:s0] =	ssyncadd.s32 @!p0 s1  }
0x16e: {  	[bflag:$0x3] =	sbarrier.arrive $0xFFFF  }
0x16f: {  	_ =	shalt  }

</sc_bundles>
